<compile_context>
chip_gen: v7x
topology: tpu7x:2x2x1
jax: 0.10.2.dev20260603
libtpu: 0.0.44.dev20260713+nightly
codegen_flags: <defaults>
</compile_context>

<pallas_src>
import functools

import jax
import jax.numpy as jnp
from jax import lax
from jax.experimental import pallas as pl
from jax.experimental.pallas import tpu as pltpu
from jax.experimental.pallas import tpu_sc as plsc

N = 10000
E = 320000
D = 128
NC = 2
NS = 16
NW = NC * NS
EPW = E // NW
CH = 80
NCHUNK = EPW // CH
RPT_A = 632
RPT_LAST = N - 15 * RPT_A
RPT = N // NS
ZR = 125
LG = D // 16


def _spmm_body(h_hbm, ed_hbm, out_hbm,
               eb_v, rows_v, zbuf_v, acc_sh, sem_g, sem_i, sem_s):
    c = lax.axis_index("c")
    s = lax.axis_index("s")
    wid = c * NS + s

    zero16 = jnp.zeros((16,), jnp.float32)

    def zrow(i, carry):
        for j in range(LG):
            zbuf_v[i, pl.ds(j * 16, 16)] = zero16
        return carry

    lax.fori_loop(0, ZR, zrow, 0)

    def zcopy(k, carry):
        pltpu.sync_copy(zbuf_v, acc_sh.at[pl.ds(s * RPT + k * ZR, ZR), :])
        return carry

    lax.fori_loop(0, RPT // ZR, zcopy, 0)
    plsc.subcore_barrier()

    cbase = wid * NCHUNK

    def fire_idx(t, q):
        pltpu.async_copy(ed_hbm.at[cbase + t], eb_v.at[q], sem_i)

    def wait_idx(q):
        pltpu.make_async_copy(ed_hbm.at[0], eb_v.at[q], sem_i).wait()

    def fire_gather(t, p):
        pltpu.async_copy(h_hbm.at[eb_v.at[(t & 3), 0]], rows_v.at[p],
                         sem_g.at[p])

    def wait_gather(p):
        pltpu.make_async_copy(h_hbm.at[pl.ds(0, CH), :], rows_v.at[p],
                              sem_g.at[p]).wait()

    def fire_scatter(t, p):
        pltpu.async_copy(rows_v.at[p], acc_sh.at[eb_v.at[(t & 3), 1]],
                         sem_s, add=True)

    def wait_scatter():
        pltpu.make_async_copy(rows_v.at[0], acc_sh.at[pl.ds(0, CH), :],
                              sem_s).wait()

    pltpu.sync_copy(ed_hbm.at[cbase], eb_v.at[0])
    fire_gather(0, 0)
    fire_idx(1, 1)

    def chunk_body(t, carry):
        p = t & 1
        q = t & 3

        @pl.when(t + 1 < NCHUNK)
        def _prefetch():
            wait_idx((t + 1) & 3)

            @pl.when(t >= 1)
            def _():
                wait_scatter()

            fire_gather(t + 1, 1 - p)

        @pl.when(t + 2 < NCHUNK)
        def _():
            fire_idx(t + 2, (t + 2) & 3)

        wait_gather(p)

        def scale_row(g, cc):
            for i in range(8):
                r = g * 8 + i
                wb = plsc.bitcast(
                    plsc.load_gather(eb_v.at[q, 2],
                                     [jnp.full((16,), r, jnp.int32)]),
                    jnp.float32)
                for j in range(LG):
                    rows_v[p, r, pl.ds(j * 16, 16)] = (
                        rows_v[p, r, pl.ds(j * 16, 16)] * wb)
            return cc

        lax.fori_loop(0, CH // 8, scale_row, 0)
        fire_scatter(t, p)
        return carry

    lax.fori_loop(0, NCHUNK, chunk_body, 0)
    wait_scatter()
    wait_scatter()
    plsc.subcore_barrier()

    @pl.when(s < NS - 1)
    def _wr_main():
        off = pl.multiple_of(s * RPT_A, 8)
        pltpu.sync_copy(acc_sh.at[pl.ds(off, RPT_A), :],
                        out_hbm.at[c, pl.ds(off, RPT_A), :])

    @pl.when(s == NS - 1)
    def _wr_last():
        pltpu.sync_copy(acc_sh.at[pl.ds((NS - 1) * RPT_A, RPT_LAST), :],
                        out_hbm.at[c, pl.ds((NS - 1) * RPT_A, RPT_LAST), :])


def _spmm_partials(h, ed):
    mesh = plsc.VectorSubcoreMesh(core_axis_name="c", subcore_axis_name="s",
                                  num_cores=NC, num_subcores=NS)
    kfn = pl.kernel(
        _spmm_body,
        out_type=jax.ShapeDtypeStruct((NC, N, D), jnp.float32),
        mesh=mesh,
        scratch_types=[
            pltpu.VMEM((4, 3, CH), jnp.int32),
            pltpu.VMEM((2, CH, D), jnp.float32),
            pltpu.VMEM((ZR, D), jnp.float32),
            pltpu.VMEM_SHARED((N, D), jnp.float32),
            pltpu.SemaphoreType.DMA((2,)),
            pltpu.SemaphoreType.DMA,
            pltpu.SemaphoreType.DMA,
        ],
        compiler_params=pltpu.CompilerParams(needs_layout_passes=False),
    )
    return kfn(h, ed)


_BLK = 1000


def _mm1_body(x_ref, w_ref, o_ref):
    o_ref[...] = jnp.dot(x_ref[...], w_ref[...],
                         preferred_element_type=jnp.float32)


def _mm1(x, W1):
    return pl.pallas_call(
        _mm1_body,
        out_shape=jax.ShapeDtypeStruct((N, D), jnp.float32),
        grid=(N // _BLK,),
        in_specs=[pl.BlockSpec((_BLK, D), lambda i: (i, 0)),
                  pl.BlockSpec((D, D), lambda i: (0, 0))],
        out_specs=pl.BlockSpec((_BLK, D), lambda i: (i, 0)),
    )(x, W1)


def _mm2_body(p_ref, b_ref, w_ref, o_ref):
    h = p_ref[0] + p_ref[1] + b_ref[...]
    h = jnp.maximum(h, 0.0)
    o_ref[...] = jnp.dot(h, w_ref[...], preferred_element_type=jnp.float32)


def _relu_mm2(p, b1, W2):
    return pl.pallas_call(
        _mm2_body,
        out_shape=jax.ShapeDtypeStruct((N, D), jnp.float32),
        grid=(N // _BLK,),
        in_specs=[pl.BlockSpec((NC, _BLK, D), lambda i: (0, i, 0)),
                  pl.BlockSpec((1, D), lambda i: (0, 0)),
                  pl.BlockSpec((D, D), lambda i: (0, 0))],
        out_specs=pl.BlockSpec((_BLK, D), lambda i: (i, 0)),
    )(p, b1.reshape(1, D), W2)


def _lsm_body(p_ref, b_ref, o_ref):
    z = p_ref[0] + p_ref[1] + b_ref[...]
    m = jnp.max(z, axis=1, keepdims=True)
    e = jnp.exp(z - m)
    lse = jnp.log(jnp.sum(e, axis=1, keepdims=True)) + m
    o_ref[...] = z - lse


def _log_softmax(p, b2):
    return pl.pallas_call(
        _lsm_body,
        out_shape=jax.ShapeDtypeStruct((N, D), jnp.float32),
        grid=(N // _BLK,),
        in_specs=[pl.BlockSpec((NC, _BLK, D), lambda i: (0, i, 0)),
                  pl.BlockSpec((1, D), lambda i: (0, 0))],
        out_specs=pl.BlockSpec((_BLK, D), lambda i: (i, 0)),
    )(p, b2.reshape(1, D))


def kernel(x, edge_index, edge_weight, W1, b1, W2, b2):
    wbits = lax.bitcast_convert_type(edge_weight, jnp.int32)
    ed = jnp.stack([edge_index[0], edge_index[1], wbits], axis=0)
    ed = ed.reshape(3, E // CH, CH).transpose(1, 0, 2)
    h1 = _mm1(x, W1)
    p1 = _spmm_partials(h1, ed)
    h2 = _relu_mm2(p1, b1, W2)
    p2 = _spmm_partials(h2, ed)
    return _log_softmax(p2, b2)

# --- scband reference (transcript-rebuilt; emitter-appended) ---
"""Pipeline reference for scband-gcnv3-14448269984570 (READ-ONLY COPY).

The authoritative reference and input builder live on the scoring server;
editing this copy changes nothing except your own understanding.
"""

import jax, jax.numpy as jnp
import numpy as np

N = 10000
E = 320000
D_IN = 128
D_HID = 128
D_OUT = 128


def _xavier_uniform(key, fan_in, fan_out):
    limit = float(np.sqrt(6.0 / (fan_in + fan_out)))
    return jax.random.uniform(key, (fan_in, fan_out), jnp.float32, -limit, limit)


def setup_inputs(seed: int = 0) -> dict:
    key = jax.random.key(seed)
    ks = jax.random.split(key, 8)
    x = jax.random.normal(ks[0], (N, D_IN), dtype=jnp.float32)
    edge_index = jax.random.randint(ks[1], (2, E), 0, N)
    edge_weight = jax.random.uniform(ks[2], (E,), dtype=jnp.float32)
    W1 = _xavier_uniform(ks[3], D_IN, D_HID)
    b1 = jnp.zeros((D_HID,), dtype=jnp.float32)
    W2 = _xavier_uniform(ks[4], D_HID, D_OUT)
    b2 = jnp.zeros((D_OUT,), dtype=jnp.float32)
    return {"x": x, "edge_index": edge_index, "edge_weight": edge_weight,
            "W1": W1, "b1": b1, "W2": W2, "b2": b2}


def reference(x, edge_index, edge_weight, W1, b1, W2, b2):
    # Faithful translation of GCNV3.forward (eval mode: dropout is identity).
    src = edge_index[0]
    dst = edge_index[1]

    def spmm(h):
        # torch_sparse.matmul(adj, h): gather source rows, scale by edge weight,
        # scatter-add into destination rows.
        msgs = h[src] * edge_weight[:, None]
        return jax.ops.segment_sum(msgs, dst, num_segments=N)

    # Layer 1
    h = x @ W1
    h = spmm(h) + b1
    h = jax.nn.relu(h)
    # dropout skipped (training=False)
    # Layer 2
    h = h @ W2
    h = spmm(h) + b2
    return jax.nn.log_softmax(h, axis=1)

if __name__ == "__main__":
    import jax
    _d = setup_inputs()
    print(jax.jit(kernel)(*tuple(_d.values())))

</pallas_src>

<mosaic_0001>
#map = affine_map<(d0, d1) -> (0, 0)>
#map1 = affine_map<(d0, d1) -> (0, 0, 0)>
module attributes {stable_mosaic.version = 14 : i64} {
  func.func @_spmm_body(%arg0: i32, %arg1: i32, %arg2: memref<10000x128xf32, #tpu.memory_space<hbm>>, %arg3: memref<4000x3x80xi32, #tpu.memory_space<hbm>>, %arg4: memref<2x10000x128xf32, #tpu.memory_space<hbm>>, %arg5: memref<4x3x80xi32, #tpu.memory_space<vmem>>, %arg6: memref<2x80x128xf32, #tpu.memory_space<vmem>>, %arg7: memref<125x128xf32, #tpu.memory_space<vmem>>, %arg8: memref<10000x128xf32, #tpu.memory_space<vmem_shared>>, %arg9: memref<2x!tpu.dma_semaphore, #tpu.memory_space<semaphore_mem>>, %arg10: memref<!tpu.dma_semaphore, #tpu.memory_space<semaphore_mem>>, %arg11: memref<!tpu.dma_semaphore, #tpu.memory_space<semaphore_mem>>) attributes {dimension_semantics = [#tpu.dimension_semantics<core_parallel>, #tpu.dimension_semantics<subcore_parallel>], iteration_bounds = array<i64: 2, 16>, scalar_prefetch = 0 : i64, scratch_operands = 7 : i64, tpu.core_type = #tpu.core_type<sc_vector_subcore>, window_params = [{transform_indices = #map}, {transform_indices = #map1}, {transform_indices = #map1}]} {
    %mul3A = arith.constant 16 : i32
    %mul3A_0 = arith.muli %arg0, %mul3A : i32
    %add3A = arith.addi %mul3A_0, %arg1 : i32
    %broadcast_in_dim3A = arith.constant 0.000000e+00 : f32
    %broadcast_in_dim3A_1 = vector.broadcast %broadcast_in_dim3A : f32 to vector<16xf32>
    %scan3A = arith.constant 0 : i32
    %scan3A_2 = arith.constant 0 : i32
    %scan3A_3 = arith.constant 125 : i32
    %scan3A_4 = arith.addi %scan3A_2, %scan3A_3 : i32
    %scan3A_5 = arith.constant 1 : i32
    scf.for %scan3A_91 = %scan3A_2 to %scan3A_4 step %scan3A_5  : i32 {
      %swap3A = arith.index_cast %scan3A_91 : i32 to index
      %swap3A_92 = arith.constant 0 : index
      %swap3A_93 = tpu.vector_load %arg7[%swap3A, %swap3A_92] {strides = array<i32>} : memref<125x128xf32, #tpu.memory_space<vmem>>, vector<16xf32>,
      tpu.vector_store %arg7[%swap3A, %swap3A_92], %broadcast_in_dim3A_1 {strides = array<i32>} : memref<125x128xf32, #tpu.memory_space<vmem>>, vector<16xf32>,
      %swap3A_94 = arith.index_cast %scan3A_91 : i32 to index
      %swap3A_95 = arith.constant 16 : index
      %swap3A_96 = tpu.vector_load %arg7[%swap3A_94, %swap3A_95] {strides = array<i32>} : memref<125x128xf32, #tpu.memory_space<vmem>>, vector<16xf32>,
      tpu.vector_store %arg7[%swap3A_94, %swap3A_95], %broadcast_in_dim3A_1 {strides = array<i32>} : memref<125x128xf32, #tpu.memory_space<vmem>>, vector<16xf32>,
      %swap3A_97 = arith.index_cast %scan3A_91 : i32 to index
      %swap3A_98 = arith.constant 32 : index
      %swap3A_99 = tpu.vector_load %arg7[%swap3A_97, %swap3A_98] {strides = array<i32>} : memref<125x128xf32, #tpu.memory_space<vmem>>, vector<16xf32>,
      tpu.vector_store %arg7[%swap3A_97, %swap3A_98], %broadcast_in_dim3A_1 {strides = array<i32>} : memref<125x128xf32, #tpu.memory_space<vmem>>, vector<16xf32>,
      %swap3A_100 = arith.index_cast %scan3A_91 : i32 to index
      %swap3A_101 = arith.constant 48 : index
      %swap3A_102 = tpu.vector_load %arg7[%swap3A_100, %swap3A_101] {strides = array<i32>} : memref<125x128xf32, #tpu.memory_space<vmem>>, vector<16xf32>,
      tpu.vector_store %arg7[%swap3A_100, %swap3A_101], %broadcast_in_dim3A_1 {strides = array<i32>} : memref<125x128xf32, #tpu.memory_space<vmem>>, vector<16xf32>,
      %swap3A_103 = arith.index_cast %scan3A_91 : i32 to index
      %swap3A_104 = arith.constant 64 : index
      %swap3A_105 = tpu.vector_load %arg7[%swap3A_103, %swap3A_104] {strides = array<i32>} : memref<125x128xf32, #tpu.memory_space<vmem>>, vector<16xf32>,
      tpu.vector_store %arg7[%swap3A_103, %swap3A_104], %broadcast_in_dim3A_1 {strides = array<i32>} : memref<125x128xf32, #tpu.memory_space<vmem>>, vector<16xf32>,
      %swap3A_106 = arith.index_cast %scan3A_91 : i32 to index
      %swap3A_107 = arith.constant 80 : index
      %swap3A_108 = tpu.vector_load %arg7[%swap3A_106, %swap3A_107] {strides = array<i32>} : memref<125x128xf32, #tpu.memory_space<vmem>>, vector<16xf32>,
      tpu.vector_store %arg7[%swap3A_106, %swap3A_107], %broadcast_in_dim3A_1 {strides = array<i32>} : memref<125x128xf32, #tpu.memory_space<vmem>>, vector<16xf32>,
      %swap3A_109 = arith.index_cast %scan3A_91 : i32 to index
      %swap3A_110 = arith.constant 96 : index
      %swap3A_111 = tpu.vector_load %arg7[%swap3A_109, %swap3A_110] {strides = array<i32>} : memref<125x128xf32, #tpu.memory_space<vmem>>, vector<16xf32>,
      tpu.vector_store %arg7[%swap3A_109, %swap3A_110], %broadcast_in_dim3A_1 {strides = array<i32>} : memref<125x128xf32, #tpu.memory_space<vmem>>, vector<16xf32>,
      %swap3A_112 = arith.index_cast %scan3A_91 : i32 to index
      %swap3A_113 = arith.constant 112 : index
      %swap3A_114 = tpu.vector_load %arg7[%swap3A_112, %swap3A_113] {strides = array<i32>} : memref<125x128xf32, #tpu.memory_space<vmem>>, vector<16xf32>,
      tpu.vector_store %arg7[%swap3A_112, %swap3A_113], %broadcast_in_dim3A_1 {strides = array<i32>} : memref<125x128xf32, #tpu.memory_space<vmem>>, vector<16xf32>,
    }
    %scan3A_6 = arith.constant 125 : i32
    %scan3A_7 = arith.constant 0 : i32
    %scan3A_8 = arith.constant 0 : i32
    %scan3A_9 = arith.constant 5 : i32
    %scan3A_10 = arith.addi %scan3A_8, %scan3A_9 : i32
    %scan3A_11 = arith.constant 1 : i32
    scf.for %scan3A_91 = %scan3A_8 to %scan3A_10 step %scan3A_11  : i32 {
      %mul3A_92 = arith.constant 625 : i32
      %mul3A_93 = arith.muli %arg1, %mul3A_92 : i32
      %mul3A_94 = arith.constant 125 : i32
      %mul3A_95 = arith.muli %scan3A_91, %mul3A_94 : i32
      %add3A_96 = arith.addi %mul3A_93, %mul3A_95 : i32
      "tpu.region"() ({
        %run_scoped3A_97 = tpu.sem_alloc : memref<!tpu.dma_semaphore, #tpu.memory_space<semaphore_mem>>
        %dma_start3A_98 = arith.constant 0 : i32
        %dma_start3A_99 = tpu.memref_slice %arg8[%add3A_96, %dma_start3A_98] : memref<10000x128xf32, #tpu.memory_space<vmem_shared>> -> memref<125x128xf32, #tpu.memory_space<vmem_shared>>
        %dma_start3A_100 = arith.constant 0 : i32
        %dma_start3A_101 = tpu.memref_slice %arg8[%add3A_96, %dma_start3A_100] : memref<10000x128xf32, #tpu.memory_space<vmem_shared>> -> memref<125x128xf32, #tpu.memory_space<vmem_shared>>
        tpu.enqueue_dma source(%arg7 : memref<125x128xf32, #tpu.memory_space<vmem>>) target(%dma_start3A_101 : memref<125x128xf32, #tpu.memory_space<vmem_shared>>) target_semaphore(%run_scoped3A_97 : memref<!tpu.dma_semaphore, #tpu.memory_space<semaphore_mem>>)
        %dma_wait3A_102 = arith.constant 0 : i32
        %dma_wait3A_103 = tpu.memref_slice %arg8[%add3A_96, %dma_wait3A_102] : memref<10000x128xf32, #tpu.memory_space<vmem_shared>> -> memref<125x128xf32, #tpu.memory_space<vmem_shared>>
        %dma_wait3A_104 = arith.constant 0 : i32
        %dma_wait3A_105 = tpu.memref_slice %arg8[%add3A_96, %dma_wait3A_104] : memref<10000x128xf32, #tpu.memory_space<vmem_shared>> -> memref<125x128xf32, #tpu.memory_space<vmem_shared>>
        tpu.wait_dma2 semaphore(%run_scoped3A_97 : memref<!tpu.dma_semaphore, #tpu.memory_space<semaphore_mem>>) src(%arg7 : memref<125x128xf32, #tpu.memory_space<vmem>>) dst(%dma_wait3A_105 : memref<125x128xf32, #tpu.memory_space<vmem_shared>>)
        tpu.yield
      }) : () -> ()
    }
    %scan3A_12 = arith.constant 5 : i32
    %barrier3A = arith.constant 0 : index
    tpu.barrier barrier_id(%barrier3A)
    %mul3A_13 = arith.constant 125 : i32
    %mul3A_14 = arith.muli %add3A, %mul3A_13 : i32
    %run_scoped3A = arith.constant 0 : i32
    "tpu.region"() ({
      %run_scoped3A_91 = tpu.sem_alloc : memref<!tpu.dma_semaphore, #tpu.memory_space<semaphore_mem>>
      %dma_start3A_92 = arith.constant 0 : i32
      %dma_start3A_93 = arith.constant 0 : i32
      %dma_start3A_94 = tpu.memref_slice %arg5[%run_scoped3A, %dma_start3A_92, %dma_start3A_93] : memref<4x3x80xi32, #tpu.memory_space<vmem>> -> memref<1x3x80xi32, #tpu.memory_space<vmem>>
      %dma_start3A_95 = tpu.memref_squeeze %dma_start3A_94 : memref<1x3x80xi32, #tpu.memory_space<vmem>> -> memref<3x80xi32, #tpu.memory_space<vmem>>
      %dma_start3A_96 = arith.constant 0 : i32
      %dma_start3A_97 = arith.constant 0 : i32
      %dma_start3A_98 = tpu.memref_slice %arg3[%mul3A_14, %dma_start3A_96, %dma_start3A_97] : memref<4000x3x80xi32, #tpu.memory_space<hbm>> -> memref<1x3x80xi32, #tpu.memory_space<hbm>>
      %dma_start3A_99 = tpu.memref_squeeze %dma_start3A_98 : memref<1x3x80xi32, #tpu.memory_space<hbm>> -> memref<3x80xi32, #tpu.memory_space<hbm>>
      %dma_start3A_100 = arith.constant 0 : i32
      %dma_start3A_101 = arith.constant 0 : i32
      %dma_start3A_102 = tpu.memref_slice %arg5[%run_scoped3A, %dma_start3A_100, %dma_start3A_101] : memref<4x3x80xi32, #tpu.memory_space<vmem>> -> memref<1x3x80xi32, #tpu.memory_space<vmem>>
      %dma_start3A_103 = tpu.memref_squeeze %dma_start3A_102 : memref<1x3x80xi32, #tpu.memory_space<vmem>> -> memref<3x80xi32, #tpu.memory_space<vmem>>
      %dma_start3A_104 = arith.constant 0 : i32
      %dma_start3A_105 = arith.constant 0 : i32
      %dma_start3A_106 = tpu.memref_slice %arg3[%mul3A_14, %dma_start3A_104, %dma_start3A_105] : memref<4000x3x80xi32, #tpu.memory_space<hbm>> -> memref<1x3x80xi32, #tpu.memory_space<hbm>>
      %dma_start3A_107 = tpu.memref_squeeze %dma_start3A_106 : memref<1x3x80xi32, #tpu.memory_space<hbm>> -> memref<3x80xi32, #tpu.memory_space<hbm>>
      tpu.enqueue_dma source(%dma_start3A_107 : memref<3x80xi32, #tpu.memory_space<hbm>>) target(%dma_start3A_103 : memref<3x80xi32, #tpu.memory_space<vmem>>) target_semaphore(%run_scoped3A_91 : memref<!tpu.dma_semaphore, #tpu.memory_space<semaphore_mem>>)
      %dma_wait3A_108 = arith.constant 0 : i32
      %dma_wait3A_109 = arith.constant 0 : i32
      %dma_wait3A_110 = tpu.memref_slice %arg5[%run_scoped3A, %dma_wait3A_108, %dma_wait3A_109] : memref<4x3x80xi32, #tpu.memory_space<vmem>> -> memref<1x3x80xi32, #tpu.memory_space<vmem>>
      %dma_wait3A_111 = tpu.memref_squeeze %dma_wait3A_110 : memref<1x3x80xi32, #tpu.memory_space<vmem>> -> memref<3x80xi32, #tpu.memory_space<vmem>>
      %dma_wait3A_112 = arith.constant 0 : i32
      %dma_wait3A_113 = arith.constant 0 : i32
      %dma_wait3A_114 = tpu.memref_slice %arg3[%mul3A_14, %dma_wait3A_112, %dma_wait3A_113] : memref<4000x3x80xi32, #tpu.memory_space<hbm>> -> memref<1x3x80xi32, #tpu.memory_space<hbm>>
      %dma_wait3A_115 = tpu.memref_squeeze %dma_wait3A_114 : memref<1x3x80xi32, #tpu.memory_space<hbm>> -> memref<3x80xi32, #tpu.memory_space<hbm>>
      %dma_wait3A_116 = arith.constant 0 : i32
      %dma_wait3A_117 = arith.constant 0 : i32
      %dma_wait3A_118 = tpu.memref_slice %arg5[%run_scoped3A, %dma_wait3A_116, %dma_wait3A_117] : memref<4x3x80xi32, #tpu.memory_space<vmem>> -> memref<1x3x80xi32, #tpu.memory_space<vmem>>
      %dma_wait3A_119 = tpu.memref_squeeze %dma_wait3A_118 : memref<1x3x80xi32, #tpu.memory_space<vmem>> -> memref<3x80xi32, #tpu.memory_space<vmem>>
      %dma_wait3A_120 = arith.constant 0 : i32
      %dma_wait3A_121 = arith.constant 0 : i32
      %dma_wait3A_122 = tpu.memref_slice %arg3[%mul3A_14, %dma_wait3A_120, %dma_wait3A_121] : memref<4000x3x80xi32, #tpu.memory_space<hbm>> -> memref<1x3x80xi32, #tpu.memory_space<hbm>>
      %dma_wait3A_123 = tpu.memref_squeeze %dma_wait3A_122 : memref<1x3x80xi32, #tpu.memory_space<hbm>> -> memref<3x80xi32, #tpu.memory_space<hbm>>
      tpu.wait_dma2 semaphore(%run_scoped3A_91 : memref<!tpu.dma_semaphore, #tpu.memory_space<semaphore_mem>>) src(%dma_wait3A_123 : memref<3x80xi32, #tpu.memory_space<hbm>>) dst(%dma_wait3A_119 : memref<3x80xi32, #tpu.memory_space<vmem>>)
      tpu.yield
    }) : () -> ()
    %dma_start3A = arith.constant 0 : i32
    %dma_start3A_15 = arith.constant 0 : i32
    %dma_start3A_16 = arith.constant 0 : i32
    %dma_start3A_17 = arith.constant 0 : i32
    %dma_start3A_18 = arith.constant 0 : i32
    %dma_start3A_19 = arith.constant 0 : i32
    %dma_start3A_20 = tpu.memref_slice %arg6[%dma_start3A_16, %dma_start3A_18, %dma_start3A_19] : memref<2x80x128xf32, #tpu.memory_space<vmem>> -> memref<1x80x128xf32, #tpu.memory_space<vmem>>
    %dma_start3A_21 = tpu.memref_squeeze %dma_start3A_20 : memref<1x80x128xf32, #tpu.memory_space<vmem>> -> memref<80x128xf32, #tpu.memory_space<vmem>>
    %dma_start3A_22 = arith.constant 0 : i32
    %dma_start3A_23 = tpu.memref_slice %arg5[%dma_start3A, %dma_start3A_15, %dma_start3A_22] : memref<4x3x80xi32, #tpu.memory_space<vmem>> -> memref<1x1x80xi32, #tpu.memory_space<vmem>>
    %dma_start3A_24 = tpu.memref_squeeze %dma_start3A_23 : memref<1x1x80xi32, #tpu.memory_space<vmem>> -> memref<80xi32, #tpu.memory_space<vmem>>
    %dma_start3A_25 = arith.constant 0 : i32
    %dma_start3A_26 = arith.constant 0 : i32
    %dma_start3A_27 = tpu.memref_slice %arg2[%dma_start3A_25, %dma_start3A_26] : memref<10000x128xf32, #tpu.memory_space<hbm>> -> memref<10000x128xf32, #tpu.memory_space<hbm>>
    %dma_start3A_28 = tpu.memref_slice %arg9[%dma_start3A_17] : memref<2x!tpu.dma_semaphore, #tpu.memory_space<semaphore_mem>> -> memref<1x!tpu.dma_semaphore, #tpu.memory_space<semaphore_mem>>
    %dma_start3A_29 = tpu.memref_squeeze %dma_start3A_28 : memref<1x!tpu.dma_semaphore, #tpu.memory_space<semaphore_mem>> -> memref<!tpu.dma_semaphore, #tpu.memory_space<semaphore_mem>>
    tpu.enqueue_indirect_dma source(%dma_start3A_27 : memref<10000x128xf32, #tpu.memory_space<hbm>>) target(%dma_start3A_21 : memref<80x128xf32, #tpu.memory_space<vmem>>) offsets(%dma_start3A_24 : memref<80xi32, #tpu.memory_space<vmem>>) semaphore(%dma_start3A_29 : memref<!tpu.dma_semaphore, #tpu.memory_space<semaphore_mem>>)
    %add3A_30 = arith.constant 1 : i32
    %add3A_31 = arith.addi %mul3A_14, %add3A_30 : i32
    %dma_start3A_32 = arith.constant 1 : i32
    %dma_start3A_33 = arith.constant 0 : i32
    %dma_start3A_34 = arith.constant 0 : i32
    %dma_start3A_35 = tpu.memref_slice %arg5[%dma_start3A_32, %dma_start3A_33, %dma_start3A_34] : memref<4x3x80xi32, #tpu.memory_space<vmem>> -> memref<1x3x80xi32, #tpu.memory_space<vmem>>
    %dma_start3A_36 = tpu.memref_squeeze %dma_start3A_35 : memref<1x3x80xi32, #tpu.memory_space<vmem>> -> memref<3x80xi32, #tpu.memory_space<vmem>>
    %dma_start3A_37 = arith.constant 0 : i32
    %dma_start3A_38 = arith.constant 0 : i32
    %dma_start3A_39 = tpu.memref_slice %arg3[%add3A_31, %dma_start3A_37, %dma_start3A_38] : memref<4000x3x80xi32, #tpu.memory_space<hbm>> -> memref<1x3x80xi32, #tpu.memory_space<hbm>>
    %dma_start3A_40 = tpu.memref_squeeze %dma_start3A_39 : memref<1x3x80xi32, #tpu.memory_space<hbm>> -> memref<3x80xi32, #tpu.memory_space<hbm>>
    %dma_start3A_41 = arith.constant 0 : i32
    %dma_start3A_42 = arith.constant 0 : i32
    %dma_start3A_43 = tpu.memref_slice %arg5[%dma_start3A_32, %dma_start3A_41, %dma_start3A_42] : memref<4x3x80xi32, #tpu.memory_space<vmem>> -> memref<1x3x80xi32, #tpu.memory_space<vmem>>
    %dma_start3A_44 = tpu.memref_squeeze %dma_start3A_43 : memref<1x3x80xi32, #tpu.memory_space<vmem>> -> memref<3x80xi32, #tpu.memory_space<vmem>>
    %dma_start3A_45 = arith.constant 0 : i32
    %dma_start3A_46 = arith.constant 0 : i32
    %dma_start3A_47 = tpu.memref_slice %arg3[%add3A_31, %dma_start3A_45, %dma_start3A_46] : memref<4000x3x80xi32, #tpu.memory_space<hbm>> -> memref<1x3x80xi32, #tpu.memory_space<hbm>>
    %dma_start3A_48 = tpu.memref_squeeze %dma_start3A_47 : memref<1x3x80xi32, #tpu.memory_space<hbm>> -> memref<3x80xi32, #tpu.memory_space<hbm>>
    tpu.enqueue_dma source(%dma_start3A_48 : memref<3x80xi32, #tpu.memory_space<hbm>>) target(%dma_start3A_44 : memref<3x80xi32, #tpu.memory_space<vmem>>) target_semaphore(%arg10 : memref<!tpu.dma_semaphore, #tpu.memory_space<semaphore_mem>>)
    %scan3A_49 = arith.constant 0 : i32
    %scan3A_50 = arith.constant 0 : i32
    %scan3A_51 = arith.constant 125 : i32
    %scan3A_52 = arith.addi %scan3A_50, %scan3A_51 : i32
    %scan3A_53 = arith.constant 1 : i32
    scf.for %scan3A_91 = %scan3A_50 to %scan3A_52 step %scan3A_53  : i32 {
      %and3A = arith.constant 1 : i32
      %and3A_92 = arith.andi %scan3A_91, %and3A : i32
      %and3A_93 = arith.constant 3 : i32
      %and3A_94 = arith.andi %scan3A_91, %and3A_93 : i32
      %add3A_95 = arith.constant 1 : i32
      %add3A_96 = arith.addi %scan3A_91, %add3A_95 : i32
      %lt3A_97 = arith.constant 125 : i32
      %lt3A_98 = arith.cmpi slt, %add3A_96, %lt3A_97 : i32
      %convert_element_type3A_99 = arith.extui %lt3A_98 : i1 to i32
      %cond3A_100 = arith.constant 0 : i32
      %cond3A_101 = arith.cmpi ne, %convert_element_type3A_99, %cond3A_100 : i32
      scf.if %cond3A_101 {
        %add3A_144 = arith.constant 1 : i32
        %add3A_145 = arith.addi %scan3A_91, %add3A_144 : i32
        %and3A_146 = arith.constant 3 : i32
        %and3A_147 = arith.andi %add3A_145, %and3A_146 : i32
        %dma_wait3A_148 = arith.constant 0 : i32
        %dma_wait3A_149 = arith.constant 0 : i32
        %dma_wait3A_150 = arith.constant 0 : i32
        %dma_wait3A_151 = tpu.memref_slice %arg5[%and3A_147, %dma_wait3A_149, %dma_wait3A_150] : memref<4x3x80xi32, #tpu.memory_space<vmem>> -> memref<1x3x80xi32, #tpu.memory_space<vmem>>
        %dma_wait3A_152 = tpu.memref_squeeze %dma_wait3A_151 : memref<1x3x80xi32, #tpu.memory_space<vmem>> -> memref<3x80xi32, #tpu.memory_space<vmem>>
        %dma_wait3A_153 = arith.constant 0 : i32
        %dma_wait3A_154 = arith.constant 0 : i32
        %dma_wait3A_155 = tpu.memref_slice %arg3[%dma_wait3A_148, %dma_wait3A_153, %dma_wait3A_154] : memref<4000x3x80xi32, #tpu.memory_space<hbm>> -> memref<1x3x80xi32, #tpu.memory_space<hbm>>
        %dma_wait3A_156 = tpu.memref_squeeze %dma_wait3A_155 : memref<1x3x80xi32, #tpu.memory_space<hbm>> -> memref<3x80xi32, #tpu.memory_space<hbm>>
        %dma_wait3A_157 = arith.constant 0 : i32
        %dma_wait3A_158 = arith.constant 0 : i32
        %dma_wait3A_159 = tpu.memref_slice %arg5[%and3A_147, %dma_wait3A_157, %dma_wait3A_158] : memref<4x3x80xi32, #tpu.memory_space<vmem>> -> memref<1x3x80xi32, #tpu.memory_space<vmem>>
        %dma_wait3A_160 = tpu.memref_squeeze %dma_wait3A_159 : memref<1x3x80xi32, #tpu.memory_space<vmem>> -> memref<3x80xi32, #tpu.memory_space<vmem>>
        %dma_wait3A_161 = arith.constant 0 : i32
        %dma_wait3A_162 = arith.constant 0 : i32
        %dma_wait3A_163 = tpu.memref_slice %arg3[%dma_wait3A_148, %dma_wait3A_161, %dma_wait3A_162] : memref<4000x3x80xi32, #tpu.memory_space<hbm>> -> memref<1x3x80xi32, #tpu.memory_space<hbm>>
        %dma_wait3A_164 = tpu.memref_squeeze %dma_wait3A_163 : memref<1x3x80xi32, #tpu.memory_space<hbm>> -> memref<3x80xi32, #tpu.memory_space<hbm>>
        tpu.wait_dma2 semaphore(%arg10 : memref<!tpu.dma_semaphore, #tpu.memory_space<semaphore_mem>>) src(%dma_wait3A_164 : memref<3x80xi32, #tpu.memory_space<hbm>>) dst(%dma_wait3A_160 : memref<3x80xi32, #tpu.memory_space<vmem>>)
        %ge3A = arith.constant 1 : i32
        %ge3A_165 = arith.cmpi sge, %scan3A_91, %ge3A : i32
        %convert_element_type3A_166 = arith.extui %ge3A_165 : i1 to i32
        %cond3A_167 = arith.constant 0 : i32
        %cond3A_168 = arith.cmpi ne, %convert_element_type3A_166, %cond3A_167 : i32
        scf.if %cond3A_168 {
          %dma_wait3A_187 = arith.constant 0 : i32
          %dma_wait3A_188 = arith.constant 0 : i32
          %dma_wait3A_189 = arith.constant 0 : i32
          %dma_wait3A_190 = tpu.memref_slice %arg6[%dma_wait3A_187, %dma_wait3A_188, %dma_wait3A_189] : memref<2x80x128xf32, #tpu.memory_space<vmem>> -> memref<1x80x128xf32, #tpu.memory_space<vmem>>
          %dma_wait3A_191 = tpu.memref_squeeze %dma_wait3A_190 : memref<1x80x128xf32, #tpu.memory_space<vmem>> -> memref<80x128xf32, #tpu.memory_space<vmem>>
          %dma_wait3A_192 = arith.constant 0 : i32
          %dma_wait3A_193 = arith.constant 0 : i32
          %dma_wait3A_194 = tpu.memref_slice %arg8[%dma_wait3A_192, %dma_wait3A_193] : memref<10000x128xf32, #tpu.memory_space<vmem_shared>> -> memref<80x128xf32, #tpu.memory_space<vmem_shared>>
          %dma_wait3A_195 = arith.constant 0 : i32
          %dma_wait3A_196 = arith.constant 0 : i32
          %dma_wait3A_197 = tpu.memref_slice %arg8[%dma_wait3A_195, %dma_wait3A_196] : memref<10000x128xf32, #tpu.memory_space<vmem_shared>> -> memref<80x128xf32, #tpu.memory_space<vmem_shared>>
          %dma_wait3A_198 = arith.constant 0 : i32
          %dma_wait3A_199 = arith.constant 0 : i32
          %dma_wait3A_200 = tpu.memref_slice %arg6[%dma_wait3A_187, %dma_wait3A_198, %dma_wait3A_199] : memref<2x80x128xf32, #tpu.memory_space<vmem>> -> memref<1x80x128xf32, #tpu.memory_space<vmem>>
          %dma_wait3A_201 = tpu.memref_squeeze %dma_wait3A_200 : memref<1x80x128xf32, #tpu.memory_space<vmem>> -> memref<80x128xf32, #tpu.memory_space<vmem>>
          tpu.wait_dma2 semaphore(%arg11 : memref<!tpu.dma_semaphore, #tpu.memory_space<semaphore_mem>>) src(%dma_wait3A_201 : memref<80x128xf32, #tpu.memory_space<vmem>>) dst(%dma_wait3A_197 : memref<80x128xf32, #tpu.memory_space<vmem_shared>>)
        } else {
        }
        %add3A_169 = arith.constant 1 : i32
        %add3A_170 = arith.addi %scan3A_91, %add3A_169 : i32
        %sub3A = arith.constant 1 : i32
        %sub3A_171 = arith.subi %sub3A, %and3A_92 : i32
        %and3A_172 = arith.constant 3 : i32
        %and3A_173 = arith.andi %add3A_170, %and3A_172 : i32
        %dma_start3A_174 = arith.constant 0 : i32
        %dma_start3A_175 = arith.constant 0 : i32
        %dma_start3A_176 = arith.constant 0 : i32
        %dma_start3A_177 = tpu.memref_slice %arg6[%sub3A_171, %dma_start3A_175, %dma_start3A_176] : memref<2x80x128xf32, #tpu.memory_space<vmem>> -> memref<1x80x128xf32, #tpu.memory_space<vmem>>
        %dma_start3A_178 = tpu.memref_squeeze %dma_start3A_177 : memref<1x80x128xf32, #tpu.memory_space<vmem>> -> memref<80x128xf32, #tpu.memory_space<vmem>>
        %dma_start3A_179 = arith.constant 0 : i32
        %dma_start3A_180 = tpu.memref_slice %arg5[%and3A_173, %dma_start3A_174, %dma_start3A_179] : memref<4x3x80xi32, #tpu.memory_space<vmem>> -> memref<1x1x80xi32, #tpu.memory_space<vmem>>
        %dma_start3A_181 = tpu.memref_squeeze %dma_start3A_180 : memref<1x1x80xi32, #tpu.memory_space<vmem>> -> memref<80xi32, #tpu.memory_space<vmem>>
        %dma_start3A_182 = arith.constant 0 : i32
        %dma_start3A_183 = arith.constant 0 : i32
        %dma_start3A_184 = tpu.memref_slice %arg2[%dma_start3A_182, %dma_start3A_183] : memref<10000x128xf32, #tpu.memory_space<hbm>> -> memref<10000x128xf32, #tpu.memory_space<hbm>>
        %dma_start3A_185 = tpu.memref_slice %arg9[%sub3A_171] : memref<2x!tpu.dma_semaphore, #tpu.memory_space<semaphore_mem>> -> memref<1x!tpu.dma_semaphore, #tpu.memory_space<semaphore_mem>>
        %dma_start3A_186 = tpu.memref_squeeze %dma_start3A_185 : memref<1x!tpu.dma_semaphore, #tpu.memory_space<semaphore_mem>> -> memref<!tpu.dma_semaphore, #tpu.memory_space<semaphore_mem>>
        tpu.enqueue_indirect_dma source(%dma_start3A_184 : memref<10000x128xf32, #tpu.memory_space<hbm>>) target(%dma_start3A_178 : memref<80x128xf32, #tpu.memory_space<vmem>>) offsets(%dma_start3A_181 : memref<80xi32, #tpu.memory_space<vmem>>) semaphore(%dma_start3A_186 : memref<!tpu.dma_semaphore, #tpu.memory_space<semaphore_mem>>)
      } else {
      }
      %add3A_102 = arith.constant 2 : i32
      %add3A_103 = arith.addi %scan3A_91, %add3A_102 : i32
      %lt3A_104 = arith.constant 125 : i32
      %lt3A_105 = arith.cmpi slt, %add3A_103, %lt3A_104 : i32
      %convert_element_type3A_106 = arith.extui %lt3A_105 : i1 to i32
      %cond3A_107 = arith.constant 0 : i32
      %cond3A_108 = arith.cmpi ne, %convert_element_type3A_106, %cond3A_107 : i32
      scf.if %cond3A_108 {
        %add3A_144 = arith.constant 2 : i32
        %add3A_145 = arith.addi %scan3A_91, %add3A_144 : i32
        %add3A_146 = arith.constant 2 : i32
        %add3A_147 = arith.addi %scan3A_91, %add3A_146 : i32
        %and3A_148 = arith.constant 3 : i32
        %and3A_149 = arith.andi %add3A_147, %and3A_148 : i32
        %add3A_150 = arith.addi %mul3A_14, %add3A_145 : i32
        %dma_start3A_151 = arith.constant 0 : i32
        %dma_start3A_152 = arith.constant 0 : i32
        %dma_start3A_153 = tpu.memref_slice %arg5[%and3A_149, %dma_start3A_151, %dma_start3A_152] : memref<4x3x80xi32, #tpu.memory_space<vmem>> -> memref<1x3x80xi32, #tpu.memory_space<vmem>>
        %dma_start3A_154 = tpu.memref_squeeze %dma_start3A_153 : memref<1x3x80xi32, #tpu.memory_space<vmem>> -> memref<3x80xi32, #tpu.memory_space<vmem>>
        %dma_start3A_155 = arith.constant 0 : i32
        %dma_start3A_156 = arith.constant 0 : i32
        %dma_start3A_157 = tpu.memref_slice %arg3[%add3A_150, %dma_start3A_155, %dma_start3A_156] : memref<4000x3x80xi32, #tpu.memory_space<hbm>> -> memref<1x3x80xi32, #tpu.memory_space<hbm>>
        %dma_start3A_158 = tpu.memref_squeeze %dma_start3A_157 : memref<1x3x80xi32, #tpu.memory_space<hbm>> -> memref<3x80xi32, #tpu.memory_space<hbm>>
        %dma_start3A_159 = arith.constant 0 : i32
        %dma_start3A_160 = arith.constant 0 : i32
        %dma_start3A_161 = tpu.memref_slice %arg5[%and3A_149, %dma_start3A_159, %dma_start3A_160] : memref<4x3x80xi32, #tpu.memory_space<vmem>> -> memref<1x3x80xi32, #tpu.memory_space<vmem>>
        %dma_start3A_162 = tpu.memref_squeeze %dma_start3A_161 : memref<1x3x80xi32, #tpu.memory_space<vmem>> -> memref<3x80xi32, #tpu.memory_space<vmem>>
        %dma_start3A_163 = arith.constant 0 : i32
        %dma_start3A_164 = arith.constant 0 : i32
        %dma_start3A_165 = tpu.memref_slice %arg3[%add3A_150, %dma_start3A_163, %dma_start3A_164] : memref<4000x3x80xi32, #tpu.memory_space<hbm>> -> memref<1x3x80xi32, #tpu.memory_space<hbm>>
        %dma_start3A_166 = tpu.memref_squeeze %dma_start3A_165 : memref<1x3x80xi32, #tpu.memory_space<hbm>> -> memref<3x80xi32, #tpu.memory_space<hbm>>
        tpu.enqueue_dma source(%dma_start3A_166 : memref<3x80xi32, #tpu.memory_space<hbm>>) target(%dma_start3A_162 : memref<3x80xi32, #tpu.memory_space<vmem>>) target_semaphore(%arg10 : memref<!tpu.dma_semaphore, #tpu.memory_space<semaphore_mem>>)
      } else {
      }
      %dma_wait3A_109 = arith.constant 0 : i32
      %dma_wait3A_110 = arith.constant 0 : i32
      %dma_wait3A_111 = tpu.memref_slice %arg6[%and3A_92, %dma_wait3A_109, %dma_wait3A_110] : memref<2x80x128xf32, #tpu.memory_space<vmem>> -> memref<1x80x128xf32, #tpu.memory_space<vmem>>
      %dma_wait3A_112 = tpu.memref_squeeze %dma_wait3A_111 : memref<1x80x128xf32, #tpu.memory_space<vmem>> -> memref<80x128xf32, #tpu.memory_space<vmem>>
      %dma_wait3A_113 = arith.constant 0 : i32
      %dma_wait3A_114 = arith.constant 0 : i32
      %dma_wait3A_115 = tpu.memref_slice %arg2[%dma_wait3A_113, %dma_wait3A_114] : memref<10000x128xf32, #tpu.memory_space<hbm>> -> memref<80x128xf32, #tpu.memory_space<hbm>>
      %dma_wait3A_116 = tpu.memref_slice %arg9[%and3A_92] : memref<2x!tpu.dma_semaphore, #tpu.memory_space<semaphore_mem>> -> memref<1x!tpu.dma_semaphore, #tpu.memory_space<semaphore_mem>>
      %dma_wait3A_117 = tpu.memref_squeeze %dma_wait3A_116 : memref<1x!tpu.dma_semaphore, #tpu.memory_space<semaphore_mem>> -> memref<!tpu.dma_semaphore, #tpu.memory_space<semaphore_mem>>
      %dma_wait3A_118 = arith.constant 0 : i32
      %dma_wait3A_119 = arith.constant 0 : i32
      %dma_wait3A_120 = tpu.memref_slice %arg6[%and3A_92, %dma_wait3A_118, %dma_wait3A_119] : memref<2x80x128xf32, #tpu.memory_space<vmem>> -> memref<1x80x128xf32, #tpu.memory_space<vmem>>
      %dma_wait3A_121 = tpu.memref_squeeze %dma_wait3A_120 : memref<1x80x128xf32, #tpu.memory_space<vmem>> -> memref<80x128xf32, #tpu.memory_space<vmem>>
      %dma_wait3A_122 = arith.constant 0 : i32
      %dma_wait3A_123 = arith.constant 0 : i32
      %dma_wait3A_124 = tpu.memref_slice %arg2[%dma_wait3A_122, %dma_wait3A_123] : memref<10000x128xf32, #tpu.memory_space<hbm>> -> memref<80x128xf32, #tpu.memory_space<hbm>>
      tpu.wait_dma2 semaphore(%dma_wait3A_117 : memref<!tpu.dma_semaphore, #tpu.memory_space<semaphore_mem>>) src(%dma_wait3A_124 : memref<80x128xf32, #tpu.memory_space<hbm>>) dst(%dma_wait3A_121 : memref<80x128xf32, #tpu.memory_space<vmem>>)
      %scan3A_125 = arith.constant 0 : i32
      %scan3A_126 = arith.constant 0 : i32
      %scan3A_127 = arith.constant 10 : i32
      %scan3A_128 = arith.addi %scan3A_126, %scan3A_127 : i32
      %scan3A_129 = arith.constant 1 : i32
      scf.for %scan3A_144 = %scan3A_126 to %scan3A_128 step %scan3A_129  : i32 {
        %mul3A_145 = arith.constant 8 : i32
        %mul3A_146 = arith.muli %scan3A_144, %mul3A_145 : i32
        %add3A_147 = arith.constant 0 : i32
        %add3A_148 = arith.addi %mul3A_146, %add3A_147 : i32
        %broadcast_in_dim3A_149 = vector.broadcast %add3A_148 : i32 to vector<16xi32>
        %gather3A = arith.constant 2 : i32
        %gather3A_150 = arith.constant 0 : i32
        %gather3A_151 = tpu.memref_slice %arg5[%and3A_94, %gather3A, %gather3A_150] : memref<4x3x80xi32, #tpu.memory_space<vmem>> -> memref<1x1x80xi32, #tpu.memory_space<vmem>>
        %gather3A_152 = tpu.memref_squeeze %gather3A_151 : memref<1x1x80xi32, #tpu.memory_space<vmem>> -> memref<80xi32, #tpu.memory_space<vmem>>
        %gather3A_153 = tpu.vector_load_idx %gather3A_152[%broadcast_in_dim3A_149] : memref<80xi32, #tpu.memory_space<vmem>>[vector<16xi32>], vector<16xi32>,
        %bitcast3A = vector.bitcast %gather3A_153 : vector<16xi32> to vector<16xf32>
        %get3A = arith.index_cast %and3A_92 : i32 to index
        %get3A_154 = arith.index_cast %add3A_148 : i32 to index
        %get3A_155 = arith.constant 0 : index
        %get3A_156 = tpu.vector_load %arg6[%get3A, %get3A_154, %get3A_155] {strides = array<i32>} : memref<2x80x128xf32, #tpu.memory_space<vmem>>, vector<16xf32>,
        %mul3A_157 = arith.mulf %get3A_156, %bitcast3A : vector<16xf32>
        %swap3A = arith.index_cast %and3A_92 : i32 to index
        %swap3A_158 = arith.index_cast %add3A_148 : i32 to index
        %swap3A_159 = arith.constant 0 : index
        %swap3A_160 = tpu.vector_load %arg6[%swap3A, %swap3A_158, %swap3A_159] {strides = array<i32>} : memref<2x80x128xf32, #tpu.memory_space<vmem>>, vector<16xf32>,
        tpu.vector_store %arg6[%swap3A, %swap3A_158, %swap3A_159], %mul3A_157 {strides = array<i32>} : memref<2x80x128xf32, #tpu.memory_space<vmem>>, vector<16xf32>,
        %get3A_161 = arith.index_cast %and3A_92 : i32 to index
        %get3A_162 = arith.index_cast %add3A_148 : i32 to index
        %get3A_163 = arith.constant 16 : index
        %get3A_164 = tpu.vector_load %arg6[%get3A_161, %get3A_162, %get3A_163] {strides = array<i32>} : memref<2x80x128xf32, #tpu.memory_space<vmem>>, vector<16xf32>,
        %mul3A_165 = arith.mulf %get3A_164, %bitcast3A : vector<16xf32>
        %swap3A_166 = arith.index_cast %and3A_92 : i32 to index
        %swap3A_167 = arith.index_cast %add3A_148 : i32 to index
        %swap3A_168 = arith.constant 16 : index
        %swap3A_169 = tpu.vector_load %arg6[%swap3A_166, %swap3A_167, %swap3A_168] {strides = array<i32>} : memref<2x80x128xf32, #tpu.memory_space<vmem>>, vector<16xf32>,
        tpu.vector_store %arg6[%swap3A_166, %swap3A_167, %swap3A_168], %mul3A_165 {strides = array<i32>} : memref<2x80x128xf32, #tpu.memory_space<vmem>>, vector<16xf32>,
        %get3A_170 = arith.index_cast %and3A_92 : i32 to index
        %get3A_171 = arith.index_cast %add3A_148 : i32 to index
        %get3A_172 = arith.constant 32 : index
        %get3A_173 = tpu.vector_load %arg6[%get3A_170, %get3A_171, %get3A_172] {strides = array<i32>} : memref<2x80x128xf32, #tpu.memory_space<vmem>>, vector<16xf32>,
        %mul3A_174 = arith.mulf %get3A_173, %bitcast3A : vector<16xf32>
        %swap3A_175 = arith.index_cast %and3A_92 : i32 to index
        %swap3A_176 = arith.index_cast %add3A_148 : i32 to index
        %swap3A_177 = arith.constant 32 : index
        %swap3A_178 = tpu.vector_load %arg6[%swap3A_175, %swap3A_176, %swap3A_177] {strides = array<i32>} : memref<2x80x128xf32, #tpu.memory_space<vmem>>, vector<16xf32>,
        tpu.vector_store %arg6[%swap3A_175, %swap3A_176, %swap3A_177], %mul3A_174 {strides = array<i32>} : memref<2x80x128xf32, #tpu.memory_space<vmem>>, vector<16xf32>,
        %get3A_179 = arith.index_cast %and3A_92 : i32 to index
        %get3A_180 = arith.index_cast %add3A_148 : i32 to index
        %get3A_181 = arith.constant 48 : index
        %get3A_182 = tpu.vector_load %arg6[%get3A_179, %get3A_180, %get3A_181] {strides = array<i32>} : memref<2x80x128xf32, #tpu.memory_space<vmem>>, vector<16xf32>,
        %mul3A_183 = arith.mulf %get3A_182, %bitcast3A : vector<16xf32>
        %swap3A_184 = arith.index_cast %and3A_92 : i32 to index
        %swap3A_185 = arith.index_cast %add3A_148 : i32 to index
        %swap3A_186 = arith.constant 48 : index
        %swap3A_187 = tpu.vector_load %arg6[%swap3A_184, %swap3A_185, %swap3A_186] {strides = array<i32>} : memref<2x80x128xf32, #tpu.memory_space<vmem>>, vector<16xf32>,
        tpu.vector_store %arg6[%swap3A_184, %swap3A_185, %swap3A_186], %mul3A_183 {strides = array<i32>} : memref<2x80x128xf32, #tpu.memory_space<vmem>>, vector<16xf32>,
        %get3A_188 = arith.index_cast %and3A_92 : i32 to index
        %get3A_189 = arith.index_cast %add3A_148 : i32 to index
        %get3A_190 = arith.constant 64 : index
        %get3A_191 = tpu.vector_load %arg6[%get3A_188, %get3A_189, %get3A_190] {strides = array<i32>} : memref<2x80x128xf32, #tpu.memory_space<vmem>>, vector<16xf32>,
        %mul3A_192 = arith.mulf %get3A_191, %bitcast3A : vector<16xf32>
        %swap3A_193 = arith.index_cast %and3A_92 : i32 to index
        %swap3A_194 = arith.index_cast %add3A_148 : i32 to index
        %swap3A_195 = arith.constant 64 : index
        %swap3A_196 = tpu.vector_load %arg6[%swap3A_193, %swap3A_194, %swap3A_195] {strides = array<i32>} : memref<2x80x128xf32, #tpu.memory_space<vmem>>, vector<16xf32>,
        tpu.vector_store %arg6[%swap3A_193, %swap3A_194, %swap3A_195], %mul3A_192 {strides = array<i32>} : memref<2x80x128xf32, #tpu.memory_space<vmem>>, vector<16xf32>,
        %get3A_197 = arith.index_cast %and3A_92 : i32 to index
        %get3A_198 = arith.index_cast %add3A_148 : i32 to index
        %get3A_199 = arith.constant 80 : index
        %get3A_200 = tpu.vector_load %arg6[%get3A_197, %get3A_198, %get3A_199] {strides = array<i32>} : memref<2x80x128xf32, #tpu.memory_space<vmem>>, vector<16xf32>,
        %mul3A_201 = arith.mulf %get3A_200, %bitcast3A : vector<16xf32>
        %swap3A_202 = arith.index_cast %and3A_92 : i32 to index
        %swap3A_203 = arith.index_cast %add3A_148 : i32 to index
        %swap3A_204 = arith.constant 80 : index
        %swap3A_205 = tpu.vector_load %arg6[%swap3A_202, %swap3A_203, %swap3A_204] {strides = array<i32>} : memref<2x80x128xf32, #tpu.memory_space<vmem>>, vector<16xf32>,
        tpu.vector_store %arg6[%swap3A_202, %swap3A_203, %swap3A_204], %mul3A_201 {strides = array<i32>} : memref<2x80x128xf32, #tpu.memory_space<vmem>>, vector<16xf32>,
        %get3A_206 = arith.index_cast %and3A_92 : i32 to index
        %get3A_207 = arith.index_cast %add3A_148 : i32 to index
        %get3A_208 = arith.constant 96 : index
        %get3A_209 = tpu.vector_load %arg6[%get3A_206, %get3A_207, %get3A_208] {strides = array<i32>} : memref<2x80x128xf32, #tpu.memory_space<vmem>>, vector<16xf32>,
        %mul3A_210 = arith.mulf %get3A_209, %bitcast3A : vector<16xf32>
        %swap3A_211 = arith.index_cast %and3A_92 : i32 to index
        %swap3A_212 = arith.index_cast %add3A_148 : i32 to index
        %swap3A_213 = arith.constant 96 : index
        %swap3A_214 = tpu.vector_load %arg6[%swap3A_211, %swap3A_212, %swap3A_213] {strides = array<i32>} : memref<2x80x128xf32, #tpu.memory_space<vmem>>, vector<16xf32>,
        tpu.vector_store %arg6[%swap3A_211, %swap3A_212, %swap3A_213], %mul3A_210 {strides = array<i32>} : memref<2x80x128xf32, #tpu.memory_space<vmem>>, vector<16xf32>,
        %get3A_215 = arith.index_cast %and3A_92 : i32 to index
        %get3A_216 = arith.index_cast %add3A_148 : i32 to index
        %get3A_217 = arith.constant 112 : index
        %get3A_218 = tpu.vector_load %arg6[%get3A_215, %get3A_216, %get3A_217] {strides = array<i32>} : memref<2x80x128xf32, #tpu.memory_space<vmem>>, vector<16xf32>,
        %mul3A_219 = arith.mulf %get3A_218, %bitcast3A : vector<16xf32>
        %swap3A_220 = arith.index_cast %and3A_92 : i32 to index
        %swap3A_221 = arith.index_cast %add3A_148 : i32 to index
        %swap3A_222 = arith.constant 112 : index
        %swap3A_223 = tpu.vector_load %arg6[%swap3A_220, %swap3A_221, %swap3A_222] {strides = array<i32>} : memref<2x80x128xf32, #tpu.memory_space<vmem>>, vector<16xf32>,
        tpu.vector_store %arg6[%swap3A_220, %swap3A_221, %swap3A_222], %mul3A_219 {strides = array<i32>} : memref<2x80x128xf32, #tpu.memory_space<vmem>>, vector<16xf32>,
        %mul3A_224 = arith.constant 8 : i32
        %mul3A_225 = arith.muli %scan3A_144, %mul3A_224 : i32
        %add3A_226 = arith.constant 1 : i32
        %add3A_227 = arith.addi %mul3A_225, %add3A_226 : i32
        %broadcast_in_dim3A_228 = vector.broadcast %add3A_227 : i32 to vector<16xi32>
        %gather3A_229 = arith.constant 2 : i32
        %gather3A_230 = arith.constant 0 : i32
        %gather3A_231 = tpu.memref_slice %arg5[%and3A_94, %gather3A_229, %gather3A_230] : memref<4x3x80xi32, #tpu.memory_space<vmem>> -> memref<1x1x80xi32, #tpu.memory_space<vmem>>
        %gather3A_232 = tpu.memref_squeeze %gather3A_231 : memref<1x1x80xi32, #tpu.memory_space<vmem>> -> memref<80xi32, #tpu.memory_space<vmem>>
        %gather3A_233 = tpu.vector_load_idx %gather3A_232[%broadcast_in_dim3A_228] : memref<80xi32, #tpu.memory_space<vmem>>[vector<16xi32>], vector<16xi32>,
        %bitcast3A_234 = vector.bitcast %gather3A_233 : vector<16xi32> to vector<16xf32>
        %get3A_235 = arith.index_cast %and3A_92 : i32 to index
        %get3A_236 = arith.index_cast %add3A_227 : i32 to index
        %get3A_237 = arith.constant 0 : index
        %get3A_238 = tpu.vector_load %arg6[%get3A_235, %get3A_236, %get3A_237] {strides = array<i32>} : memref<2x80x128xf32, #tpu.memory_space<vmem>>, vector<16xf32>,
        %mul3A_239 = arith.mulf %get3A_238, %bitcast3A_234 : vector<16xf32>
        %swap3A_240 = arith.index_cast %and3A_92 : i32 to index
        %swap3A_241 = arith.index_cast %add3A_227 : i32 to index
        %swap3A_242 = arith.constant 0 : index
        %swap3A_243 = tpu.vector_load %arg6[%swap3A_240, %swap3A_241, %swap3A_242] {strides = array<i32>} : memref<2x80x128xf32, #tpu.memory_space<vmem>>, vector<16xf32>,
        tpu.vector_store %arg6[%swap3A_240, %swap3A_241, %swap3A_242], %mul3A_239 {strides = array<i32>} : memref<2x80x128xf32, #tpu.memory_space<vmem>>, vector<16xf32>,
        %get3A_244 = arith.index_cast %and3A_92 : i32 to index
        %get3A_245 = arith.index_cast %add3A_227 : i32 to index
        %get3A_246 = arith.constant 16 : index
        %get3A_247 = tpu.vector_load %arg6[%get3A_244, %get3A_245, %get3A_246] {strides = array<i32>} : memref<2x80x128xf32, #tpu.memory_space<vmem>>, vector<16xf32>,
        %mul3A_248 = arith.mulf %get3A_247, %bitcast3A_234 : vector<16xf32>
        %swap3A_249 = arith.index_cast %and3A_92 : i32 to index
        %swap3A_250 = arith.index_cast %add3A_227 : i32 to index
        %swap3A_251 = arith.constant 16 : index
        %swap3A_252 = tpu.vector_load %arg6[%swap3A_249, %swap3A_250, %swap3A_251] {strides = array<i32>} : memref<2x80x128xf32, #tpu.memory_space<vmem>>, vector<16xf32>,
        tpu.vector_store %arg6[%swap3A_249, %swap3A_250, %swap3A_251], %mul3A_248 {strides = array<i32>} : memref<2x80x128xf32, #tpu.memory_space<vmem>>, vector<16xf32>,
        %get3A_253 = arith.index_cast %and3A_92 : i32 to index
        %get3A_254 = arith.index_cast %add3A_227 : i32 to index
        %get3A_255 = arith.constant 32 : index
        %get3A_256 = tpu.vector_load %arg6[%get3A_253, %get3A_254, %get3A_255] {strides = array<i32>} : memref<2x80x128xf32, #tpu.memory_space<vmem>>, vector<16xf32>,
        %mul3A_257 = arith.mulf %get3A_256, %bitcast3A_234 : vector<16xf32>
        %swap3A_258 = arith.index_cast %and3A_92 : i32 to index
        %swap3A_259 = arith.index_cast %add3A_227 : i32 to index
        %swap3A_260 = arith.constant 32 : index
        %swap3A_261 = tpu.vector_load %arg6[%swap3A_258, %swap3A_259, %swap3A_260] {strides = array<i32>} : memref<2x80x128xf32, #tpu.memory_space<vmem>>, vector<16xf32>,
        tpu.vector_store %arg6[%swap3A_258, %swap3A_259, %swap3A_260], %mul3A_257 {strides = array<i32>} : memref<2x80x128xf32, #tpu.memory_space<vmem>>, vector<16xf32>,
        %get3A_262 = arith.index_cast %and3A_92 : i32 to index
        %get3A_263 = arith.index_cast %add3A_227 : i32 to index
        %get3A_264 = arith.constant 48 : index
        %get3A_265 = tpu.vector_load %arg6[%get3A_262, %get3A_263, %get3A_264] {strides = array<i32>} : memref<2x80x128xf32, #tpu.memory_space<vmem>>, vector<16xf32>,
        %mul3A_266 = arith.mulf %get3A_265, %bitcast3A_234 : vector<16xf32>
        %swap3A_267 = arith.index_cast %and3A_92 : i32 to index
        %swap3A_268 = arith.index_cast %add3A_227 : i32 to index
        %swap3A_269 = arith.constant 48 : index
        %swap3A_270 = tpu.vector_load %arg6[%swap3A_267, %swap3A_268, %swap3A_269] {strides = array<i32>} : memref<2x80x128xf32, #tpu.memory_space<vmem>>, vector<16xf32>,
        tpu.vector_store %arg6[%swap3A_267, %swap3A_268, %swap3A_269], %mul3A_266 {strides = array<i32>} : memref<2x80x128xf32, #tpu.memory_space<vmem>>, vector<16xf32>,
        %get3A_271 = arith.index_cast %and3A_92 : i32 to index
        %get3A_272 = arith.index_cast %add3A_227 : i32 to index
        %get3A_273 = arith.constant 64 : index
        %get3A_274 = tpu.vector_load %arg6[%get3A_271, %get3A_272, %get3A_273] {strides = array<i32>} : memref<2x80x128xf32, #tpu.memory_space<vmem>>, vector<16xf32>,
        %mul3A_275 = arith.mulf %get3A_274, %bitcast3A_234 : vector<16xf32>
        %swap3A_276 = arith.index_cast %and3A_92 : i32 to index
        %swap3A_277 = arith.index_cast %add3A_227 : i32 to index
        %swap3A_278 = arith.constant 64 : index
        %swap3A_279 = tpu.vector_load %arg6[%swap3A_276, %swap3A_277, %swap3A_278] {strides = array<i32>} : memref<2x80x128xf32, #tpu.memory_space<vmem>>, vector<16xf32>,
        tpu.vector_store %arg6[%swap3A_276, %swap3A_277, %swap3A_278], %mul3A_275 {strides = array<i32>} : memref<2x80x128xf32, #tpu.memory_space<vmem>>, vector<16xf32>,
        %get3A_280 = arith.index_cast %and3A_92 : i32 to index
        %get3A_281 = arith.index_cast %add3A_227 : i32 to index
        %get3A_282 = arith.constant 80 : index
        %get3A_283 = tpu.vector_load %arg6[%get3A_280, %get3A_281, %get3A_282] {strides = array<i32>} : memref<2x80x128xf32, #tpu.memory_space<vmem>>, vector<16xf32>,
        %mul3A_284 = arith.mulf %get3A_283, %bitcast3A_234 : vector<16xf32>
        %swap3A_285 = arith.index_cast %and3A_92 : i32 to index
        %swap3A_286 = arith.index_cast %add3A_227 : i32 to index
        %swap3A_287 = arith.constant 80 : index
        %swap3A_288 = tpu.vector_load %arg6[%swap3A_285, %swap3A_286, %swap3A_287] {strides = array<i32>} : memref<2x80x128xf32, #tpu.memory_space<vmem>>, vector<16xf32>,
        tpu.vector_store %arg6[%swap3A_285, %swap3A_286, %swap3A_287], %mul3A_284 {strides = array<i32>} : memref<2x80x128xf32, #tpu.memory_space<vmem>>, vector<16xf32>,
        %get3A_289 = arith.index_cast %and3A_92 : i32 to index
        %get3A_290 = arith.index_cast %add3A_227 : i32 to index
        %get3A_291 = arith.constant 96 : index
        %get3A_292 = tpu.vector_load %arg6[%get3A_289, %get3A_290, %get3A_291] {strides = array<i32>} : memref<2x80x128xf32, #tpu.memory_space<vmem>>, vector<16xf32>,
        %mul3A_293 = arith.mulf %get3A_292, %bitcast3A_234 : vector<16xf32>
        %swap3A_294 = arith.index_cast %and3A_92 : i32 to index
        %swap3A_295 = arith.index_cast %add3A_227 : i32 to index
        %swap3A_296 = arith.constant 96 : index
        %swap3A_297 = tpu.vector_load %arg6[%swap3A_294, %swap3A_295, %swap3A_296] {strides = array<i32>} : memref<2x80x128xf32, #tpu.memory_space<vmem>>, vector<16xf32>,
        tpu.vector_store %arg6[%swap3A_294, %swap3A_295, %swap3A_296], %mul3A_293 {strides = array<i32>} : memref<2x80x128xf32, #tpu.memory_space<vmem>>, vector<16xf32>,
        %get3A_298 = arith.index_cast %and3A_92 : i32 to index
        %get3A_299 = arith.index_cast %add3A_227 : i32 to index
        %get3A_300 = arith.constant 112 : index
        %get3A_301 = tpu.vector_load %arg6[%get3A_298, %get3A_299, %get3A_300] {strides = array<i32>} : memref<2x80x128xf32, #tpu.memory_space<vmem>>, vector<16xf32>,
        %mul3A_302 = arith.mulf %get3A_301, %bitcast3A_234 : vector<16xf32>
        %swap3A_303 = arith.index_cast %and3A_92 : i32 to index
        %swap3A_304 = arith.index_cast %add3A_227 : i32 to index
        %swap3A_305 = arith.constant 112 : index
        %swap3A_306 = tpu.vector_load %arg6[%swap3A_303, %swap3A_304, %swap3A_305] {strides = array<i32>} : memref<2x80x128xf32, #tpu.memory_space<vmem>>, vector<16xf32>,
        tpu.vector_store %arg6[%swap3A_303, %swap3A_304, %swap3A_305], %mul3A_302 {strides = array<i32>} : memref<2x80x128xf32, #tpu.memory_space<vmem>>, vector<16xf32>,
        %mul3A_307 = arith.constant 8 : i32
        %mul3A_308 = arith.muli %scan3A_144, %mul3A_307 : i32
        %add3A_309 = arith.constant 2 : i32
        %add3A_310 = arith.addi %mul3A_308, %add3A_309 : i32
        %broadcast_in_dim3A_311 = vector.broadcast %add3A_310 : i32 to vector<16xi32>
        %gather3A_312 = arith.constant 2 : i32
        %gather3A_313 = arith.constant 0 : i32
        %gather3A_314 = tpu.memref_slice %arg5[%and3A_94, %gather3A_312, %gather3A_313] : memref<4x3x80xi32, #tpu.memory_space<vmem>> -> memref<1x1x80xi32, #tpu.memory_space<vmem>>
        %gather3A_315 = tpu.memref_squeeze %gather3A_314 : memref<1x1x80xi32, #tpu.memory_space<vmem>> -> memref<80xi32, #tpu.memory_space<vmem>>
        %gather3A_316 = tpu.vector_load_idx %gather3A_315[%broadcast_in_dim3A_311] : memref<80xi32, #tpu.memory_space<vmem>>[vector<16xi32>], vector<16xi32>,
        %bitcast3A_317 = vector.bitcast %gather3A_316 : vector<16xi32> to vector<16xf32>
        %get3A_318 = arith.index_cast %and3A_92 : i32 to index
        %get3A_319 = arith.index_cast %add3A_310 : i32 to index
        %get3A_320 = arith.constant 0 : index
        %get3A_321 = tpu.vector_load %arg6[%get3A_318, %get3A_319, %get3A_320] {strides = array<i32>} : memref<2x80x128xf32, #tpu.memory_space<vmem>>, vector<16xf32>,
        %mul3A_322 = arith.mulf %get3A_321, %bitcast3A_317 : vector<16xf32>
        %swap3A_323 = arith.index_cast %and3A_92 : i32 to index
        %swap3A_324 = arith.index_cast %add3A_310 : i32 to index
        %swap3A_325 = arith.constant 0 : index
        %swap3A_326 = tpu.vector_load %arg6[%swap3A_323, %swap3A_324, %swap3A_325] {strides = array<i32>} : memref<2x80x128xf32, #tpu.memory_space<vmem>>, vector<16xf32>,
        tpu.vector_store %arg6[%swap3A_323, %swap3A_324, %swap3A_325], %mul3A_322 {strides = array<i32>} : memref<2x80x128xf32, #tpu.memory_space<vmem>>, vector<16xf32>,
        %get3A_327 = arith.index_cast %and3A_92 : i32 to index
        %get3A_328 = arith.index_cast %add3A_310 : i32 to index
        %get3A_329 = arith.constant 16 : index
        %get3A_330 = tpu.vector_load %arg6[%get3A_327, %get3A_328, %get3A_329] {strides = array<i32>} : memref<2x80x128xf32, #tpu.memory_space<vmem>>, vector<16xf32>,
        %mul3A_331 = arith.mulf %get3A_330, %bitcast3A_317 : vector<16xf32>
        %swap3A_332 = arith.index_cast %and3A_92 : i32 to index
        %swap3A_333 = arith.index_cast %add3A_310 : i32 to index
        %swap3A_334 = arith.constant 16 : index
        %swap3A_335 = tpu.vector_load %arg6[%swap3A_332, %swap3A_333, %swap3A_334] {strides = array<i32>} : memref<2x80x128xf32, #tpu.memory_space<vmem>>, vector<16xf32>,
        tpu.vector_store %arg6[%swap3A_332, %swap3A_333, %swap3A_334], %mul3A_331 {strides = array<i32>} : memref<2x80x128xf32, #tpu.memory_space<vmem>>, vector<16xf32>,
        %get3A_336 = arith.index_cast %and3A_92 : i32 to index
        %get3A_337 = arith.index_cast %add3A_310 : i32 to index
        %get3A_338 = arith.constant 32 : index
        %get3A_339 = tpu.vector_load %arg6[%get3A_336, %get3A_337, %get3A_338] {strides = array<i32>} : memref<2x80x128xf32, #tpu.memory_space<vmem>>, vector<16xf32>,
        %mul3A_340 = arith.mulf %get3A_339, %bitcast3A_317 : vector<16xf32>
        %swap3A_341 = arith.index_cast %and3A_92 : i32 to index
        %swap3A_342 = arith.index_cast %add3A_310 : i32 to index
        %swap3A_343 = arith.constant 32 : index
        %swap3A_344 = tpu.vector_load %arg6[%swap3A_341, %swap3A_342, %swap3A_343] {strides = array<i32>} : memref<2x80x128xf32, #tpu.memory_space<vmem>>, vector<16xf32>,
        tpu.vector_store %arg6[%swap3A_341, %swap3A_342, %swap3A_343], %mul3A_340 {strides = array<i32>} : memref<2x80x128xf32, #tpu.memory_space<vmem>>, vector<16xf32>,
        %get3A_345 = arith.index_cast %and3A_92 : i32 to index
        %get3A_346 = arith.index_cast %add3A_310 : i32 to index
        %get3A_347 = arith.constant 48 : index
        %get3A_348 = tpu.vector_load %arg6[%get3A_345, %get3A_346, %get3A_347] {strides = array<i32>} : memref<2x80x128xf32, #tpu.memory_space<vmem>>, vector<16xf32>,
        %mul3A_349 = arith.mulf %get3A_348, %bitcast3A_317 : vector<16xf32>
        %swap3A_350 = arith.index_cast %and3A_92 : i32 to index
        %swap3A_351 = arith.index_cast %add3A_310 : i32 to index
        %swap3A_352 = arith.constant 48 : index
        %swap3A_353 = tpu.vector_load %arg6[%swap3A_350, %swap3A_351, %swap3A_352] {strides = array<i32>} : memref<2x80x128xf32, #tpu.memory_space<vmem>>, vector<16xf32>,
        tpu.vector_store %arg6[%swap3A_350, %swap3A_351, %swap3A_352], %mul3A_349 {strides = array<i32>} : memref<2x80x128xf32, #tpu.memory_space<vmem>>, vector<16xf32>,
        %get3A_354 = arith.index_cast %and3A_92 : i32 to index
        %get3A_355 = arith.index_cast %add3A_310 : i32 to index
        %get3A_356 = arith.constant 64 : index
        %get3A_357 = tpu.vector_load %arg6[%get3A_354, %get3A_355, %get3A_356] {strides = array<i32>} : memref<2x80x128xf32, #tpu.memory_space<vmem>>, vector<16xf32>,
        %mul3A_358 = arith.mulf %get3A_357, %bitcast3A_317 : vector<16xf32>
        %swap3A_359 = arith.index_cast %and3A_92 : i32 to index
        %swap3A_360 = arith.index_cast %add3A_310 : i32 to index
        %swap3A_361 = arith.constant 64 : index
        %swap3A_362 = tpu.vector_load %arg6[%swap3A_359, %swap3A_360, %swap3A_361] {strides = array<i32>} : memref<2x80x128xf32, #tpu.memory_space<vmem>>, vector<16xf32>,
        tpu.vector_store %arg6[%swap3A_359, %swap3A_360, %swap3A_361], %mul3A_358 {strides = array<i32>} : memref<2x80x128xf32, #tpu.memory_space<vmem>>, vector<16xf32>,
        %get3A_363 = arith.index_cast %and3A_92 : i32 to index
        %get3A_364 = arith.index_cast %add3A_310 : i32 to index
        %get3A_365 = arith.constant 80 : index
        %get3A_366 = tpu.vector_load %arg6[%get3A_363, %get3A_364, %get3A_365] {strides = array<i32>} : memref<2x80x128xf32, #tpu.memory_space<vmem>>, vector<16xf32>,
        %mul3A_367 = arith.mulf %get3A_366, %bitcast3A_317 : vector<16xf32>
        %swap3A_368 = arith.index_cast %and3A_92 : i32 to index
        %swap3A_369 = arith.index_cast %add3A_310 : i32 to index
        %swap3A_370 = arith.constant 80 : index
        %swap3A_371 = tpu.vector_load %arg6[%swap3A_368, %swap3A_369, %swap3A_370] {strides = array<i32>} : memref<2x80x128xf32, #tpu.memory_space<vmem>>, vector<16xf32>,
        tpu.vector_store %arg6[%swap3A_368, %swap3A_369, %swap3A_370], %mul3A_367 {strides = array<i32>} : memref<2x80x128xf32, #tpu.memory_space<vmem>>, vector<16xf32>,
        %get3A_372 = arith.index_cast %and3A_92 : i32 to index
        %get3A_373 = arith.index_cast %add3A_310 : i32 to index
        %get3A_374 = arith.constant 96 : index
        %get3A_375 = tpu.vector_load %arg6[%get3A_372, %get3A_373, %get3A_374] {strides = array<i32>} : memref<2x80x128xf32, #tpu.memory_space<vmem>>, vector<16xf32>,
        %mul3A_376 = arith.mulf %get3A_375, %bitcast3A_317 : vector<16xf32>
        %swap3A_377 = arith.index_cast %and3A_92 : i32 to index
        %swap3A_378 = arith.index_cast %add3A_310 : i32 to index
        %swap3A_379 = arith.constant 96 : index
        %swap3A_380 = tpu.vector_load %arg6[%swap3A_377, %swap3A_378, %swap3A_379] {strides = array<i32>} : memref<2x80x128xf32, #tpu.memory_space<vmem>>, vector<16xf32>,
        tpu.vector_store %arg6[%swap3A_377, %swap3A_378, %swap3A_379], %mul3A_376 {strides = array<i32>} : memref<2x80x128xf32, #tpu.memory_space<vmem>>, vector<16xf32>,
        %get3A_381 = arith.index_cast %and3A_92 : i32 to index
        %get3A_382 = arith.index_cast %add3A_310 : i32 to index
        %get3A_383 = arith.constant 112 : index
        %get3A_384 = tpu.vector_load %arg6[%get3A_381, %get3A_382, %get3A_383] {strides = array<i32>} : memref<2x80x128xf32, #tpu.memory_space<vmem>>, vector<16xf32>,
        %mul3A_385 = arith.mulf %get3A_384, %bitcast3A_317 : vector<16xf32>
        %swap3A_386 = arith.index_cast %and3A_92 : i32 to index
        %swap3A_387 = arith.index_cast %add3A_310 : i32 to index
        %swap3A_388 = arith.constant 112 : index
        %swap3A_389 = tpu.vector_load %arg6[%swap3A_386, %swap3A_387, %swap3A_388] {strides = array<i32>} : memref<2x80x128xf32, #tpu.memory_space<vmem>>, vector<16xf32>,
        tpu.vector_store %arg6[%swap3A_386, %swap3A_387, %swap3A_388], %mul3A_385 {strides = array<i32>} : memref<2x80x128xf32, #tpu.memory_space<vmem>>, vector<16xf32>,
        %mul3A_390 = arith.constant 8 : i32
        %mul3A_391 = arith.muli %scan3A_144, %mul3A_390 : i32
        %add3A_392 = arith.constant 3 : i32
        %add3A_393 = arith.addi %mul3A_391, %add3A_392 : i32
        %broadcast_in_dim3A_394 = vector.broadcast %add3A_393 : i32 to vector<16xi32>
        %gather3A_395 = arith.constant 2 : i32
        %gather3A_396 = arith.constant 0 : i32
        %gather3A_397 = tpu.memref_slice %arg5[%and3A_94, %gather3A_395, %gather3A_396] : memref<4x3x80xi32, #tpu.memory_space<vmem>> -> memref<1x1x80xi32, #tpu.memory_space<vmem>>
        %gather3A_398 = tpu.memref_squeeze %gather3A_397 : memref<1x1x80xi32, #tpu.memory_space<vmem>> -> memref<80xi32, #tpu.memory_space<vmem>>
        %gather3A_399 = tpu.vector_load_idx %gather3A_398[%broadcast_in_dim3A_394] : memref<80xi32, #tpu.memory_space<vmem>>[vector<16xi32>], vector<16xi32>,
        %bitcast3A_400 = vector.bitcast %gather3A_399 : vector<16xi32> to vector<16xf32>
        %get3A_401 = arith.index_cast %and3A_92 : i32 to index
        %get3A_402 = arith.index_cast %add3A_393 : i32 to index
        %get3A_403 = arith.constant 0 : index
        %get3A_404 = tpu.vector_load %arg6[%get3A_401, %get3A_402, %get3A_403] {strides = array<i32>} : memref<2x80x128xf32, #tpu.memory_space<vmem>>, vector<16xf32>,
        %mul3A_405 = arith.mulf %get3A_404, %bitcast3A_400 : vector<16xf32>
        %swap3A_406 = arith.index_cast %and3A_92 : i32 to index
        %swap3A_407 = arith.index_cast %add3A_393 : i32 to index
        %swap3A_408 = arith.constant 0 : index
        %swap3A_409 = tpu.vector_load %arg6[%swap3A_406, %swap3A_407, %swap3A_408] {strides = array<i32>} : memref<2x80x128xf32, #tpu.memory_space<vmem>>, vector<16xf32>,
        tpu.vector_store %arg6[%swap3A_406, %swap3A_407, %swap3A_408], %mul3A_405 {strides = array<i32>} : memref<2x80x128xf32, #tpu.memory_space<vmem>>, vector<16xf32>,
        %get3A_410 = arith.index_cast %and3A_92 : i32 to index
        %get3A_411 = arith.index_cast %add3A_393 : i32 to index
        %get3A_412 = arith.constant 16 : index
        %get3A_413 = tpu.vector_load %arg6[%get3A_410, %get3A_411, %get3A_412] {strides = array<i32>} : memref<2x80x128xf32, #tpu.memory_space<vmem>>, vector<16xf32>,
        %mul3A_414 = arith.mulf %get3A_413, %bitcast3A_400 : vector<16xf32>
        %swap3A_415 = arith.index_cast %and3A_92 : i32 to index
        %swap3A_416 = arith.index_cast %add3A_393 : i32 to index
        %swap3A_417 = arith.constant 16 : index
        %swap3A_418 = tpu.vector_load %arg6[%swap3A_415, %swap3A_416, %swap3A_417] {strides = array<i32>} : memref<2x80x128xf32, #tpu.memory_space<vmem>>, vector<16xf32>,
        tpu.vector_store %arg6[%swap3A_415, %swap3A_416, %swap3A_417], %mul3A_414 {strides = array<i32>} : memref<2x80x128xf32, #tpu.memory_space<vmem>>, vector<16xf32>,
        %get3A_419 = arith.index_cast %and3A_92 : i32 to index
        %get3A_420 = arith.index_cast %add3A_393 : i32 to index
        %get3A_421 = arith.constant 32 : index
        %get3A_422 = tpu.vector_load %arg6[%get3A_419, %get3A_420, %get3A_421] {strides = array<i32>} : memref<2x80x128xf32, #tpu.memory_space<vmem>>, vector<16xf32>,
        %mul3A_423 = arith.mulf %get3A_422, %bitcast3A_400 : vector<16xf32>
        %swap3A_424 = arith.index_cast %and3A_92 : i32 to index
        %swap3A_425 = arith.index_cast %add3A_393 : i32 to index
        %swap3A_426 = arith.constant 32 : index
        %swap3A_427 = tpu.vector_load %arg6[%swap3A_424, %swap3A_425, %swap3A_426] {strides = array<i32>} : memref<2x80x128xf32, #tpu.memory_space<vmem>>, vector<16xf32>,
        tpu.vector_store %arg6[%swap3A_424, %swap3A_425, %swap3A_426], %mul3A_423 {strides = array<i32>} : memref<2x80x128xf32, #tpu.memory_space<vmem>>, vector<16xf32>,
        %get3A_428 = arith.index_cast %and3A_92 : i32 to index
        %get3A_429 = arith.index_cast %add3A_393 : i32 to index
        %get3A_430 = arith.constant 48 : index
        %get3A_431 = tpu.vector_load %arg6[%get3A_428, %get3A_429, %get3A_430] {strides = array<i32>} : memref<2x80x128xf32, #tpu.memory_space<vmem>>, vector<16xf32>,
        %mul3A_432 = arith.mulf %get3A_431, %bitcast3A_400 : vector<16xf32>
        %swap3A_433 = arith.index_cast %and3A_92 : i32 to index
        %swap3A_434 = arith.index_cast %add3A_393 : i32 to index
        %swap3A_435 = arith.constant 48 : index
        %swap3A_436 = tpu.vector_load %arg6[%swap3A_433, %swap3A_434, %swap3A_435] {strides = array<i32>} : memref<2x80x128xf32, #tpu.memory_space<vmem>>, vector<16xf32>,
        tpu.vector_store %arg6[%swap3A_433, %swap3A_434, %swap3A_435], %mul3A_432 {strides = array<i32>} : memref<2x80x128xf32, #tpu.memory_space<vmem>>, vector<16xf32>,
        %get3A_437 = arith.index_cast %and3A_92 : i32 to index
        %get3A_438 = arith.index_cast %add3A_393 : i32 to index
        %get3A_439 = arith.constant 64 : index
        %get3A_440 = tpu.vector_load %arg6[%get3A_437, %get3A_438, %get3A_439] {strides = array<i32>} : memref<2x80x128xf32, #tpu.memory_space<vmem>>, vector<16xf32>,
        %mul3A_441 = arith.mulf %get3A_440, %bitcast3A_400 : vector<16xf32>
        %swap3A_442 = arith.index_cast %and3A_92 : i32 to index
        %swap3A_443 = arith.index_cast %add3A_393 : i32 to index
        %swap3A_444 = arith.constant 64 : index
        %swap3A_445 = tpu.vector_load %arg6[%swap3A_442, %swap3A_443, %swap3A_444] {strides = array<i32>} : memref<2x80x128xf32, #tpu.memory_space<vmem>>, vector<16xf32>,
        tpu.vector_store %arg6[%swap3A_442, %swap3A_443, %swap3A_444], %mul3A_441 {strides = array<i32>} : memref<2x80x128xf32, #tpu.memory_space<vmem>>, vector<16xf32>,
        %get3A_446 = arith.index_cast %and3A_92 : i32 to index
        %get3A_447 = arith.index_cast %add3A_393 : i32 to index
        %get3A_448 = arith.constant 80 : index
        %get3A_449 = tpu.vector_load %arg6[%get3A_446, %get3A_447, %get3A_448] {strides = array<i32>} : memref<2x80x128xf32, #tpu.memory_space<vmem>>, vector<16xf32>,
        %mul3A_450 = arith.mulf %get3A_449, %bitcast3A_400 : vector<16xf32>
        %swap3A_451 = arith.index_cast %and3A_92 : i32 to index
        %swap3A_452 = arith.index_cast %add3A_393 : i32 to index
        %swap3A_453 = arith.constant 80 : index
        %swap3A_454 = tpu.vector_load %arg6[%swap3A_451, %swap3A_452, %swap3A_453] {strides = array<i32>} : memref<2x80x128xf32, #tpu.memory_space<vmem>>, vector<16xf32>,
        tpu.vector_store %arg6[%swap3A_451, %swap3A_452, %swap3A_453], %mul3A_450 {strides = array<i32>} : memref<2x80x128xf32, #tpu.memory_space<vmem>>, vector<16xf32>,
        %get3A_455 = arith.index_cast %and3A_92 : i32 to index
        %get3A_456 = arith.index_cast %add3A_393 : i32 to index
        %get3A_457 = arith.constant 96 : index
        %get3A_458 = tpu.vector_load %arg6[%get3A_455, %get3A_456, %get3A_457] {strides = array<i32>} : memref<2x80x128xf32, #tpu.memory_space<vmem>>, vector<16xf32>,
        %mul3A_459 = arith.mulf %get3A_458, %bitcast3A_400 : vector<16xf32>
        %swap3A_460 = arith.index_cast %and3A_92 : i32 to index
        %swap3A_461 = arith.index_cast %add3A_393 : i32 to index
        %swap3A_462 = arith.constant 96 : index
        %swap3A_463 = tpu.vector_load %arg6[%swap3A_460, %swap3A_461, %swap3A_462] {strides = array<i32>} : memref<2x80x128xf32, #tpu.memory_space<vmem>>, vector<16xf32>,
        tpu.vector_store %arg6[%swap3A_460, %swap3A_461, %swap3A_462], %mul3A_459 {strides = array<i32>} : memref<2x80x128xf32, #tpu.memory_space<vmem>>, vector<16xf32>,
        %get3A_464 = arith.index_cast %and3A_92 : i32 to index
        %get3A_465 = arith.index_cast %add3A_393 : i32 to index
        %get3A_466 = arith.constant 112 : index
        %get3A_467 = tpu.vector_load %arg6[%get3A_464, %get3A_465, %get3A_466] {strides = array<i32>} : memref<2x80x128xf32, #tpu.memory_space<vmem>>, vector<16xf32>,
        %mul3A_468 = arith.mulf %get3A_467, %bitcast3A_400 : vector<16xf32>
        %swap3A_469 = arith.index_cast %and3A_92 : i32 to index
        %swap3A_470 = arith.index_cast %add3A_393 : i32 to index
        %swap3A_471 = arith.constant 112 : index
        %swap3A_472 = tpu.vector_load %arg6[%swap3A_469, %swap3A_470, %swap3A_471] {strides = array<i32>} : memref<2x80x128xf32, #tpu.memory_space<vmem>>, vector<16xf32>,
        tpu.vector_store %arg6[%swap3A_469, %swap3A_470, %swap3A_471], %mul3A_468 {strides = array<i32>} : memref<2x80x128xf32, #tpu.memory_space<vmem>>, vector<16xf32>,
        %mul3A_473 = arith.constant 8 : i32
        %mul3A_474 = arith.muli %scan3A_144, %mul3A_473 : i32
        %add3A_475 = arith.constant 4 : i32
        %add3A_476 = arith.addi %mul3A_474, %add3A_475 : i32
        %broadcast_in_dim3A_477 = vector.broadcast %add3A_476 : i32 to vector<16xi32>
        %gather3A_478 = arith.constant 2 : i32
        %gather3A_479 = arith.constant 0 : i32
        %gather3A_480 = tpu.memref_slice %arg5[%and3A_94, %gather3A_478, %gather3A_479] : memref<4x3x80xi32, #tpu.memory_space<vmem>> -> memref<1x1x80xi32, #tpu.memory_space<vmem>>
        %gather3A_481 = tpu.memref_squeeze %gather3A_480 : memref<1x1x80xi32, #tpu.memory_space<vmem>> -> memref<80xi32, #tpu.memory_space<vmem>>
        %gather3A_482 = tpu.vector_load_idx %gather3A_481[%broadcast_in_dim3A_477] : memref<80xi32, #tpu.memory_space<vmem>>[vector<16xi32>], vector<16xi32>,
        %bitcast3A_483 = vector.bitcast %gather3A_482 : vector<16xi32> to vector<16xf32>
        %get3A_484 = arith.index_cast %and3A_92 : i32 to index
        %get3A_485 = arith.index_cast %add3A_476 : i32 to index
        %get3A_486 = arith.constant 0 : index
        %get3A_487 = tpu.vector_load %arg6[%get3A_484, %get3A_485, %get3A_486] {strides = array<i32>} : memref<2x80x128xf32, #tpu.memory_space<vmem>>, vector<16xf32>,
        %mul3A_488 = arith.mulf %get3A_487, %bitcast3A_483 : vector<16xf32>
        %swap3A_489 = arith.index_cast %and3A_92 : i32 to index
        %swap3A_490 = arith.index_cast %add3A_476 : i32 to index
        %swap3A_491 = arith.constant 0 : index
        %swap3A_492 = tpu.vector_load %arg6[%swap3A_489, %swap3A_490, %swap3A_491] {strides = array<i32>} : memref<2x80x128xf32, #tpu.memory_space<vmem>>, vector<16xf32>,
        tpu.vector_store %arg6[%swap3A_489, %swap3A_490, %swap3A_491], %mul3A_488 {strides = array<i32>} : memref<2x80x128xf32, #tpu.memory_space<vmem>>, vector<16xf32>,
        %get3A_493 = arith.index_cast %and3A_92 : i32 to index
        %get3A_494 = arith.index_cast %add3A_476 : i32 to index
        %get3A_495 = arith.constant 16 : index
        %get3A_496 = tpu.vector_load %arg6[%get3A_493, %get3A_494, %get3A_495] {strides = array<i32>} : memref<2x80x128xf32, #tpu.memory_space<vmem>>, vector<16xf32>,
        %mul3A_497 = arith.mulf %get3A_496, %bitcast3A_483 : vector<16xf32>
        %swap3A_498 = arith.index_cast %and3A_92 : i32 to index
        %swap3A_499 = arith.index_cast %add3A_476 : i32 to index
        %swap3A_500 = arith.constant 16 : index
        %swap3A_501 = tpu.vector_load %arg6[%swap3A_498, %swap3A_499, %swap3A_500] {strides = array<i32>} : memref<2x80x128xf32, #tpu.memory_space<vmem>>, vector<16xf32>,
        tpu.vector_store %arg6[%swap3A_498, %swap3A_499, %swap3A_500], %mul3A_497 {strides = array<i32>} : memref<2x80x128xf32, #tpu.memory_space<vmem>>, vector<16xf32>,
        %get3A_502 = arith.index_cast %and3A_92 : i32 to index
        %get3A_503 = arith.index_cast %add3A_476 : i32 to index
        %get3A_504 = arith.constant 32 : index
        %get3A_505 = tpu.vector_load %arg6[%get3A_502, %get3A_503, %get3A_504] {strides = array<i32>} : memref<2x80x128xf32, #tpu.memory_space<vmem>>, vector<16xf32>,
        %mul3A_506 = arith.mulf %get3A_505, %bitcast3A_483 : vector<16xf32>
        %swap3A_507 = arith.index_cast %and3A_92 : i32 to index
        %swap3A_508 = arith.index_cast %add3A_476 : i32 to index
        %swap3A_509 = arith.constant 32 : index
        %swap3A_510 = tpu.vector_load %arg6[%swap3A_507, %swap3A_508, %swap3A_509] {strides = array<i32>} : memref<2x80x128xf32, #tpu.memory_space<vmem>>, vector<16xf32>,
        tpu.vector_store %arg6[%swap3A_507, %swap3A_508, %swap3A_509], %mul3A_506 {strides = array<i32>} : memref<2x80x128xf32, #tpu.memory_space<vmem>>, vector<16xf32>,
        %get3A_511 = arith.index_cast %and3A_92 : i32 to index
        %get3A_512 = arith.index_cast %add3A_476 : i32 to index
        %get3A_513 = arith.constant 48 : index
        %get3A_514 = tpu.vector_load %arg6[%get3A_511, %get3A_512, %get3A_513] {strides = array<i32>} : memref<2x80x128xf32, #tpu.memory_space<vmem>>, vector<16xf32>,
        %mul3A_515 = arith.mulf %get3A_514, %bitcast3A_483 : vector<16xf32>
        %swap3A_516 = arith.index_cast %and3A_92 : i32 to index
        %swap3A_517 = arith.index_cast %add3A_476 : i32 to index
        %swap3A_518 = arith.constant 48 : index
        %swap3A_519 = tpu.vector_load %arg6[%swap3A_516, %swap3A_517, %swap3A_518] {strides = array<i32>} : memref<2x80x128xf32, #tpu.memory_space<vmem>>, vector<16xf32>,
        tpu.vector_store %arg6[%swap3A_516, %swap3A_517, %swap3A_518], %mul3A_515 {strides = array<i32>} : memref<2x80x128xf32, #tpu.memory_space<vmem>>, vector<16xf32>,
        %get3A_520 = arith.index_cast %and3A_92 : i32 to index
        %get3A_521 = arith.index_cast %add3A_476 : i32 to index
        %get3A_522 = arith.constant 64 : index
        %get3A_523 = tpu.vector_load %arg6[%get3A_520, %get3A_521, %get3A_522] {strides = array<i32>} : memref<2x80x128xf32, #tpu.memory_space<vmem>>, vector<16xf32>,
        %mul3A_524 = arith.mulf %get3A_523, %bitcast3A_483 : vector<16xf32>
        %swap3A_525 = arith.index_cast %and3A_92 : i32 to index
        %swap3A_526 = arith.index_cast %add3A_476 : i32 to index
        %swap3A_527 = arith.constant 64 : index
        %swap3A_528 = tpu.vector_load %arg6[%swap3A_525, %swap3A_526, %swap3A_527] {strides = array<i32>} : memref<2x80x128xf32, #tpu.memory_space<vmem>>, vector<16xf32>,
        tpu.vector_store %arg6[%swap3A_525, %swap3A_526, %swap3A_527], %mul3A_524 {strides = array<i32>} : memref<2x80x128xf32, #tpu.memory_space<vmem>>, vector<16xf32>,
        %get3A_529 = arith.index_cast %and3A_92 : i32 to index
        %get3A_530 = arith.index_cast %add3A_476 : i32 to index
        %get3A_531 = arith.constant 80 : index
        %get3A_532 = tpu.vector_load %arg6[%get3A_529, %get3A_530, %get3A_531] {strides = array<i32>} : memref<2x80x128xf32, #tpu.memory_space<vmem>>, vector<16xf32>,
        %mul3A_533 = arith.mulf %get3A_532, %bitcast3A_483 : vector<16xf32>
        %swap3A_534 = arith.index_cast %and3A_92 : i32 to index
        %swap3A_535 = arith.index_cast %add3A_476 : i32 to index
        %swap3A_536 = arith.constant 80 : index
        %swap3A_537 = tpu.vector_load %arg6[%swap3A_534, %swap3A_535, %swap3A_536] {strides = array<i32>} : memref<2x80x128xf32, #tpu.memory_space<vmem>>, vector<16xf32>,
        tpu.vector_store %arg6[%swap3A_534, %swap3A_535, %swap3A_536], %mul3A_533 {strides = array<i32>} : memref<2x80x128xf32, #tpu.memory_space<vmem>>, vector<16xf32>,
        %get3A_538 = arith.index_cast %and3A_92 : i32 to index
        %get3A_539 = arith.index_cast %add3A_476 : i32 to index
        %get3A_540 = arith.constant 96 : index
        %get3A_541 = tpu.vector_load %arg6[%get3A_538, %get3A_539, %get3A_540] {strides = array<i32>} : memref<2x80x128xf32, #tpu.memory_space<vmem>>, vector<16xf32>,
        %mul3A_542 = arith.mulf %get3A_541, %bitcast3A_483 : vector<16xf32>
        %swap3A_543 = arith.index_cast %and3A_92 : i32 to index
        %swap3A_544 = arith.index_cast %add3A_476 : i32 to index
        %swap3A_545 = arith.constant 96 : index
        %swap3A_546 = tpu.vector_load %arg6[%swap3A_543, %swap3A_544, %swap3A_545] {strides = array<i32>} : memref<2x80x128xf32, #tpu.memory_space<vmem>>, vector<16xf32>,
        tpu.vector_store %arg6[%swap3A_543, %swap3A_544, %swap3A_545], %mul3A_542 {strides = array<i32>} : memref<2x80x128xf32, #tpu.memory_space<vmem>>, vector<16xf32>,
        %get3A_547 = arith.index_cast %and3A_92 : i32 to index
        %get3A_548 = arith.index_cast %add3A_476 : i32 to index
        %get3A_549 = arith.constant 112 : index
        %get3A_550 = tpu.vector_load %arg6[%get3A_547, %get3A_548, %get3A_549] {strides = array<i32>} : memref<2x80x128xf32, #tpu.memory_space<vmem>>, vector<16xf32>,
        %mul3A_551 = arith.mulf %get3A_550, %bitcast3A_483 : vector<16xf32>
        %swap3A_552 = arith.index_cast %and3A_92 : i32 to index
        %swap3A_553 = arith.index_cast %add3A_476 : i32 to index
        %swap3A_554 = arith.constant 112 : index
        %swap3A_555 = tpu.vector_load %arg6[%swap3A_552, %swap3A_553, %swap3A_554] {strides = array<i32>} : memref<2x80x128xf32, #tpu.memory_space<vmem>>, vector<16xf32>,
        tpu.vector_store %arg6[%swap3A_552, %swap3A_553, %swap3A_554], %mul3A_551 {strides = array<i32>} : memref<2x80x128xf32, #tpu.memory_space<vmem>>, vector<16xf32>,
        %mul3A_556 = arith.constant 8 : i32
        %mul3A_557 = arith.muli %scan3A_144, %mul3A_556 : i32
        %add3A_558 = arith.constant 5 : i32
        %add3A_559 = arith.addi %mul3A_557, %add3A_558 : i32
        %broadcast_in_dim3A_560 = vector.broadcast %add3A_559 : i32 to vector<16xi32>
        %gather3A_561 = arith.constant 2 : i32
        %gather3A_562 = arith.constant 0 : i32
        %gather3A_563 = tpu.memref_slice %arg5[%and3A_94, %gather3A_561, %gather3A_562] : memref<4x3x80xi32, #tpu.memory_space<vmem>> -> memref<1x1x80xi32, #tpu.memory_space<vmem>>
        %gather3A_564 = tpu.memref_squeeze %gather3A_563 : memref<1x1x80xi32, #tpu.memory_space<vmem>> -> memref<80xi32, #tpu.memory_space<vmem>>
        %gather3A_565 = tpu.vector_load_idx %gather3A_564[%broadcast_in_dim3A_560] : memref<80xi32, #tpu.memory_space<vmem>>[vector<16xi32>], vector<16xi32>,
        %bitcast3A_566 = vector.bitcast %gather3A_565 : vector<16xi32> to vector<16xf32>
        %get3A_567 = arith.index_cast %and3A_92 : i32 to index
        %get3A_568 = arith.index_cast %add3A_559 : i32 to index
        %get3A_569 = arith.constant 0 : index
        %get3A_570 = tpu.vector_load %arg6[%get3A_567, %get3A_568, %get3A_569] {strides = array<i32>} : memref<2x80x128xf32, #tpu.memory_space<vmem>>, vector<16xf32>,
        %mul3A_571 = arith.mulf %get3A_570, %bitcast3A_566 : vector<16xf32>
        %swap3A_572 = arith.index_cast %and3A_92 : i32 to index
        %swap3A_573 = arith.index_cast %add3A_559 : i32 to index
        %swap3A_574 = arith.constant 0 : index
        %swap3A_575 = tpu.vector_load %arg6[%swap3A_572, %swap3A_573, %swap3A_574] {strides = array<i32>} : memref<2x80x128xf32, #tpu.memory_space<vmem>>, vector<16xf32>,
        tpu.vector_store %arg6[%swap3A_572, %swap3A_573, %swap3A_574], %mul3A_571 {strides = array<i32>} : memref<2x80x128xf32, #tpu.memory_space<vmem>>, vector<16xf32>,
        %get3A_576 = arith.index_cast %and3A_92 : i32 to index
        %get3A_577 = arith.index_cast %add3A_559 : i32 to index
        %get3A_578 = arith.constant 16 : index
        %get3A_579 = tpu.vector_load %arg6[%get3A_576, %get3A_577, %get3A_578] {strides = array<i32>} : memref<2x80x128xf32, #tpu.memory_space<vmem>>, vector<16xf32>,
        %mul3A_580 = arith.mulf %get3A_579, %bitcast3A_566 : vector<16xf32>
        %swap3A_581 = arith.index_cast %and3A_92 : i32 to index
        %swap3A_582 = arith.index_cast %add3A_559 : i32 to index
        %swap3A_583 = arith.constant 16 : index
        %swap3A_584 = tpu.vector_load %arg6[%swap3A_581, %swap3A_582, %swap3A_583] {strides = array<i32>} : memref<2x80x128xf32, #tpu.memory_space<vmem>>, vector<16xf32>,
        tpu.vector_store %arg6[%swap3A_581, %swap3A_582, %swap3A_583], %mul3A_580 {strides = array<i32>} : memref<2x80x128xf32, #tpu.memory_space<vmem>>, vector<16xf32>,
        %get3A_585 = arith.index_cast %and3A_92 : i32 to index
        %get3A_586 = arith.index_cast %add3A_559 : i32 to index
        %get3A_587 = arith.constant 32 : index
        %get3A_588 = tpu.vector_load %arg6[%get3A_585, %get3A_586, %get3A_587] {strides = array<i32>} : memref<2x80x128xf32, #tpu.memory_space<vmem>>, vector<16xf32>,
        %mul3A_589 = arith.mulf %get3A_588, %bitcast3A_566 : vector<16xf32>
        %swap3A_590 = arith.index_cast %and3A_92 : i32 to index
        %swap3A_591 = arith.index_cast %add3A_559 : i32 to index
        %swap3A_592 = arith.constant 32 : index
        %swap3A_593 = tpu.vector_load %arg6[%swap3A_590, %swap3A_591, %swap3A_592] {strides = array<i32>} : memref<2x80x128xf32, #tpu.memory_space<vmem>>, vector<16xf32>,
        tpu.vector_store %arg6[%swap3A_590, %swap3A_591, %swap3A_592], %mul3A_589 {strides = array<i32>} : memref<2x80x128xf32, #tpu.memory_space<vmem>>, vector<16xf32>,
        %get3A_594 = arith.index_cast %and3A_92 : i32 to index
        %get3A_595 = arith.index_cast %add3A_559 : i32 to index
        %get3A_596 = arith.constant 48 : index
        %get3A_597 = tpu.vector_load %arg6[%get3A_594, %get3A_595, %get3A_596] {strides = array<i32>} : memref<2x80x128xf32, #tpu.memory_space<vmem>>, vector<16xf32>,
        %mul3A_598 = arith.mulf %get3A_597, %bitcast3A_566 : vector<16xf32>
        %swap3A_599 = arith.index_cast %and3A_92 : i32 to index
        %swap3A_600 = arith.index_cast %add3A_559 : i32 to index
        %swap3A_601 = arith.constant 48 : index
        %swap3A_602 = tpu.vector_load %arg6[%swap3A_599, %swap3A_600, %swap3A_601] {strides = array<i32>} : memref<2x80x128xf32, #tpu.memory_space<vmem>>, vector<16xf32>,
        tpu.vector_store %arg6[%swap3A_599, %swap3A_600, %swap3A_601], %mul3A_598 {strides = array<i32>} : memref<2x80x128xf32, #tpu.memory_space<vmem>>, vector<16xf32>,
        %get3A_603 = arith.index_cast %and3A_92 : i32 to index
        %get3A_604 = arith.index_cast %add3A_559 : i32 to index
        %get3A_605 = arith.constant 64 : index
        %get3A_606 = tpu.vector_load %arg6[%get3A_603, %get3A_604, %get3A_605] {strides = array<i32>} : memref<2x80x128xf32, #tpu.memory_space<vmem>>, vector<16xf32>,
        %mul3A_607 = arith.mulf %get3A_606, %bitcast3A_566 : vector<16xf32>
        %swap3A_608 = arith.index_cast %and3A_92 : i32 to index
        %swap3A_609 = arith.index_cast %add3A_559 : i32 to index
        %swap3A_610 = arith.constant 64 : index
        %swap3A_611 = tpu.vector_load %arg6[%swap3A_608, %swap3A_609, %swap3A_610] {strides = array<i32>} : memref<2x80x128xf32, #tpu.memory_space<vmem>>, vector<16xf32>,
        tpu.vector_store %arg6[%swap3A_608, %swap3A_609, %swap3A_610], %mul3A_607 {strides = array<i32>} : memref<2x80x128xf32, #tpu.memory_space<vmem>>, vector<16xf32>,
        %get3A_612 = arith.index_cast %and3A_92 : i32 to index
        %get3A_613 = arith.index_cast %add3A_559 : i32 to index
        %get3A_614 = arith.constant 80 : index
        %get3A_615 = tpu.vector_load %arg6[%get3A_612, %get3A_613, %get3A_614] {strides = array<i32>} : memref<2x80x128xf32, #tpu.memory_space<vmem>>, vector<16xf32>,
        %mul3A_616 = arith.mulf %get3A_615, %bitcast3A_566 : vector<16xf32>
        %swap3A_617 = arith.index_cast %and3A_92 : i32 to index
        %swap3A_618 = arith.index_cast %add3A_559 : i32 to index
        %swap3A_619 = arith.constant 80 : index
        %swap3A_620 = tpu.vector_load %arg6[%swap3A_617, %swap3A_618, %swap3A_619] {strides = array<i32>} : memref<2x80x128xf32, #tpu.memory_space<vmem>>, vector<16xf32>,
        tpu.vector_store %arg6[%swap3A_617, %swap3A_618, %swap3A_619], %mul3A_616 {strides = array<i32>} : memref<2x80x128xf32, #tpu.memory_space<vmem>>, vector<16xf32>,
        %get3A_621 = arith.index_cast %and3A_92 : i32 to index
        %get3A_622 = arith.index_cast %add3A_559 : i32 to index
        %get3A_623 = arith.constant 96 : index
        %get3A_624 = tpu.vector_load %arg6[%get3A_621, %get3A_622, %get3A_623] {strides = array<i32>} : memref<2x80x128xf32, #tpu.memory_space<vmem>>, vector<16xf32>,
        %mul3A_625 = arith.mulf %get3A_624, %bitcast3A_566 : vector<16xf32>
        %swap3A_626 = arith.index_cast %and3A_92 : i32 to index
        %swap3A_627 = arith.index_cast %add3A_559 : i32 to index
        %swap3A_628 = arith.constant 96 : index
        %swap3A_629 = tpu.vector_load %arg6[%swap3A_626, %swap3A_627, %swap3A_628] {strides = array<i32>} : memref<2x80x128xf32, #tpu.memory_space<vmem>>, vector<16xf32>,
        tpu.vector_store %arg6[%swap3A_626, %swap3A_627, %swap3A_628], %mul3A_625 {strides = array<i32>} : memref<2x80x128xf32, #tpu.memory_space<vmem>>, vector<16xf32>,
        %get3A_630 = arith.index_cast %and3A_92 : i32 to index
        %get3A_631 = arith.index_cast %add3A_559 : i32 to index
        %get3A_632 = arith.constant 112 : index
        %get3A_633 = tpu.vector_load %arg6[%get3A_630, %get3A_631, %get3A_632] {strides = array<i32>} : memref<2x80x128xf32, #tpu.memory_space<vmem>>, vector<16xf32>,
        %mul3A_634 = arith.mulf %get3A_633, %bitcast3A_566 : vector<16xf32>
        %swap3A_635 = arith.index_cast %and3A_92 : i32 to index
        %swap3A_636 = arith.index_cast %add3A_559 : i32 to index
        %swap3A_637 = arith.constant 112 : index
        %swap3A_638 = tpu.vector_load %arg6[%swap3A_635, %swap3A_636, %swap3A_637] {strides = array<i32>} : memref<2x80x128xf32, #tpu.memory_space<vmem>>, vector<16xf32>,
        tpu.vector_store %arg6[%swap3A_635, %swap3A_636, %swap3A_637], %mul3A_634 {strides = array<i32>} : memref<2x80x128xf32, #tpu.memory_space<vmem>>, vector<16xf32>,
        %mul3A_639 = arith.constant 8 : i32
        %mul3A_640 = arith.muli %scan3A_144, %mul3A_639 : i32
        %add3A_641 = arith.constant 6 : i32
        %add3A_642 = arith.addi %mul3A_640, %add3A_641 : i32
        %broadcast_in_dim3A_643 = vector.broadcast %add3A_642 : i32 to vector<16xi32>
        %gather3A_644 = arith.constant 2 : i32
        %gather3A_645 = arith.constant 0 : i32
        %gather3A_646 = tpu.memref_slice %arg5[%and3A_94, %gather3A_644, %gather3A_645] : memref<4x3x80xi32, #tpu.memory_space<vmem>> -> memref<1x1x80xi32, #tpu.memory_space<vmem>>
        %gather3A_647 = tpu.memref_squeeze %gather3A_646 : memref<1x1x80xi32, #tpu.memory_space<vmem>> -> memref<80xi32, #tpu.memory_space<vmem>>
        %gather3A_648 = tpu.vector_load_idx %gather3A_647[%broadcast_in_dim3A_643] : memref<80xi32, #tpu.memory_space<vmem>>[vector<16xi32>], vector<16xi32>,
        %bitcast3A_649 = vector.bitcast %gather3A_648 : vector<16xi32> to vector<16xf32>
        %get3A_650 = arith.index_cast %and3A_92 : i32 to index
        %get3A_651 = arith.index_cast %add3A_642 : i32 to index
        %get3A_652 = arith.constant 0 : index
        %get3A_653 = tpu.vector_load %arg6[%get3A_650, %get3A_651, %get3A_652] {strides = array<i32>} : memref<2x80x128xf32, #tpu.memory_space<vmem>>, vector<16xf32>,
        %mul3A_654 = arith.mulf %get3A_653, %bitcast3A_649 : vector<16xf32>
        %swap3A_655 = arith.index_cast %and3A_92 : i32 to index
        %swap3A_656 = arith.index_cast %add3A_642 : i32 to index
        %swap3A_657 = arith.constant 0 : index
        %swap3A_658 = tpu.vector_load %arg6[%swap3A_655, %swap3A_656, %swap3A_657] {strides = array<i32>} : memref<2x80x128xf32, #tpu.memory_space<vmem>>, vector<16xf32>,
        tpu.vector_store %arg6[%swap3A_655, %swap3A_656, %swap3A_657], %mul3A_654 {strides = array<i32>} : memref<2x80x128xf32, #tpu.memory_space<vmem>>, vector<16xf32>,
        %get3A_659 = arith.index_cast %and3A_92 : i32 to index
        %get3A_660 = arith.index_cast %add3A_642 : i32 to index
        %get3A_661 = arith.constant 16 : index
        %get3A_662 = tpu.vector_load %arg6[%get3A_659, %get3A_660, %get3A_661] {strides = array<i32>} : memref<2x80x128xf32, #tpu.memory_space<vmem>>, vector<16xf32>,
        %mul3A_663 = arith.mulf %get3A_662, %bitcast3A_649 : vector<16xf32>
        %swap3A_664 = arith.index_cast %and3A_92 : i32 to index
        %swap3A_665 = arith.index_cast %add3A_642 : i32 to index
        %swap3A_666 = arith.constant 16 : index
        %swap3A_667 = tpu.vector_load %arg6[%swap3A_664, %swap3A_665, %swap3A_666] {strides = array<i32>} : memref<2x80x128xf32, #tpu.memory_space<vmem>>, vector<16xf32>,
        tpu.vector_store %arg6[%swap3A_664, %swap3A_665, %swap3A_666], %mul3A_663 {strides = array<i32>} : memref<2x80x128xf32, #tpu.memory_space<vmem>>, vector<16xf32>,
        %get3A_668 = arith.index_cast %and3A_92 : i32 to index
        %get3A_669 = arith.index_cast %add3A_642 : i32 to index
        %get3A_670 = arith.constant 32 : index
        %get3A_671 = tpu.vector_load %arg6[%get3A_668, %get3A_669, %get3A_670] {strides = array<i32>} : memref<2x80x128xf32, #tpu.memory_space<vmem>>, vector<16xf32>,
        %mul3A_672 = arith.mulf %get3A_671, %bitcast3A_649 : vector<16xf32>
        %swap3A_673 = arith.index_cast %and3A_92 : i32 to index
        %swap3A_674 = arith.index_cast %add3A_642 : i32 to index
        %swap3A_675 = arith.constant 32 : index
        %swap3A_676 = tpu.vector_load %arg6[%swap3A_673, %swap3A_674, %swap3A_675] {strides = array<i32>} : memref<2x80x128xf32, #tpu.memory_space<vmem>>, vector<16xf32>,
        tpu.vector_store %arg6[%swap3A_673, %swap3A_674, %swap3A_675], %mul3A_672 {strides = array<i32>} : memref<2x80x128xf32, #tpu.memory_space<vmem>>, vector<16xf32>,
        %get3A_677 = arith.index_cast %and3A_92 : i32 to index
        %get3A_678 = arith.index_cast %add3A_642 : i32 to index
        %get3A_679 = arith.constant 48 : index
        %get3A_680 = tpu.vector_load %arg6[%get3A_677, %get3A_678, %get3A_679] {strides = array<i32>} : memref<2x80x128xf32, #tpu.memory_space<vmem>>, vector<16xf32>,
        %mul3A_681 = arith.mulf %get3A_680, %bitcast3A_649 : vector<16xf32>
        %swap3A_682 = arith.index_cast %and3A_92 : i32 to index
        %swap3A_683 = arith.index_cast %add3A_642 : i32 to index
        %swap3A_684 = arith.constant 48 : index
        %swap3A_685 = tpu.vector_load %arg6[%swap3A_682, %swap3A_683, %swap3A_684] {strides = array<i32>} : memref<2x80x128xf32, #tpu.memory_space<vmem>>, vector<16xf32>,
        tpu.vector_store %arg6[%swap3A_682, %swap3A_683, %swap3A_684], %mul3A_681 {strides = array<i32>} : memref<2x80x128xf32, #tpu.memory_space<vmem>>, vector<16xf32>,
        %get3A_686 = arith.index_cast %and3A_92 : i32 to index
        %get3A_687 = arith.index_cast %add3A_642 : i32 to index
        %get3A_688 = arith.constant 64 : index
        %get3A_689 = tpu.vector_load %arg6[%get3A_686, %get3A_687, %get3A_688] {strides = array<i32>} : memref<2x80x128xf32, #tpu.memory_space<vmem>>, vector<16xf32>,
        %mul3A_690 = arith.mulf %get3A_689, %bitcast3A_649 : vector<16xf32>
        %swap3A_691 = arith.index_cast %and3A_92 : i32 to index
        %swap3A_692 = arith.index_cast %add3A_642 : i32 to index
        %swap3A_693 = arith.constant 64 : index
        %swap3A_694 = tpu.vector_load %arg6[%swap3A_691, %swap3A_692, %swap3A_693] {strides = array<i32>} : memref<2x80x128xf32, #tpu.memory_space<vmem>>, vector<16xf32>,
        tpu.vector_store %arg6[%swap3A_691, %swap3A_692, %swap3A_693], %mul3A_690 {strides = array<i32>} : memref<2x80x128xf32, #tpu.memory_space<vmem>>, vector<16xf32>,
        %get3A_695 = arith.index_cast %and3A_92 : i32 to index
        %get3A_696 = arith.index_cast %add3A_642 : i32 to index
        %get3A_697 = arith.constant 80 : index
        %get3A_698 = tpu.vector_load %arg6[%get3A_695, %get3A_696, %get3A_697] {strides = array<i32>} : memref<2x80x128xf32, #tpu.memory_space<vmem>>, vector<16xf32>,
        %mul3A_699 = arith.mulf %get3A_698, %bitcast3A_649 : vector<16xf32>
        %swap3A_700 = arith.index_cast %and3A_92 : i32 to index
        %swap3A_701 = arith.index_cast %add3A_642 : i32 to index
        %swap3A_702 = arith.constant 80 : index
        %swap3A_703 = tpu.vector_load %arg6[%swap3A_700, %swap3A_701, %swap3A_702] {strides = array<i32>} : memref<2x80x128xf32, #tpu.memory_space<vmem>>, vector<16xf32>,
        tpu.vector_store %arg6[%swap3A_700, %swap3A_701, %swap3A_702], %mul3A_699 {strides = array<i32>} : memref<2x80x128xf32, #tpu.memory_space<vmem>>, vector<16xf32>,
        %get3A_704 = arith.index_cast %and3A_92 : i32 to index
        %get3A_705 = arith.index_cast %add3A_642 : i32 to index
        %get3A_706 = arith.constant 96 : index
        %get3A_707 = tpu.vector_load %arg6[%get3A_704, %get3A_705, %get3A_706] {strides = array<i32>} : memref<2x80x128xf32, #tpu.memory_space<vmem>>, vector<16xf32>,
        %mul3A_708 = arith.mulf %get3A_707, %bitcast3A_649 : vector<16xf32>
        %swap3A_709 = arith.index_cast %and3A_92 : i32 to index
        %swap3A_710 = arith.index_cast %add3A_642 : i32 to index
        %swap3A_711 = arith.constant 96 : index
        %swap3A_712 = tpu.vector_load %arg6[%swap3A_709, %swap3A_710, %swap3A_711] {strides = array<i32>} : memref<2x80x128xf32, #tpu.memory_space<vmem>>, vector<16xf32>,
        tpu.vector_store %arg6[%swap3A_709, %swap3A_710, %swap3A_711], %mul3A_708 {strides = array<i32>} : memref<2x80x128xf32, #tpu.memory_space<vmem>>, vector<16xf32>,
        %get3A_713 = arith.index_cast %and3A_92 : i32 to index
        %get3A_714 = arith.index_cast %add3A_642 : i32 to index
        %get3A_715 = arith.constant 112 : index
        %get3A_716 = tpu.vector_load %arg6[%get3A_713, %get3A_714, %get3A_715] {strides = array<i32>} : memref<2x80x128xf32, #tpu.memory_space<vmem>>, vector<16xf32>,
        %mul3A_717 = arith.mulf %get3A_716, %bitcast3A_649 : vector<16xf32>
        %swap3A_718 = arith.index_cast %and3A_92 : i32 to index
        %swap3A_719 = arith.index_cast %add3A_642 : i32 to index
        %swap3A_720 = arith.constant 112 : index
        %swap3A_721 = tpu.vector_load %arg6[%swap3A_718, %swap3A_719, %swap3A_720] {strides = array<i32>} : memref<2x80x128xf32, #tpu.memory_space<vmem>>, vector<16xf32>,
        tpu.vector_store %arg6[%swap3A_718, %swap3A_719, %swap3A_720], %mul3A_717 {strides = array<i32>} : memref<2x80x128xf32, #tpu.memory_space<vmem>>, vector<16xf32>,
        %mul3A_722 = arith.constant 8 : i32
        %mul3A_723 = arith.muli %scan3A_144, %mul3A_722 : i32
        %add3A_724 = arith.constant 7 : i32
        %add3A_725 = arith.addi %mul3A_723, %add3A_724 : i32
        %broadcast_in_dim3A_726 = vector.broadcast %add3A_725 : i32 to vector<16xi32>
        %gather3A_727 = arith.constant 2 : i32
        %gather3A_728 = arith.constant 0 : i32
        %gather3A_729 = tpu.memref_slice %arg5[%and3A_94, %gather3A_727, %gather3A_728] : memref<4x3x80xi32, #tpu.memory_space<vmem>> -> memref<1x1x80xi32, #tpu.memory_space<vmem>>
        %gather3A_730 = tpu.memref_squeeze %gather3A_729 : memref<1x1x80xi32, #tpu.memory_space<vmem>> -> memref<80xi32, #tpu.memory_space<vmem>>
        %gather3A_731 = tpu.vector_load_idx %gather3A_730[%broadcast_in_dim3A_726] : memref<80xi32, #tpu.memory_space<vmem>>[vector<16xi32>], vector<16xi32>,
        %bitcast3A_732 = vector.bitcast %gather3A_731 : vector<16xi32> to vector<16xf32>
        %get3A_733 = arith.index_cast %and3A_92 : i32 to index
        %get3A_734 = arith.index_cast %add3A_725 : i32 to index
        %get3A_735 = arith.constant 0 : index
        %get3A_736 = tpu.vector_load %arg6[%get3A_733, %get3A_734, %get3A_735] {strides = array<i32>} : memref<2x80x128xf32, #tpu.memory_space<vmem>>, vector<16xf32>,
        %mul3A_737 = arith.mulf %get3A_736, %bitcast3A_732 : vector<16xf32>
        %swap3A_738 = arith.index_cast %and3A_92 : i32 to index
        %swap3A_739 = arith.index_cast %add3A_725 : i32 to index
        %swap3A_740 = arith.constant 0 : index
        %swap3A_741 = tpu.vector_load %arg6[%swap3A_738, %swap3A_739, %swap3A_740] {strides = array<i32>} : memref<2x80x128xf32, #tpu.memory_space<vmem>>, vector<16xf32>,
        tpu.vector_store %arg6[%swap3A_738, %swap3A_739, %swap3A_740], %mul3A_737 {strides = array<i32>} : memref<2x80x128xf32, #tpu.memory_space<vmem>>, vector<16xf32>,
        %get3A_742 = arith.index_cast %and3A_92 : i32 to index
        %get3A_743 = arith.index_cast %add3A_725 : i32 to index
        %get3A_744 = arith.constant 16 : index
        %get3A_745 = tpu.vector_load %arg6[%get3A_742, %get3A_743, %get3A_744] {strides = array<i32>} : memref<2x80x128xf32, #tpu.memory_space<vmem>>, vector<16xf32>,
        %mul3A_746 = arith.mulf %get3A_745, %bitcast3A_732 : vector<16xf32>
        %swap3A_747 = arith.index_cast %and3A_92 : i32 to index
        %swap3A_748 = arith.index_cast %add3A_725 : i32 to index
        %swap3A_749 = arith.constant 16 : index
        %swap3A_750 = tpu.vector_load %arg6[%swap3A_747, %swap3A_748, %swap3A_749] {strides = array<i32>} : memref<2x80x128xf32, #tpu.memory_space<vmem>>, vector<16xf32>,
        tpu.vector_store %arg6[%swap3A_747, %swap3A_748, %swap3A_749], %mul3A_746 {strides = array<i32>} : memref<2x80x128xf32, #tpu.memory_space<vmem>>, vector<16xf32>,
        %get3A_751 = arith.index_cast %and3A_92 : i32 to index
        %get3A_752 = arith.index_cast %add3A_725 : i32 to index
        %get3A_753 = arith.constant 32 : index
        %get3A_754 = tpu.vector_load %arg6[%get3A_751, %get3A_752, %get3A_753] {strides = array<i32>} : memref<2x80x128xf32, #tpu.memory_space<vmem>>, vector<16xf32>,
        %mul3A_755 = arith.mulf %get3A_754, %bitcast3A_732 : vector<16xf32>
        %swap3A_756 = arith.index_cast %and3A_92 : i32 to index
        %swap3A_757 = arith.index_cast %add3A_725 : i32 to index
        %swap3A_758 = arith.constant 32 : index
        %swap3A_759 = tpu.vector_load %arg6[%swap3A_756, %swap3A_757, %swap3A_758] {strides = array<i32>} : memref<2x80x128xf32, #tpu.memory_space<vmem>>, vector<16xf32>,
        tpu.vector_store %arg6[%swap3A_756, %swap3A_757, %swap3A_758], %mul3A_755 {strides = array<i32>} : memref<2x80x128xf32, #tpu.memory_space<vmem>>, vector<16xf32>,
        %get3A_760 = arith.index_cast %and3A_92 : i32 to index
        %get3A_761 = arith.index_cast %add3A_725 : i32 to index
        %get3A_762 = arith.constant 48 : index
        %get3A_763 = tpu.vector_load %arg6[%get3A_760, %get3A_761, %get3A_762] {strides = array<i32>} : memref<2x80x128xf32, #tpu.memory_space<vmem>>, vector<16xf32>,
        %mul3A_764 = arith.mulf %get3A_763, %bitcast3A_732 : vector<16xf32>
        %swap3A_765 = arith.index_cast %and3A_92 : i32 to index
        %swap3A_766 = arith.index_cast %add3A_725 : i32 to index
        %swap3A_767 = arith.constant 48 : index
        %swap3A_768 = tpu.vector_load %arg6[%swap3A_765, %swap3A_766, %swap3A_767] {strides = array<i32>} : memref<2x80x128xf32, #tpu.memory_space<vmem>>, vector<16xf32>,
        tpu.vector_store %arg6[%swap3A_765, %swap3A_766, %swap3A_767], %mul3A_764 {strides = array<i32>} : memref<2x80x128xf32, #tpu.memory_space<vmem>>, vector<16xf32>,
        %get3A_769 = arith.index_cast %and3A_92 : i32 to index
        %get3A_770 = arith.index_cast %add3A_725 : i32 to index
        %get3A_771 = arith.constant 64 : index
        %get3A_772 = tpu.vector_load %arg6[%get3A_769, %get3A_770, %get3A_771] {strides = array<i32>} : memref<2x80x128xf32, #tpu.memory_space<vmem>>, vector<16xf32>,
        %mul3A_773 = arith.mulf %get3A_772, %bitcast3A_732 : vector<16xf32>
        %swap3A_774 = arith.index_cast %and3A_92 : i32 to index
        %swap3A_775 = arith.index_cast %add3A_725 : i32 to index
        %swap3A_776 = arith.constant 64 : index
        %swap3A_777 = tpu.vector_load %arg6[%swap3A_774, %swap3A_775, %swap3A_776] {strides = array<i32>} : memref<2x80x128xf32, #tpu.memory_space<vmem>>, vector<16xf32>,
        tpu.vector_store %arg6[%swap3A_774, %swap3A_775, %swap3A_776], %mul3A_773 {strides = array<i32>} : memref<2x80x128xf32, #tpu.memory_space<vmem>>, vector<16xf32>,
        %get3A_778 = arith.index_cast %and3A_92 : i32 to index
        %get3A_779 = arith.index_cast %add3A_725 : i32 to index
        %get3A_780 = arith.constant 80 : index
        %get3A_781 = tpu.vector_load %arg6[%get3A_778, %get3A_779, %get3A_780] {strides = array<i32>} : memref<2x80x128xf32, #tpu.memory_space<vmem>>, vector<16xf32>,
        %mul3A_782 = arith.mulf %get3A_781, %bitcast3A_732 : vector<16xf32>
        %swap3A_783 = arith.index_cast %and3A_92 : i32 to index
        %swap3A_784 = arith.index_cast %add3A_725 : i32 to index
        %swap3A_785 = arith.constant 80 : index
        %swap3A_786 = tpu.vector_load %arg6[%swap3A_783, %swap3A_784, %swap3A_785] {strides = array<i32>} : memref<2x80x128xf32, #tpu.memory_space<vmem>>, vector<16xf32>,
        tpu.vector_store %arg6[%swap3A_783, %swap3A_784, %swap3A_785], %mul3A_782 {strides = array<i32>} : memref<2x80x128xf32, #tpu.memory_space<vmem>>, vector<16xf32>,
        %get3A_787 = arith.index_cast %and3A_92 : i32 to index
        %get3A_788 = arith.index_cast %add3A_725 : i32 to index
        %get3A_789 = arith.constant 96 : index
        %get3A_790 = tpu.vector_load %arg6[%get3A_787, %get3A_788, %get3A_789] {strides = array<i32>} : memref<2x80x128xf32, #tpu.memory_space<vmem>>, vector<16xf32>,
        %mul3A_791 = arith.mulf %get3A_790, %bitcast3A_732 : vector<16xf32>
        %swap3A_792 = arith.index_cast %and3A_92 : i32 to index
        %swap3A_793 = arith.index_cast %add3A_725 : i32 to index
        %swap3A_794 = arith.constant 96 : index
        %swap3A_795 = tpu.vector_load %arg6[%swap3A_792, %swap3A_793, %swap3A_794] {strides = array<i32>} : memref<2x80x128xf32, #tpu.memory_space<vmem>>, vector<16xf32>,
        tpu.vector_store %arg6[%swap3A_792, %swap3A_793, %swap3A_794], %mul3A_791 {strides = array<i32>} : memref<2x80x128xf32, #tpu.memory_space<vmem>>, vector<16xf32>,
        %get3A_796 = arith.index_cast %and3A_92 : i32 to index
        %get3A_797 = arith.index_cast %add3A_725 : i32 to index
        %get3A_798 = arith.constant 112 : index
        %get3A_799 = tpu.vector_load %arg6[%get3A_796, %get3A_797, %get3A_798] {strides = array<i32>} : memref<2x80x128xf32, #tpu.memory_space<vmem>>, vector<16xf32>,
        %mul3A_800 = arith.mulf %get3A_799, %bitcast3A_732 : vector<16xf32>
        %swap3A_801 = arith.index_cast %and3A_92 : i32 to index
        %swap3A_802 = arith.index_cast %add3A_725 : i32 to index
        %swap3A_803 = arith.constant 112 : index
        %swap3A_804 = tpu.vector_load %arg6[%swap3A_801, %swap3A_802, %swap3A_803] {strides = array<i32>} : memref<2x80x128xf32, #tpu.memory_space<vmem>>, vector<16xf32>,
        tpu.vector_store %arg6[%swap3A_801, %swap3A_802, %swap3A_803], %mul3A_800 {strides = array<i32>} : memref<2x80x128xf32, #tpu.memory_space<vmem>>, vector<16xf32>,
      }
      %scan3A_130 = arith.constant 10 : i32
      %and3A_131 = arith.constant 3 : i32
      %and3A_132 = arith.andi %scan3A_91, %and3A_131 : i32
      %dma_start3A_133 = arith.constant 1 : i32
      %dma_start3A_134 = arith.constant 0 : i32
      %dma_start3A_135 = arith.constant 0 : i32
      %dma_start3A_136 = tpu.memref_slice %arg6[%and3A_92, %dma_start3A_134, %dma_start3A_135] : memref<2x80x128xf32, #tpu.memory_space<vmem>> -> memref<1x80x128xf32, #tpu.memory_space<vmem>>
      %dma_start3A_137 = tpu.memref_squeeze %dma_start3A_136 : memref<1x80x128xf32, #tpu.memory_space<vmem>> -> memref<80x128xf32, #tpu.memory_space<vmem>>
      %dma_start3A_138 = arith.constant 0 : i32
      %dma_start3A_139 = tpu.memref_slice %arg5[%and3A_132, %dma_start3A_133, %dma_start3A_138] : memref<4x3x80xi32, #tpu.memory_space<vmem>> -> memref<1x1x80xi32, #tpu.memory_space<vmem>>
      %dma_start3A_140 = tpu.memref_squeeze %dma_start3A_139 : memref<1x1x80xi32, #tpu.memory_space<vmem>> -> memref<80xi32, #tpu.memory_space<vmem>>
      %dma_start3A_141 = arith.constant 0 : i32
      %dma_start3A_142 = arith.constant 0 : i32
      %dma_start3A_143 = tpu.memref_slice %arg8[%dma_start3A_141, %dma_start3A_142] : memref<10000x128xf32, #tpu.memory_space<vmem_shared>> -> memref<10000x128xf32, #tpu.memory_space<vmem_shared>>
      tpu.enqueue_indirect_dma source(%dma_start3A_137 : memref<80x128xf32, #tpu.memory_space<vmem>>) target(%dma_start3A_143 : memref<10000x128xf32, #tpu.memory_space<vmem_shared>>) offsets(%dma_start3A_140 : memref<80xi32, #tpu.memory_space<vmem>>) semaphore(%arg11 : memref<!tpu.dma_semaphore, #tpu.memory_space<semaphore_mem>>) {add = true}
    }
    %scan3A_54 = arith.constant 125 : i32
    %dma_wait3A = arith.constant 0 : i32
    %dma_wait3A_55 = arith.constant 0 : i32
    %dma_wait3A_56 = arith.constant 0 : i32
    %dma_wait3A_57 = tpu.memref_slice %arg6[%dma_wait3A, %dma_wait3A_55, %dma_wait3A_56] : memref<2x80x128xf32, #tpu.memory_space<vmem>> -> memref<1x80x128xf32, #tpu.memory_space<vmem>>
    %dma_wait3A_58 = tpu.memref_squeeze %dma_wait3A_57 : memref<1x80x128xf32, #tpu.memory_space<vmem>> -> memref<80x128xf32, #tpu.memory_space<vmem>>
    %dma_wait3A_59 = arith.constant 0 : i32
    %dma_wait3A_60 = arith.constant 0 : i32
    %dma_wait3A_61 = tpu.memref_slice %arg8[%dma_wait3A_59, %dma_wait3A_60] : memref<10000x128xf32, #tpu.memory_space<vmem_shared>> -> memref<80x128xf32, #tpu.memory_space<vmem_shared>>
    %dma_wait3A_62 = arith.constant 0 : i32
    %dma_wait3A_63 = arith.constant 0 : i32
    %dma_wait3A_64 = tpu.memref_slice %arg8[%dma_wait3A_62, %dma_wait3A_63] : memref<10000x128xf32, #tpu.memory_space<vmem_shared>> -> memref<80x128xf32, #tpu.memory_space<vmem_shared>>
    %dma_wait3A_65 = arith.constant 0 : i32
    %dma_wait3A_66 = arith.constant 0 : i32
    %dma_wait3A_67 = tpu.memref_slice %arg6[%dma_wait3A, %dma_wait3A_65, %dma_wait3A_66] : memref<2x80x128xf32, #tpu.memory_space<vmem>> -> memref<1x80x128xf32, #tpu.memory_space<vmem>>
    %dma_wait3A_68 = tpu.memref_squeeze %dma_wait3A_67 : memref<1x80x128xf32, #tpu.memory_space<vmem>> -> memref<80x128xf32, #tpu.memory_space<vmem>>
    tpu.wait_dma2 semaphore(%arg11 : memref<!tpu.dma_semaphore, #tpu.memory_space<semaphore_mem>>) src(%dma_wait3A_68 : memref<80x128xf32, #tpu.memory_space<vmem>>) dst(%dma_wait3A_64 : memref<80x128xf32, #tpu.memory_space<vmem_shared>>)
    %dma_wait3A_69 = arith.constant 0 : i32
    %dma_wait3A_70 = arith.constant 0 : i32
    %dma_wait3A_71 = arith.constant 0 : i32
    %dma_wait3A_72 = tpu.memref_slice %arg6[%dma_wait3A_69, %dma_wait3A_70, %dma_wait3A_71] : memref<2x80x128xf32, #tpu.memory_space<vmem>> -> memref<1x80x128xf32, #tpu.memory_space<vmem>>
    %dma_wait3A_73 = tpu.memref_squeeze %dma_wait3A_72 : memref<1x80x128xf32, #tpu.memory_space<vmem>> -> memref<80x128xf32, #tpu.memory_space<vmem>>
    %dma_wait3A_74 = arith.constant 0 : i32
    %dma_wait3A_75 = arith.constant 0 : i32
    %dma_wait3A_76 = tpu.memref_slice %arg8[%dma_wait3A_74, %dma_wait3A_75] : memref<10000x128xf32, #tpu.memory_space<vmem_shared>> -> memref<80x128xf32, #tpu.memory_space<vmem_shared>>
    %dma_wait3A_77 = arith.constant 0 : i32
    %dma_wait3A_78 = arith.constant 0 : i32
    %dma_wait3A_79 = tpu.memref_slice %arg8[%dma_wait3A_77, %dma_wait3A_78] : memref<10000x128xf32, #tpu.memory_space<vmem_shared>> -> memref<80x128xf32, #tpu.memory_space<vmem_shared>>
    %dma_wait3A_80 = arith.constant 0 : i32
    %dma_wait3A_81 = arith.constant 0 : i32
    %dma_wait3A_82 = tpu.memref_slice %arg6[%dma_wait3A_69, %dma_wait3A_80, %dma_wait3A_81] : memref<2x80x128xf32, #tpu.memory_space<vmem>> -> memref<1x80x128xf32, #tpu.memory_space<vmem>>
    %dma_wait3A_83 = tpu.memref_squeeze %dma_wait3A_82 : memref<1x80x128xf32, #tpu.memory_space<vmem>> -> memref<80x128xf32, #tpu.memory_space<vmem>>
    tpu.wait_dma2 semaphore(%arg11 : memref<!tpu.dma_semaphore, #tpu.memory_space<semaphore_mem>>) src(%dma_wait3A_83 : memref<80x128xf32, #tpu.memory_space<vmem>>) dst(%dma_wait3A_79 : memref<80x128xf32, #tpu.memory_space<vmem_shared>>)
    %barrier3A_84 = arith.constant 0 : index
    tpu.barrier barrier_id(%barrier3A_84)
    %lt3A = arith.constant 15 : i32
    %lt3A_85 = arith.cmpi slt, %arg1, %lt3A : i32
    %convert_element_type3A = arith.extui %lt3A_85 : i1 to i32
    %cond3A = arith.constant 0 : i32
    %cond3A_86 = arith.cmpi ne, %convert_element_type3A, %cond3A : i32
    scf.if %cond3A_86 {
      %mul3A_91 = arith.constant 632 : i32
      %mul3A_92 = arith.muli %arg1, %mul3A_91 : i32
      %multiple_of3A = tpu.assume_multiple %mul3A_92, 8 : i32
      "tpu.region"() ({
        %run_scoped3A_93 = tpu.sem_alloc : memref<!tpu.dma_semaphore, #tpu.memory_space<semaphore_mem>>
        %dma_start3A_94 = arith.constant 0 : i32
        %dma_start3A_95 = tpu.memref_slice %arg4[%arg0, %multiple_of3A, %dma_start3A_94] : memref<2x10000x128xf32, #tpu.memory_space<hbm>> -> memref<1x632x128xf32, #tpu.memory_space<hbm>>
        %dma_start3A_96 = tpu.memref_squeeze %dma_start3A_95 : memref<1x632x128xf32, #tpu.memory_space<hbm>> -> memref<632x128xf32, #tpu.memory_space<hbm>>
        %dma_start3A_97 = arith.constant 0 : i32
        %dma_start3A_98 = tpu.memref_slice %arg8[%multiple_of3A, %dma_start3A_97] : memref<10000x128xf32, #tpu.memory_space<vmem_shared>> -> memref<632x128xf32, #tpu.memory_space<vmem_shared>>
        tpu.enqueue_dma source(%dma_start3A_98 : memref<632x128xf32, #tpu.memory_space<vmem_shared>>) target(%dma_start3A_96 : memref<632x128xf32, #tpu.memory_space<hbm>>) target_semaphore(%run_scoped3A_93 : memref<!tpu.dma_semaphore, #tpu.memory_space<semaphore_mem>>)
        %dma_wait3A_99 = arith.constant 0 : i32
        %dma_wait3A_100 = tpu.memref_slice %arg4[%arg0, %multiple_of3A, %dma_wait3A_99] : memref<2x10000x128xf32, #tpu.memory_space<hbm>> -> memref<1x632x128xf32, #tpu.memory_space<hbm>>
        %dma_wait3A_101 = tpu.memref_squeeze %dma_wait3A_100 : memref<1x632x128xf32, #tpu.memory_space<hbm>> -> memref<632x128xf32, #tpu.memory_space<hbm>>
        %dma_wait3A_102 = arith.constant 0 : i32
        %dma_wait3A_103 = tpu.memref_slice %arg8[%multiple_of3A, %dma_wait3A_102] : memref<10000x128xf32, #tpu.memory_space<vmem_shared>> -> memref<632x128xf32, #tpu.memory_space<vmem_shared>>
        tpu.wait_dma2 semaphore(%run_scoped3A_93 : memref<!tpu.dma_semaphore, #tpu.memory_space<semaphore_mem>>) src(%dma_wait3A_103 : memref<632x128xf32, #tpu.memory_space<vmem_shared>>) dst(%dma_wait3A_101 : memref<632x128xf32, #tpu.memory_space<hbm>>)
        tpu.yield
      }) : () -> ()
    } else {
    }
    %eq3A = arith.constant 15 : i32
    %eq3A_87 = arith.cmpi eq, %arg1, %eq3A : i32
    %convert_element_type3A_88 = arith.extui %eq3A_87 : i1 to i32
    %cond3A_89 = arith.constant 0 : i32
    %cond3A_90 = arith.cmpi ne, %convert_element_type3A_88, %cond3A_89 : i32
    scf.if %cond3A_90 {
      "tpu.region"() ({
        %run_scoped3A_91 = tpu.sem_alloc : memref<!tpu.dma_semaphore, #tpu.memory_space<semaphore_mem>>
        %dma_start3A_92 = arith.constant 9480 : i32
        %dma_start3A_93 = arith.constant 0 : i32
        %dma_start3A_94 = tpu.memref_slice %arg4[%arg0, %dma_start3A_92, %dma_start3A_93] : memref<2x10000x128xf32, #tpu.memory_space<hbm>> -> memref<1x520x128xf32, #tpu.memory_space<hbm>>
        %dma_start3A_95 = tpu.memref_squeeze %dma_start3A_94 : memref<1x520x128xf32, #tpu.memory_space<hbm>> -> memref<520x128xf32, #tpu.memory_space<hbm>>
        %dma_start3A_96 = arith.constant 9480 : i32
        %dma_start3A_97 = arith.constant 0 : i32
        %dma_start3A_98 = tpu.memref_slice %arg8[%dma_start3A_96, %dma_start3A_97] : memref<10000x128xf32, #tpu.memory_space<vmem_shared>> -> memref<520x128xf32, #tpu.memory_space<vmem_shared>>
        tpu.enqueue_dma source(%dma_start3A_98 : memref<520x128xf32, #tpu.memory_space<vmem_shared>>) target(%dma_start3A_95 : memref<520x128xf32, #tpu.memory_space<hbm>>) target_semaphore(%run_scoped3A_91 : memref<!tpu.dma_semaphore, #tpu.memory_space<semaphore_mem>>)
        %dma_wait3A_99 = arith.constant 9480 : i32
        %dma_wait3A_100 = arith.constant 0 : i32
        %dma_wait3A_101 = tpu.memref_slice %arg4[%arg0, %dma_wait3A_99, %dma_wait3A_100] : memref<2x10000x128xf32, #tpu.memory_space<hbm>> -> memref<1x520x128xf32, #tpu.memory_space<hbm>>
        %dma_wait3A_102 = tpu.memref_squeeze %dma_wait3A_101 : memref<1x520x128xf32, #tpu.memory_space<hbm>> -> memref<520x128xf32, #tpu.memory_space<hbm>>
        %dma_wait3A_103 = arith.constant 9480 : i32
        %dma_wait3A_104 = arith.constant 0 : i32
        %dma_wait3A_105 = tpu.memref_slice %arg8[%dma_wait3A_103, %dma_wait3A_104] : memref<10000x128xf32, #tpu.memory_space<vmem_shared>> -> memref<520x128xf32, #tpu.memory_space<vmem_shared>>
        tpu.wait_dma2 semaphore(%run_scoped3A_91 : memref<!tpu.dma_semaphore, #tpu.memory_space<semaphore_mem>>) src(%dma_wait3A_105 : memref<520x128xf32, #tpu.memory_space<vmem_shared>>) dst(%dma_wait3A_102 : memref<520x128xf32, #tpu.memory_space<hbm>>)
        tpu.yield
      }) : () -> ()
    } else {
    }
    return
  }
}

#map = affine_map<(d0, d1) -> (0, 0)>
#map1 = affine_map<(d0, d1) -> (0, 0, 0)>
module attributes {stable_mosaic.version = 14 : i64} {
  func.func @_spmm_body(%arg0: i32, %arg1: i32, %arg2: memref<10000x128xf32, #tpu.memory_space<hbm>>, %arg3: memref<4000x3x80xi32, #tpu.memory_space<hbm>>, %arg4: memref<2x10000x128xf32, #tpu.memory_space<hbm>>, %arg5: memref<4x3x80xi32, #tpu.memory_space<vmem>>, %arg6: memref<2x80x128xf32, #tpu.memory_space<vmem>>, %arg7: memref<125x128xf32, #tpu.memory_space<vmem>>, %arg8: memref<10000x128xf32, #tpu.memory_space<vmem_shared>>, %arg9: memref<2x!tpu.dma_semaphore, #tpu.memory_space<semaphore_mem>>, %arg10: memref<!tpu.dma_semaphore, #tpu.memory_space<semaphore_mem>>, %arg11: memref<!tpu.dma_semaphore, #tpu.memory_space<semaphore_mem>>) attributes {dimension_semantics = [#tpu.dimension_semantics<core_parallel>, #tpu.dimension_semantics<subcore_parallel>], iteration_bounds = array<i64: 2, 16>, scalar_prefetch = 0 : i64, scratch_operands = 7 : i64, tpu.core_type = #tpu.core_type<sc_vector_subcore>, window_params = [{transform_indices = #map}, {transform_indices = #map1}, {transform_indices = #map1}]} {
    %mul3A = arith.constant 16 : i32
    %mul3A_0 = arith.muli %arg0, %mul3A : i32
    %add3A = arith.addi %mul3A_0, %arg1 : i32
    %broadcast_in_dim3A = arith.constant 0.000000e+00 : f32
    %broadcast_in_dim3A_1 = vector.broadcast %broadcast_in_dim3A : f32 to vector<16xf32>
    %scan3A = arith.constant 0 : i32
    %scan3A_2 = arith.constant 0 : i32
    %scan3A_3 = arith.constant 125 : i32
    %scan3A_4 = arith.addi %scan3A_2, %scan3A_3 : i32
    %scan3A_5 = arith.constant 1 : i32
    scf.for %scan3A_91 = %scan3A_2 to %scan3A_4 step %scan3A_5  : i32 {
      %swap3A = arith.index_cast %scan3A_91 : i32 to index
      %swap3A_92 = arith.constant 0 : index
      %swap3A_93 = tpu.vector_load %arg7[%swap3A, %swap3A_92] {strides = array<i32>} : memref<125x128xf32, #tpu.memory_space<vmem>>, vector<16xf32>,
      tpu.vector_store %arg7[%swap3A, %swap3A_92], %broadcast_in_dim3A_1 {strides = array<i32>} : memref<125x128xf32, #tpu.memory_space<vmem>>, vector<16xf32>,
      %swap3A_94 = arith.index_cast %scan3A_91 : i32 to index
      %swap3A_95 = arith.constant 16 : index
      %swap3A_96 = tpu.vector_load %arg7[%swap3A_94, %swap3A_95] {strides = array<i32>} : memref<125x128xf32, #tpu.memory_space<vmem>>, vector<16xf32>,
      tpu.vector_store %arg7[%swap3A_94, %swap3A_95], %broadcast_in_dim3A_1 {strides = array<i32>} : memref<125x128xf32, #tpu.memory_space<vmem>>, vector<16xf32>,
      %swap3A_97 = arith.index_cast %scan3A_91 : i32 to index
      %swap3A_98 = arith.constant 32 : index
      %swap3A_99 = tpu.vector_load %arg7[%swap3A_97, %swap3A_98] {strides = array<i32>} : memref<125x128xf32, #tpu.memory_space<vmem>>, vector<16xf32>,
      tpu.vector_store %arg7[%swap3A_97, %swap3A_98], %broadcast_in_dim3A_1 {strides = array<i32>} : memref<125x128xf32, #tpu.memory_space<vmem>>, vector<16xf32>,
      %swap3A_100 = arith.index_cast %scan3A_91 : i32 to index
      %swap3A_101 = arith.constant 48 : index
      %swap3A_102 = tpu.vector_load %arg7[%swap3A_100, %swap3A_101] {strides = array<i32>} : memref<125x128xf32, #tpu.memory_space<vmem>>, vector<16xf32>,
      tpu.vector_store %arg7[%swap3A_100, %swap3A_101], %broadcast_in_dim3A_1 {strides = array<i32>} : memref<125x128xf32, #tpu.memory_space<vmem>>, vector<16xf32>,
      %swap3A_103 = arith.index_cast %scan3A_91 : i32 to index
      %swap3A_104 = arith.constant 64 : index
      %swap3A_105 = tpu.vector_load %arg7[%swap3A_103, %swap3A_104] {strides = array<i32>} : memref<125x128xf32, #tpu.memory_space<vmem>>, vector<16xf32>,
      tpu.vector_store %arg7[%swap3A_103, %swap3A_104], %broadcast_in_dim3A_1 {strides = array<i32>} : memref<125x128xf32, #tpu.memory_space<vmem>>, vector<16xf32>,
      %swap3A_106 = arith.index_cast %scan3A_91 : i32 to index
      %swap3A_107 = arith.constant 80 : index
      %swap3A_108 = tpu.vector_load %arg7[%swap3A_106, %swap3A_107] {strides = array<i32>} : memref<125x128xf32, #tpu.memory_space<vmem>>, vector<16xf32>,
      tpu.vector_store %arg7[%swap3A_106, %swap3A_107], %broadcast_in_dim3A_1 {strides = array<i32>} : memref<125x128xf32, #tpu.memory_space<vmem>>, vector<16xf32>,
      %swap3A_109 = arith.index_cast %scan3A_91 : i32 to index
      %swap3A_110 = arith.constant 96 : index
      %swap3A_111 = tpu.vector_load %arg7[%swap3A_109, %swap3A_110] {strides = array<i32>} : memref<125x128xf32, #tpu.memory_space<vmem>>, vector<16xf32>,
      tpu.vector_store %arg7[%swap3A_109, %swap3A_110], %broadcast_in_dim3A_1 {strides = array<i32>} : memref<125x128xf32, #tpu.memory_space<vmem>>, vector<16xf32>,
      %swap3A_112 = arith.index_cast %scan3A_91 : i32 to index
      %swap3A_113 = arith.constant 112 : index
      %swap3A_114 = tpu.vector_load %arg7[%swap3A_112, %swap3A_113] {strides = array<i32>} : memref<125x128xf32, #tpu.memory_space<vmem>>, vector<16xf32>,
      tpu.vector_store %arg7[%swap3A_112, %swap3A_113], %broadcast_in_dim3A_1 {strides = array<i32>} : memref<125x128xf32, #tpu.memory_space<vmem>>, vector<16xf32>,
    }
    %scan3A_6 = arith.constant 125 : i32
    %scan3A_7 = arith.constant 0 : i32
    %scan3A_8 = arith.constant 0 : i32
    %scan3A_9 = arith.constant 5 : i32
    %scan3A_10 = arith.addi %scan3A_8, %scan3A_9 : i32
    %scan3A_11 = arith.constant 1 : i32
    scf.for %scan3A_91 = %scan3A_8 to %scan3A_10 step %scan3A_11  : i32 {
      %mul3A_92 = arith.constant 625 : i32
      %mul3A_93 = arith.muli %arg1, %mul3A_92 : i32
      %mul3A_94 = arith.constant 125 : i32
      %mul3A_95 = arith.muli %scan3A_91, %mul3A_94 : i32
      %add3A_96 = arith.addi %mul3A_93, %mul3A_95 : i32
      "tpu.region"() ({
        %run_scoped3A_97 = tpu.sem_alloc : memref<!tpu.dma_semaphore, #tpu.memory_space<semaphore_mem>>
        %dma_start3A_98 = arith.constant 0 : i32
        %dma_start3A_99 = tpu.memref_slice %arg8[%add3A_96, %dma_start3A_98] : memref<10000x128xf32, #tpu.memory_space<vmem_shared>> -> memref<125x128xf32, #tpu.memory_space<vmem_shared>>
        %dma_start3A_100 = arith.constant 0 : i32
        %dma_start3A_101 = tpu.memref_slice %arg8[%add3A_96, %dma_start3A_100] : memref<10000x128xf32, #tpu.memory_space<vmem_shared>> -> memref<125x128xf32, #tpu.memory_space<vmem_shared>>
        tpu.enqueue_dma source(%arg7 : memref<125x128xf32, #tpu.memory_space<vmem>>) target(%dma_start3A_101 : memref<125x128xf32, #tpu.memory_space<vmem_shared>>) target_semaphore(%run_scoped3A_97 : memref<!tpu.dma_semaphore, #tpu.memory_space<semaphore_mem>>)
        %dma_wait3A_102 = arith.constant 0 : i32
        %dma_wait3A_103 = tpu.memref_slice %arg8[%add3A_96, %dma_wait3A_102] : memref<10000x128xf32, #tpu.memory_space<vmem_shared>> -> memref<125x128xf32, #tpu.memory_space<vmem_shared>>
        %dma_wait3A_104 = arith.constant 0 : i32
        %dma_wait3A_105 = tpu.memref_slice %arg8[%add3A_96, %dma_wait3A_104] : memref<10000x128xf32, #tpu.memory_space<vmem_shared>> -> memref<125x128xf32, #tpu.memory_space<vmem_shared>>
        tpu.wait_dma2 semaphore(%run_scoped3A_97 : memref<!tpu.dma_semaphore, #tpu.memory_space<semaphore_mem>>) src(%arg7 : memref<125x128xf32, #tpu.memory_space<vmem>>) dst(%dma_wait3A_105 : memref<125x128xf32, #tpu.memory_space<vmem_shared>>)
        tpu.yield
      }) : () -> ()
    }
    %scan3A_12 = arith.constant 5 : i32
    %barrier3A = arith.constant 0 : index
    tpu.barrier barrier_id(%barrier3A)
    %mul3A_13 = arith.constant 125 : i32
    %mul3A_14 = arith.muli %add3A, %mul3A_13 : i32
    %run_scoped3A = arith.constant 0 : i32
    "tpu.region"() ({
      %run_scoped3A_91 = tpu.sem_alloc : memref<!tpu.dma_semaphore, #tpu.memory_space<semaphore_mem>>
      %dma_start3A_92 = arith.constant 0 : i32
      %dma_start3A_93 = arith.constant 0 : i32
      %dma_start3A_94 = tpu.memref_slice %arg5[%run_scoped3A, %dma_start3A_92, %dma_start3A_93] : memref<4x3x80xi32, #tpu.memory_space<vmem>> -> memref<1x3x80xi32, #tpu.memory_space<vmem>>
      %dma_start3A_95 = tpu.memref_squeeze %dma_start3A_94 : memref<1x3x80xi32, #tpu.memory_space<vmem>> -> memref<3x80xi32, #tpu.memory_space<vmem>>
      %dma_start3A_96 = arith.constant 0 : i32
      %dma_start3A_97 = arith.constant 0 : i32
      %dma_start3A_98 = tpu.memref_slice %arg3[%mul3A_14, %dma_start3A_96, %dma_start3A_97] : memref<4000x3x80xi32, #tpu.memory_space<hbm>> -> memref<1x3x80xi32, #tpu.memory_space<hbm>>
      %dma_start3A_99 = tpu.memref_squeeze %dma_start3A_98 : memref<1x3x80xi32, #tpu.memory_space<hbm>> -> memref<3x80xi32, #tpu.memory_space<hbm>>
      %dma_start3A_100 = arith.constant 0 : i32
      %dma_start3A_101 = arith.constant 0 : i32
      %dma_start3A_102 = tpu.memref_slice %arg5[%run_scoped3A, %dma_start3A_100, %dma_start3A_101] : memref<4x3x80xi32, #tpu.memory_space<vmem>> -> memref<1x3x80xi32, #tpu.memory_space<vmem>>
      %dma_start3A_103 = tpu.memref_squeeze %dma_start3A_102 : memref<1x3x80xi32, #tpu.memory_space<vmem>> -> memref<3x80xi32, #tpu.memory_space<vmem>>
      %dma_start3A_104 = arith.constant 0 : i32
      %dma_start3A_105 = arith.constant 0 : i32
      %dma_start3A_106 = tpu.memref_slice %arg3[%mul3A_14, %dma_start3A_104, %dma_start3A_105] : memref<4000x3x80xi32, #tpu.memory_space<hbm>> -> memref<1x3x80xi32, #tpu.memory_space<hbm>>
      %dma_start3A_107 = tpu.memref_squeeze %dma_start3A_106 : memref<1x3x80xi32, #tpu.memory_space<hbm>> -> memref<3x80xi32, #tpu.memory_space<hbm>>
      tpu.enqueue_dma source(%dma_start3A_107 : memref<3x80xi32, #tpu.memory_space<hbm>>) target(%dma_start3A_103 : memref<3x80xi32, #tpu.memory_space<vmem>>) target_semaphore(%run_scoped3A_91 : memref<!tpu.dma_semaphore, #tpu.memory_space<semaphore_mem>>)
      %dma_wait3A_108 = arith.constant 0 : i32
      %dma_wait3A_109 = arith.constant 0 : i32
      %dma_wait3A_110 = tpu.memref_slice %arg5[%run_scoped3A, %dma_wait3A_108, %dma_wait3A_109] : memref<4x3x80xi32, #tpu.memory_space<vmem>> -> memref<1x3x80xi32, #tpu.memory_space<vmem>>
      %dma_wait3A_111 = tpu.memref_squeeze %dma_wait3A_110 : memref<1x3x80xi32, #tpu.memory_space<vmem>> -> memref<3x80xi32, #tpu.memory_space<vmem>>
      %dma_wait3A_112 = arith.constant 0 : i32
      %dma_wait3A_113 = arith.constant 0 : i32
      %dma_wait3A_114 = tpu.memref_slice %arg3[%mul3A_14, %dma_wait3A_112, %dma_wait3A_113] : memref<4000x3x80xi32, #tpu.memory_space<hbm>> -> memref<1x3x80xi32, #tpu.memory_space<hbm>>
      %dma_wait3A_115 = tpu.memref_squeeze %dma_wait3A_114 : memref<1x3x80xi32, #tpu.memory_space<hbm>> -> memref<3x80xi32, #tpu.memory_space<hbm>>
      %dma_wait3A_116 = arith.constant 0 : i32
      %dma_wait3A_117 = arith.constant 0 : i32
      %dma_wait3A_118 = tpu.memref_slice %arg5[%run_scoped3A, %dma_wait3A_116, %dma_wait3A_117] : memref<4x3x80xi32, #tpu.memory_space<vmem>> -> memref<1x3x80xi32, #tpu.memory_space<vmem>>
      %dma_wait3A_119 = tpu.memref_squeeze %dma_wait3A_118 : memref<1x3x80xi32, #tpu.memory_space<vmem>> -> memref<3x80xi32, #tpu.memory_space<vmem>>
      %dma_wait3A_120 = arith.constant 0 : i32
      %dma_wait3A_121 = arith.constant 0 : i32
      %dma_wait3A_122 = tpu.memref_slice %arg3[%mul3A_14, %dma_wait3A_120, %dma_wait3A_121] : memref<4000x3x80xi32, #tpu.memory_space<hbm>> -> memref<1x3x80xi32, #tpu.memory_space<hbm>>
      %dma_wait3A_123 = tpu.memref_squeeze %dma_wait3A_122 : memref<1x3x80xi32, #tpu.memory_space<hbm>> -> memref<3x80xi32, #tpu.memory_space<hbm>>
      tpu.wait_dma2 semaphore(%run_scoped3A_91 : memref<!tpu.dma_semaphore, #tpu.memory_space<semaphore_mem>>) src(%dma_wait3A_123 : memref<3x80xi32, #tpu.memory_space<hbm>>) dst(%dma_wait3A_119 : memref<3x80xi32, #tpu.memory_space<vmem>>)
      tpu.yield
    }) : () -> ()
    %dma_start3A = arith.constant 0 : i32
    %dma_start3A_15 = arith.constant 0 : i32
    %dma_start3A_16 = arith.constant 0 : i32
    %dma_start3A_17 = arith.constant 0 : i32
    %dma_start3A_18 = arith.constant 0 : i32
    %dma_start3A_19 = arith.constant 0 : i32
    %dma_start3A_20 = tpu.memref_slice %arg6[%dma_start3A_16, %dma_start3A_18, %dma_start3A_19] : memref<2x80x128xf32, #tpu.memory_space<vmem>> -> memref<1x80x128xf32, #tpu.memory_space<vmem>>
    %dma_start3A_21 = tpu.memref_squeeze %dma_start3A_20 : memref<1x80x128xf32, #tpu.memory_space<vmem>> -> memref<80x128xf32, #tpu.memory_space<vmem>>
    %dma_start3A_22 = arith.constant 0 : i32
    %dma_start3A_23 = tpu.memref_slice %arg5[%dma_start3A, %dma_start3A_15, %dma_start3A_22] : memref<4x3x80xi32, #tpu.memory_space<vmem>> -> memref<1x1x80xi32, #tpu.memory_space<vmem>>
    %dma_start3A_24 = tpu.memref_squeeze %dma_start3A_23 : memref<1x1x80xi32, #tpu.memory_space<vmem>> -> memref<80xi32, #tpu.memory_space<vmem>>
    %dma_start3A_25 = arith.constant 0 : i32
    %dma_start3A_26 = arith.constant 0 : i32
    %dma_start3A_27 = tpu.memref_slice %arg2[%dma_start3A_25, %dma_start3A_26] : memref<10000x128xf32, #tpu.memory_space<hbm>> -> memref<10000x128xf32, #tpu.memory_space<hbm>>
    %dma_start3A_28 = tpu.memref_slice %arg9[%dma_start3A_17] : memref<2x!tpu.dma_semaphore, #tpu.memory_space<semaphore_mem>> -> memref<1x!tpu.dma_semaphore, #tpu.memory_space<semaphore_mem>>
    %dma_start3A_29 = tpu.memref_squeeze %dma_start3A_28 : memref<1x!tpu.dma_semaphore, #tpu.memory_space<semaphore_mem>> -> memref<!tpu.dma_semaphore, #tpu.memory_space<semaphore_mem>>
    tpu.enqueue_indirect_dma source(%dma_start3A_27 : memref<10000x128xf32, #tpu.memory_space<hbm>>) target(%dma_start3A_21 : memref<80x128xf32, #tpu.memory_space<vmem>>) offsets(%dma_start3A_24 : memref<80xi32, #tpu.memory_space<vmem>>) semaphore(%dma_start3A_29 : memref<!tpu.dma_semaphore, #tpu.memory_space<semaphore_mem>>)
    %add3A_30 = arith.constant 1 : i32
    %add3A_31 = arith.addi %mul3A_14, %add3A_30 : i32
    %dma_start3A_32 = arith.constant 1 : i32
    %dma_start3A_33 = arith.constant 0 : i32
    %dma_start3A_34 = arith.constant 0 : i32
    %dma_start3A_35 = tpu.memref_slice %arg5[%dma_start3A_32, %dma_start3A_33, %dma_start3A_34] : memref<4x3x80xi32, #tpu.memory_space<vmem>> -> memref<1x3x80xi32, #tpu.memory_space<vmem>>
    %dma_start3A_36 = tpu.memref_squeeze %dma_start3A_35 : memref<1x3x80xi32, #tpu.memory_space<vmem>> -> memref<3x80xi32, #tpu.memory_space<vmem>>
    %dma_start3A_37 = arith.constant 0 : i32
    %dma_start3A_38 = arith.constant 0 : i32
    %dma_start3A_39 = tpu.memref_slice %arg3[%add3A_31, %dma_start3A_37, %dma_start3A_38] : memref<4000x3x80xi32, #tpu.memory_space<hbm>> -> memref<1x3x80xi32, #tpu.memory_space<hbm>>
    %dma_start3A_40 = tpu.memref_squeeze %dma_start3A_39 : memref<1x3x80xi32, #tpu.memory_space<hbm>> -> memref<3x80xi32, #tpu.memory_space<hbm>>
    %dma_start3A_41 = arith.constant 0 : i32
    %dma_start3A_42 = arith.constant 0 : i32
    %dma_start3A_43 = tpu.memref_slice %arg5[%dma_start3A_32, %dma_start3A_41, %dma_start3A_42] : memref<4x3x80xi32, #tpu.memory_space<vmem>> -> memref<1x3x80xi32, #tpu.memory_space<vmem>>
    %dma_start3A_44 = tpu.memref_squeeze %dma_start3A_43 : memref<1x3x80xi32, #tpu.memory_space<vmem>> -> memref<3x80xi32, #tpu.memory_space<vmem>>
    %dma_start3A_45 = arith.constant 0 : i32
    %dma_start3A_46 = arith.constant 0 : i32
    %dma_start3A_47 = tpu.memref_slice %arg3[%add3A_31, %dma_start3A_45, %dma_start3A_46] : memref<4000x3x80xi32, #tpu.memory_space<hbm>> -> memref<1x3x80xi32, #tpu.memory_space<hbm>>
    %dma_start3A_48 = tpu.memref_squeeze %dma_start3A_47 : memref<1x3x80xi32, #tpu.memory_space<hbm>> -> memref<3x80xi32, #tpu.memory_space<hbm>>
    tpu.enqueue_dma source(%dma_start3A_48 : memref<3x80xi32, #tpu.memory_space<hbm>>) target(%dma_start3A_44 : memref<3x80xi32, #tpu.memory_space<vmem>>) target_semaphore(%arg10 : memref<!tpu.dma_semaphore, #tpu.memory_space<semaphore_mem>>)
    %scan3A_49 = arith.constant 0 : i32
    %scan3A_50 = arith.constant 0 : i32
    %scan3A_51 = arith.constant 125 : i32
    %scan3A_52 = arith.addi %scan3A_50, %scan3A_51 : i32
    %scan3A_53 = arith.constant 1 : i32
    scf.for %scan3A_91 = %scan3A_50 to %scan3A_52 step %scan3A_53  : i32 {
      %and3A = arith.constant 1 : i32
      %and3A_92 = arith.andi %scan3A_91, %and3A : i32
      %and3A_93 = arith.constant 3 : i32
      %and3A_94 = arith.andi %scan3A_91, %and3A_93 : i32
      %add3A_95 = arith.constant 1 : i32
      %add3A_96 = arith.addi %scan3A_91, %add3A_95 : i32
      %lt3A_97 = arith.constant 125 : i32
      %lt3A_98 = arith.cmpi slt, %add3A_96, %lt3A_97 : i32
      %convert_element_type3A_99 = arith.extui %lt3A_98 : i1 to i32
      %cond3A_100 = arith.constant 0 : i32
      %cond3A_101 = arith.cmpi ne, %convert_element_type3A_99, %cond3A_100 : i32
      scf.if %cond3A_101 {
        %add3A_144 = arith.constant 1 : i32
        %add3A_145 = arith.addi %scan3A_91, %add3A_144 : i32
        %and3A_146 = arith.constant 3 : i32
        %and3A_147 = arith.andi %add3A_145, %and3A_146 : i32
        %dma_wait3A_148 = arith.constant 0 : i32
        %dma_wait3A_149 = arith.constant 0 : i32
        %dma_wait3A_150 = arith.constant 0 : i32
        %dma_wait3A_151 = tpu.memref_slice %arg5[%and3A_147, %dma_wait3A_149, %dma_wait3A_150] : memref<4x3x80xi32, #tpu.memory_space<vmem>> -> memref<1x3x80xi32, #tpu.memory_space<vmem>>
        %dma_wait3A_152 = tpu.memref_squeeze %dma_wait3A_151 : memref<1x3x80xi32, #tpu.memory_space<vmem>> -> memref<3x80xi32, #tpu.memory_space<vmem>>
        %dma_wait3A_153 = arith.constant 0 : i32
        %dma_wait3A_154 = arith.constant 0 : i32
        %dma_wait3A_155 = tpu.memref_slice %arg3[%dma_wait3A_148, %dma_wait3A_153, %dma_wait3A_154] : memref<4000x3x80xi32, #tpu.memory_space<hbm>> -> memref<1x3x80xi32, #tpu.memory_space<hbm>>
        %dma_wait3A_156 = tpu.memref_squeeze %dma_wait3A_155 : memref<1x3x80xi32, #tpu.memory_space<hbm>> -> memref<3x80xi32, #tpu.memory_space<hbm>>
        %dma_wait3A_157 = arith.constant 0 : i32
        %dma_wait3A_158 = arith.constant 0 : i32
        %dma_wait3A_159 = tpu.memref_slice %arg5[%and3A_147, %dma_wait3A_157, %dma_wait3A_158] : memref<4x3x80xi32, #tpu.memory_space<vmem>> -> memref<1x3x80xi32, #tpu.memory_space<vmem>>
        %dma_wait3A_160 = tpu.memref_squeeze %dma_wait3A_159 : memref<1x3x80xi32, #tpu.memory_space<vmem>> -> memref<3x80xi32, #tpu.memory_space<vmem>>
        %dma_wait3A_161 = arith.constant 0 : i32
        %dma_wait3A_162 = arith.constant 0 : i32
        %dma_wait3A_163 = tpu.memref_slice %arg3[%dma_wait3A_148, %dma_wait3A_161, %dma_wait3A_162] : memref<4000x3x80xi32, #tpu.memory_space<hbm>> -> memref<1x3x80xi32, #tpu.memory_space<hbm>>
        %dma_wait3A_164 = tpu.memref_squeeze %dma_wait3A_163 : memref<1x3x80xi32, #tpu.memory_space<hbm>> -> memref<3x80xi32, #tpu.memory_space<hbm>>
        tpu.wait_dma2 semaphore(%arg10 : memref<!tpu.dma_semaphore, #tpu.memory_space<semaphore_mem>>) src(%dma_wait3A_164 : memref<3x80xi32, #tpu.memory_space<hbm>>) dst(%dma_wait3A_160 : memref<3x80xi32, #tpu.memory_space<vmem>>)
        %ge3A = arith.constant 1 : i32
        %ge3A_165 = arith.cmpi sge, %scan3A_91, %ge3A : i32
        %convert_element_type3A_166 = arith.extui %ge3A_165 : i1 to i32
        %cond3A_167 = arith.constant 0 : i32
        %cond3A_168 = arith.cmpi ne, %convert_element_type3A_166, %cond3A_167 : i32
        scf.if %cond3A_168 {
          %dma_wait3A_187 = arith.constant 0 : i32
          %dma_wait3A_188 = arith.constant 0 : i32
          %dma_wait3A_189 = arith.constant 0 : i32
          %dma_wait3A_190 = tpu.memref_slice %arg6[%dma_wait3A_187, %dma_wait3A_188, %dma_wait3A_189] : memref<2x80x128xf32, #tpu.memory_space<vmem>> -> memref<1x80x128xf32, #tpu.memory_space<vmem>>
          %dma_wait3A_191 = tpu.memref_squeeze %dma_wait3A_190 : memref<1x80x128xf32, #tpu.memory_space<vmem>> -> memref<80x128xf32, #tpu.memory_space<vmem>>
          %dma_wait3A_192 = arith.constant 0 : i32
          %dma_wait3A_193 = arith.constant 0 : i32
          %dma_wait3A_194 = tpu.memref_slice %arg8[%dma_wait3A_192, %dma_wait3A_193] : memref<10000x128xf32, #tpu.memory_space<vmem_shared>> -> memref<80x128xf32, #tpu.memory_space<vmem_shared>>
          %dma_wait3A_195 = arith.constant 0 : i32
          %dma_wait3A_196 = arith.constant 0 : i32
          %dma_wait3A_197 = tpu.memref_slice %arg8[%dma_wait3A_195, %dma_wait3A_196] : memref<10000x128xf32, #tpu.memory_space<vmem_shared>> -> memref<80x128xf32, #tpu.memory_space<vmem_shared>>
          %dma_wait3A_198 = arith.constant 0 : i32
          %dma_wait3A_199 = arith.constant 0 : i32
          %dma_wait3A_200 = tpu.memref_slice %arg6[%dma_wait3A_187, %dma_wait3A_198, %dma_wait3A_199] : memref<2x80x128xf32, #tpu.memory_space<vmem>> -> memref<1x80x128xf32, #tpu.memory_space<vmem>>
          %dma_wait3A_201 = tpu.memref_squeeze %dma_wait3A_200 : memref<1x80x128xf32, #tpu.memory_space<vmem>> -> memref<80x128xf32, #tpu.memory_space<vmem>>
          tpu.wait_dma2 semaphore(%arg11 : memref<!tpu.dma_semaphore, #tpu.memory_space<semaphore_mem>>) src(%dma_wait3A_201 : memref<80x128xf32, #tpu.memory_space<vmem>>) dst(%dma_wait3A_197 : memref<80x128xf32, #tpu.memory_space<vmem_shared>>)
        } else {
        }
        %add3A_169 = arith.constant 1 : i32
        %add3A_170 = arith.addi %scan3A_91, %add3A_169 : i32
        %sub3A = arith.constant 1 : i32
        %sub3A_171 = arith.subi %sub3A, %and3A_92 : i32
        %and3A_172 = arith.constant 3 : i32
        %and3A_173 = arith.andi %add3A_170, %and3A_172 : i32
        %dma_start3A_174 = arith.constant 0 : i32
        %dma_start3A_175 = arith.constant 0 : i32
        %dma_start3A_176 = arith.constant 0 : i32
        %dma_start3A_177 = tpu.memref_slice %arg6[%sub3A_171, %dma_start3A_175, %dma_start3A_176] : memref<2x80x128xf32, #tpu.memory_space<vmem>> -> memref<1x80x128xf32, #tpu.memory_space<vmem>>
        %dma_start3A_178 = tpu.memref_squeeze %dma_start3A_177 : memref<1x80x128xf32, #tpu.memory_space<vmem>> -> memref<80x128xf32, #tpu.memory_space<vmem>>
        %dma_start3A_179 = arith.constant 0 : i32
        %dma_start3A_180 = tpu.memref_slice %arg5[%and3A_173, %dma_start3A_174, %dma_start3A_179] : memref<4x3x80xi32, #tpu.memory_space<vmem>> -> memref<1x1x80xi32, #tpu.memory_space<vmem>>
        %dma_start3A_181 = tpu.memref_squeeze %dma_start3A_180 : memref<1x1x80xi32, #tpu.memory_space<vmem>> -> memref<80xi32, #tpu.memory_space<vmem>>
        %dma_start3A_182 = arith.constant 0 : i32
        %dma_start3A_183 = arith.constant 0 : i32
        %dma_start3A_184 = tpu.memref_slice %arg2[%dma_start3A_182, %dma_start3A_183] : memref<10000x128xf32, #tpu.memory_space<hbm>> -> memref<10000x128xf32, #tpu.memory_space<hbm>>
        %dma_start3A_185 = tpu.memref_slice %arg9[%sub3A_171] : memref<2x!tpu.dma_semaphore, #tpu.memory_space<semaphore_mem>> -> memref<1x!tpu.dma_semaphore, #tpu.memory_space<semaphore_mem>>
        %dma_start3A_186 = tpu.memref_squeeze %dma_start3A_185 : memref<1x!tpu.dma_semaphore, #tpu.memory_space<semaphore_mem>> -> memref<!tpu.dma_semaphore, #tpu.memory_space<semaphore_mem>>
        tpu.enqueue_indirect_dma source(%dma_start3A_184 : memref<10000x128xf32, #tpu.memory_space<hbm>>) target(%dma_start3A_178 : memref<80x128xf32, #tpu.memory_space<vmem>>) offsets(%dma_start3A_181 : memref<80xi32, #tpu.memory_space<vmem>>) semaphore(%dma_start3A_186 : memref<!tpu.dma_semaphore, #tpu.memory_space<semaphore_mem>>)
      } else {
      }
      %add3A_102 = arith.constant 2 : i32
      %add3A_103 = arith.addi %scan3A_91, %add3A_102 : i32
      %lt3A_104 = arith.constant 125 : i32
      %lt3A_105 = arith.cmpi slt, %add3A_103, %lt3A_104 : i32
      %convert_element_type3A_106 = arith.extui %lt3A_105 : i1 to i32
      %cond3A_107 = arith.constant 0 : i32
      %cond3A_108 = arith.cmpi ne, %convert_element_type3A_106, %cond3A_107 : i32
      scf.if %cond3A_108 {
        %add3A_144 = arith.constant 2 : i32
        %add3A_145 = arith.addi %scan3A_91, %add3A_144 : i32
        %add3A_146 = arith.constant 2 : i32
        %add3A_147 = arith.addi %scan3A_91, %add3A_146 : i32
        %and3A_148 = arith.constant 3 : i32
        %and3A_149 = arith.andi %add3A_147, %and3A_148 : i32
        %add3A_150 = arith.addi %mul3A_14, %add3A_145 : i32
        %dma_start3A_151 = arith.constant 0 : i32
        %dma_start3A_152 = arith.constant 0 : i32
        %dma_start3A_153 = tpu.memref_slice %arg5[%and3A_149, %dma_start3A_151, %dma_start3A_152] : memref<4x3x80xi32, #tpu.memory_space<vmem>> -> memref<1x3x80xi32, #tpu.memory_space<vmem>>
        %dma_start3A_154 = tpu.memref_squeeze %dma_start3A_153 : memref<1x3x80xi32, #tpu.memory_space<vmem>> -> memref<3x80xi32, #tpu.memory_space<vmem>>
        %dma_start3A_155 = arith.constant 0 : i32
        %dma_start3A_156 = arith.constant 0 : i32
        %dma_start3A_157 = tpu.memref_slice %arg3[%add3A_150, %dma_start3A_155, %dma_start3A_156] : memref<4000x3x80xi32, #tpu.memory_space<hbm>> -> memref<1x3x80xi32, #tpu.memory_space<hbm>>
        %dma_start3A_158 = tpu.memref_squeeze %dma_start3A_157 : memref<1x3x80xi32, #tpu.memory_space<hbm>> -> memref<3x80xi32, #tpu.memory_space<hbm>>
        %dma_start3A_159 = arith.constant 0 : i32
        %dma_start3A_160 = arith.constant 0 : i32
        %dma_start3A_161 = tpu.memref_slice %arg5[%and3A_149, %dma_start3A_159, %dma_start3A_160] : memref<4x3x80xi32, #tpu.memory_space<vmem>> -> memref<1x3x80xi32, #tpu.memory_space<vmem>>
        %dma_start3A_162 = tpu.memref_squeeze %dma_start3A_161 : memref<1x3x80xi32, #tpu.memory_space<vmem>> -> memref<3x80xi32, #tpu.memory_space<vmem>>
        %dma_start3A_163 = arith.constant 0 : i32
        %dma_start3A_164 = arith.constant 0 : i32
        %dma_start3A_165 = tpu.memref_slice %arg3[%add3A_150, %dma_start3A_163, %dma_start3A_164] : memref<4000x3x80xi32, #tpu.memory_space<hbm>> -> memref<1x3x80xi32, #tpu.memory_space<hbm>>
        %dma_start3A_166 = tpu.memref_squeeze %dma_start3A_165 : memref<1x3x80xi32, #tpu.memory_space<hbm>> -> memref<3x80xi32, #tpu.memory_space<hbm>>
        tpu.enqueue_dma source(%dma_start3A_166 : memref<3x80xi32, #tpu.memory_space<hbm>>) target(%dma_start3A_162 : memref<3x80xi32, #tpu.memory_space<vmem>>) target_semaphore(%arg10 : memref<!tpu.dma_semaphore, #tpu.memory_space<semaphore_mem>>)
      } else {
      }
      %dma_wait3A_109 = arith.constant 0 : i32
      %dma_wait3A_110 = arith.constant 0 : i32
      %dma_wait3A_111 = tpu.memref_slice %arg6[%and3A_92, %dma_wait3A_109, %dma_wait3A_110] : memref<2x80x128xf32, #tpu.memory_space<vmem>> -> memref<1x80x128xf32, #tpu.memory_space<vmem>>
      %dma_wait3A_112 = tpu.memref_squeeze %dma_wait3A_111 : memref<1x80x128xf32, #tpu.memory_space<vmem>> -> memref<80x128xf32, #tpu.memory_space<vmem>>
      %dma_wait3A_113 = arith.constant 0 : i32
      %dma_wait3A_114 = arith.constant 0 : i32
      %dma_wait3A_115 = tpu.memref_slice %arg2[%dma_wait3A_113, %dma_wait3A_114] : memref<10000x128xf32, #tpu.memory_space<hbm>> -> memref<80x128xf32, #tpu.memory_space<hbm>>
      %dma_wait3A_116 = tpu.memref_slice %arg9[%and3A_92] : memref<2x!tpu.dma_semaphore, #tpu.memory_space<semaphore_mem>> -> memref<1x!tpu.dma_semaphore, #tpu.memory_space<semaphore_mem>>
      %dma_wait3A_117 = tpu.memref_squeeze %dma_wait3A_116 : memref<1x!tpu.dma_semaphore, #tpu.memory_space<semaphore_mem>> -> memref<!tpu.dma_semaphore, #tpu.memory_space<semaphore_mem>>
      %dma_wait3A_118 = arith.constant 0 : i32
      %dma_wait3A_119 = arith.constant 0 : i32
      %dma_wait3A_120 = tpu.memref_slice %arg6[%and3A_92, %dma_wait3A_118, %dma_wait3A_119] : memref<2x80x128xf32, #tpu.memory_space<vmem>> -> memref<1x80x128xf32, #tpu.memory_space<vmem>>
      %dma_wait3A_121 = tpu.memref_squeeze %dma_wait3A_120 : memref<1x80x128xf32, #tpu.memory_space<vmem>> -> memref<80x128xf32, #tpu.memory_space<vmem>>
      %dma_wait3A_122 = arith.constant 0 : i32
      %dma_wait3A_123 = arith.constant 0 : i32
      %dma_wait3A_124 = tpu.memref_slice %arg2[%dma_wait3A_122, %dma_wait3A_123] : memref<10000x128xf32, #tpu.memory_space<hbm>> -> memref<80x128xf32, #tpu.memory_space<hbm>>
      tpu.wait_dma2 semaphore(%dma_wait3A_117 : memref<!tpu.dma_semaphore, #tpu.memory_space<semaphore_mem>>) src(%dma_wait3A_124 : memref<80x128xf32, #tpu.memory_space<hbm>>) dst(%dma_wait3A_121 : memref<80x128xf32, #tpu.memory_space<vmem>>)
      %scan3A_125 = arith.constant 0 : i32
      %scan3A_126 = arith.constant 0 : i32
      %scan3A_127 = arith.constant 10 : i32
      %scan3A_128 = arith.addi %scan3A_126, %scan3A_127 : i32
      %scan3A_129 = arith.constant 1 : i32
      scf.for %scan3A_144 = %scan3A_126 to %scan3A_128 step %scan3A_129  : i32 {
        %mul3A_145 = arith.constant 8 : i32
        %mul3A_146 = arith.muli %scan3A_144, %mul3A_145 : i32
        %add3A_147 = arith.constant 0 : i32
        %add3A_148 = arith.addi %mul3A_146, %add3A_147 : i32
        %broadcast_in_dim3A_149 = vector.broadcast %add3A_148 : i32 to vector<16xi32>
        %gather3A = arith.constant 2 : i32
        %gather3A_150 = arith.constant 0 : i32
        %gather3A_151 = tpu.memref_slice %arg5[%and3A_94, %gather3A, %gather3A_150] : memref<4x3x80xi32, #tpu.memory_space<vmem>> -> memref<1x1x80xi32, #tpu.memory_space<vmem>>
        %gather3A_152 = tpu.memref_squeeze %gather3A_151 : memref<1x1x80xi32, #tpu.memory_space<vmem>> -> memref<80xi32, #tpu.memory_space<vmem>>
        %gather3A_153 = tpu.vector_load_idx %gather3A_152[%broadcast_in_dim3A_149] : memref<80xi32, #tpu.memory_space<vmem>>[vector<16xi32>], vector<16xi32>,
        %bitcast3A = vector.bitcast %gather3A_153 : vector<16xi32> to vector<16xf32>
        %get3A = arith.index_cast %and3A_92 : i32 to index
        %get3A_154 = arith.index_cast %add3A_148 : i32 to index
        %get3A_155 = arith.constant 0 : index
        %get3A_156 = tpu.vector_load %arg6[%get3A, %get3A_154, %get3A_155] {strides = array<i32>} : memref<2x80x128xf32, #tpu.memory_space<vmem>>, vector<16xf32>,
        %mul3A_157 = arith.mulf %get3A_156, %bitcast3A : vector<16xf32>
        %swap3A = arith.index_cast %and3A_92 : i32 to index
        %swap3A_158 = arith.index_cast %add3A_148 : i32 to index
        %swap3A_159 = arith.constant 0 : index
        %swap3A_160 = tpu.vector_load %arg6[%swap3A, %swap3A_158, %swap3A_159] {strides = array<i32>} : memref<2x80x128xf32, #tpu.memory_space<vmem>>, vector<16xf32>,
        tpu.vector_store %arg6[%swap3A, %swap3A_158, %swap3A_159], %mul3A_157 {strides = array<i32>} : memref<2x80x128xf32, #tpu.memory_space<vmem>>, vector<16xf32>,
        %get3A_161 = arith.index_cast %and3A_92 : i32 to index
        %get3A_162 = arith.index_cast %add3A_148 : i32 to index
        %get3A_163 = arith.constant 16 : index
        %get3A_164 = tpu.vector_load %arg6[%get3A_161, %get3A_162, %get3A_163] {strides = array<i32>} : memref<2x80x128xf32, #tpu.memory_space<vmem>>, vector<16xf32>,
        %mul3A_165 = arith.mulf %get3A_164, %bitcast3A : vector<16xf32>
        %swap3A_166 = arith.index_cast %and3A_92 : i32 to index
        %swap3A_167 = arith.index_cast %add3A_148 : i32 to index
        %swap3A_168 = arith.constant 16 : index
        %swap3A_169 = tpu.vector_load %arg6[%swap3A_166, %swap3A_167, %swap3A_168] {strides = array<i32>} : memref<2x80x128xf32, #tpu.memory_space<vmem>>, vector<16xf32>,
        tpu.vector_store %arg6[%swap3A_166, %swap3A_167, %swap3A_168], %mul3A_165 {strides = array<i32>} : memref<2x80x128xf32, #tpu.memory_space<vmem>>, vector<16xf32>,
        %get3A_170 = arith.index_cast %and3A_92 : i32 to index
        %get3A_171 = arith.index_cast %add3A_148 : i32 to index
        %get3A_172 = arith.constant 32 : index
        %get3A_173 = tpu.vector_load %arg6[%get3A_170, %get3A_171, %get3A_172] {strides = array<i32>} : memref<2x80x128xf32, #tpu.memory_space<vmem>>, vector<16xf32>,
        %mul3A_174 = arith.mulf %get3A_173, %bitcast3A : vector<16xf32>
        %swap3A_175 = arith.index_cast %and3A_92 : i32 to index
        %swap3A_176 = arith.index_cast %add3A_148 : i32 to index
        %swap3A_177 = arith.constant 32 : index
        %swap3A_178 = tpu.vector_load %arg6[%swap3A_175, %swap3A_176, %swap3A_177] {strides = array<i32>} : memref<2x80x128xf32, #tpu.memory_space<vmem>>, vector<16xf32>,
        tpu.vector_store %arg6[%swap3A_175, %swap3A_176, %swap3A_177], %mul3A_174 {strides = array<i32>} : memref<2x80x128xf32, #tpu.memory_space<vmem>>, vector<16xf32>,
        %get3A_179 = arith.index_cast %and3A_92 : i32 to index
        %get3A_180 = arith.index_cast %add3A_148 : i32 to index
        %get3A_181 = arith.constant 48 : index
        %get3A_182 = tpu.vector_load %arg6[%get3A_179, %get3A_180, %get3A_181] {strides = array<i32>} : memref<2x80x128xf32, #tpu.memory_space<vmem>>, vector<16xf32>,
        %mul3A_183 = arith.mulf %get3A_182, %bitcast3A : vector<16xf32>
        %swap3A_184 = arith.index_cast %and3A_92 : i32 to index
        %swap3A_185 = arith.index_cast %add3A_148 : i32 to index
        %swap3A_186 = arith.constant 48 : index
        %swap3A_187 = tpu.vector_load %arg6[%swap3A_184, %swap3A_185, %swap3A_186] {strides = array<i32>} : memref<2x80x128xf32, #tpu.memory_space<vmem>>, vector<16xf32>,
        tpu.vector_store %arg6[%swap3A_184, %swap3A_185, %swap3A_186], %mul3A_183 {strides = array<i32>} : memref<2x80x128xf32, #tpu.memory_space<vmem>>, vector<16xf32>,
        %get3A_188 = arith.index_cast %and3A_92 : i32 to index
        %get3A_189 = arith.index_cast %add3A_148 : i32 to index
        %get3A_190 = arith.constant 64 : index
        %get3A_191 = tpu.vector_load %arg6[%get3A_188, %get3A_189, %get3A_190] {strides = array<i32>} : memref<2x80x128xf32, #tpu.memory_space<vmem>>, vector<16xf32>,
        %mul3A_192 = arith.mulf %get3A_191, %bitcast3A : vector<16xf32>
        %swap3A_193 = arith.index_cast %and3A_92 : i32 to index
        %swap3A_194 = arith.index_cast %add3A_148 : i32 to index
        %swap3A_195 = arith.constant 64 : index
        %swap3A_196 = tpu.vector_load %arg6[%swap3A_193, %swap3A_194, %swap3A_195] {strides = array<i32>} : memref<2x80x128xf32, #tpu.memory_space<vmem>>, vector<16xf32>,
        tpu.vector_store %arg6[%swap3A_193, %swap3A_194, %swap3A_195], %mul3A_192 {strides = array<i32>} : memref<2x80x128xf32, #tpu.memory_space<vmem>>, vector<16xf32>,
        %get3A_197 = arith.index_cast %and3A_92 : i32 to index
        %get3A_198 = arith.index_cast %add3A_148 : i32 to index
        %get3A_199 = arith.constant 80 : index
        %get3A_200 = tpu.vector_load %arg6[%get3A_197, %get3A_198, %get3A_199] {strides = array<i32>} : memref<2x80x128xf32, #tpu.memory_space<vmem>>, vector<16xf32>,
        %mul3A_201 = arith.mulf %get3A_200, %bitcast3A : vector<16xf32>
        %swap3A_202 = arith.index_cast %and3A_92 : i32 to index
        %swap3A_203 = arith.index_cast %add3A_148 : i32 to index
        %swap3A_204 = arith.constant 80 : index
        %swap3A_205 = tpu.vector_load %arg6[%swap3A_202, %swap3A_203, %swap3A_204] {strides = array<i32>} : memref<2x80x128xf32, #tpu.memory_space<vmem>>, vector<16xf32>,
        tpu.vector_store %arg6[%swap3A_202, %swap3A_203, %swap3A_204], %mul3A_201 {strides = array<i32>} : memref<2x80x128xf32, #tpu.memory_space<vmem>>, vector<16xf32>,
        %get3A_206 = arith.index_cast %and3A_92 : i32 to index
        %get3A_207 = arith.index_cast %add3A_148 : i32 to index
        %get3A_208 = arith.constant 96 : index
        %get3A_209 = tpu.vector_load %arg6[%get3A_206, %get3A_207, %get3A_208] {strides = array<i32>} : memref<2x80x128xf32, #tpu.memory_space<vmem>>, vector<16xf32>,
        %mul3A_210 = arith.mulf %get3A_209, %bitcast3A : vector<16xf32>
        %swap3A_211 = arith.index_cast %and3A_92 : i32 to index
        %swap3A_212 = arith.index_cast %add3A_148 : i32 to index
        %swap3A_213 = arith.constant 96 : index
        %swap3A_214 = tpu.vector_load %arg6[%swap3A_211, %swap3A_212, %swap3A_213] {strides = array<i32>} : memref<2x80x128xf32, #tpu.memory_space<vmem>>, vector<16xf32>,
        tpu.vector_store %arg6[%swap3A_211, %swap3A_212, %swap3A_213], %mul3A_210 {strides = array<i32>} : memref<2x80x128xf32, #tpu.memory_space<vmem>>, vector<16xf32>,
        %get3A_215 = arith.index_cast %and3A_92 : i32 to index
        %get3A_216 = arith.index_cast %add3A_148 : i32 to index
        %get3A_217 = arith.constant 112 : index
        %get3A_218 = tpu.vector_load %arg6[%get3A_215, %get3A_216, %get3A_217] {strides = array<i32>} : memref<2x80x128xf32, #tpu.memory_space<vmem>>, vector<16xf32>,
        %mul3A_219 = arith.mulf %get3A_218, %bitcast3A : vector<16xf32>
        %swap3A_220 = arith.index_cast %and3A_92 : i32 to index
        %swap3A_221 = arith.index_cast %add3A_148 : i32 to index
        %swap3A_222 = arith.constant 112 : index
        %swap3A_223 = tpu.vector_load %arg6[%swap3A_220, %swap3A_221, %swap3A_222] {strides = array<i32>} : memref<2x80x128xf32, #tpu.memory_space<vmem>>, vector<16xf32>,
        tpu.vector_store %arg6[%swap3A_220, %swap3A_221, %swap3A_222], %mul3A_219 {strides = array<i32>} : memref<2x80x128xf32, #tpu.memory_space<vmem>>, vector<16xf32>,
        %mul3A_224 = arith.constant 8 : i32
        %mul3A_225 = arith.muli %scan3A_144, %mul3A_224 : i32
        %add3A_226 = arith.constant 1 : i32
        %add3A_227 = arith.addi %mul3A_225, %add3A_226 : i32
        %broadcast_in_dim3A_228 = vector.broadcast %add3A_227 : i32 to vector<16xi32>
        %gather3A_229 = arith.constant 2 : i32
        %gather3A_230 = arith.constant 0 : i32
        %gather3A_231 = tpu.memref_slice %arg5[%and3A_94, %gather3A_229, %gather3A_230] : memref<4x3x80xi32, #tpu.memory_space<vmem>> -> memref<1x1x80xi32, #tpu.memory_space<vmem>>
        %gather3A_232 = tpu.memref_squeeze %gather3A_231 : memref<1x1x80xi32, #tpu.memory_space<vmem>> -> memref<80xi32, #tpu.memory_space<vmem>>
        %gather3A_233 = tpu.vector_load_idx %gather3A_232[%broadcast_in_dim3A_228] : memref<80xi32, #tpu.memory_space<vmem>>[vector<16xi32>], vector<16xi32>,
        %bitcast3A_234 = vector.bitcast %gather3A_233 : vector<16xi32> to vector<16xf32>
        %get3A_235 = arith.index_cast %and3A_92 : i32 to index
        %get3A_236 = arith.index_cast %add3A_227 : i32 to index
        %get3A_237 = arith.constant 0 : index
        %get3A_238 = tpu.vector_load %arg6[%get3A_235, %get3A_236, %get3A_237] {strides = array<i32>} : memref<2x80x128xf32, #tpu.memory_space<vmem>>, vector<16xf32>,
        %mul3A_239 = arith.mulf %get3A_238, %bitcast3A_234 : vector<16xf32>
        %swap3A_240 = arith.index_cast %and3A_92 : i32 to index
        %swap3A_241 = arith.index_cast %add3A_227 : i32 to index
        %swap3A_242 = arith.constant 0 : index
        %swap3A_243 = tpu.vector_load %arg6[%swap3A_240, %swap3A_241, %swap3A_242] {strides = array<i32>} : memref<2x80x128xf32, #tpu.memory_space<vmem>>, vector<16xf32>,
        tpu.vector_store %arg6[%swap3A_240, %swap3A_241, %swap3A_242], %mul3A_239 {strides = array<i32>} : memref<2x80x128xf32, #tpu.memory_space<vmem>>, vector<16xf32>,
        %get3A_244 = arith.index_cast %and3A_92 : i32 to index
        %get3A_245 = arith.index_cast %add3A_227 : i32 to index
        %get3A_246 = arith.constant 16 : index
        %get3A_247 = tpu.vector_load %arg6[%get3A_244, %get3A_245, %get3A_246] {strides = array<i32>} : memref<2x80x128xf32, #tpu.memory_space<vmem>>, vector<16xf32>,
        %mul3A_248 = arith.mulf %get3A_247, %bitcast3A_234 : vector<16xf32>
        %swap3A_249 = arith.index_cast %and3A_92 : i32 to index
        %swap3A_250 = arith.index_cast %add3A_227 : i32 to index
        %swap3A_251 = arith.constant 16 : index
        %swap3A_252 = tpu.vector_load %arg6[%swap3A_249, %swap3A_250, %swap3A_251] {strides = array<i32>} : memref<2x80x128xf32, #tpu.memory_space<vmem>>, vector<16xf32>,
        tpu.vector_store %arg6[%swap3A_249, %swap3A_250, %swap3A_251], %mul3A_248 {strides = array<i32>} : memref<2x80x128xf32, #tpu.memory_space<vmem>>, vector<16xf32>,
        %get3A_253 = arith.index_cast %and3A_92 : i32 to index
        %get3A_254 = arith.index_cast %add3A_227 : i32 to index
        %get3A_255 = arith.constant 32 : index
        %get3A_256 = tpu.vector_load %arg6[%get3A_253, %get3A_254, %get3A_255] {strides = array<i32>} : memref<2x80x128xf32, #tpu.memory_space<vmem>>, vector<16xf32>,
        %mul3A_257 = arith.mulf %get3A_256, %bitcast3A_234 : vector<16xf32>
        %swap3A_258 = arith.index_cast %and3A_92 : i32 to index
        %swap3A_259 = arith.index_cast %add3A_227 : i32 to index
        %swap3A_260 = arith.constant 32 : index
        %swap3A_261 = tpu.vector_load %arg6[%swap3A_258, %swap3A_259, %swap3A_260] {strides = array<i32>} : memref<2x80x128xf32, #tpu.memory_space<vmem>>, vector<16xf32>,
        tpu.vector_store %arg6[%swap3A_258, %swap3A_259, %swap3A_260], %mul3A_257 {strides = array<i32>} : memref<2x80x128xf32, #tpu.memory_space<vmem>>, vector<16xf32>,
        %get3A_262 = arith.index_cast %and3A_92 : i32 to index
        %get3A_263 = arith.index_cast %add3A_227 : i32 to index
        %get3A_264 = arith.constant 48 : index
        %get3A_265 = tpu.vector_load %arg6[%get3A_262, %get3A_263, %get3A_264] {strides = array<i32>} : memref<2x80x128xf32, #tpu.memory_space<vmem>>, vector<16xf32>,
        %mul3A_266 = arith.mulf %get3A_265, %bitcast3A_234 : vector<16xf32>
        %swap3A_267 = arith.index_cast %and3A_92 : i32 to index
        %swap3A_268 = arith.index_cast %add3A_227 : i32 to index
        %swap3A_269 = arith.constant 48 : index
        %swap3A_270 = tpu.vector_load %arg6[%swap3A_267, %swap3A_268, %swap3A_269] {strides = array<i32>} : memref<2x80x128xf32, #tpu.memory_space<vmem>>, vector<16xf32>,
        tpu.vector_store %arg6[%swap3A_267, %swap3A_268, %swap3A_269], %mul3A_266 {strides = array<i32>} : memref<2x80x128xf32, #tpu.memory_space<vmem>>, vector<16xf32>,
        %get3A_271 = arith.index_cast %and3A_92 : i32 to index
        %get3A_272 = arith.index_cast %add3A_227 : i32 to index
        %get3A_273 = arith.constant 64 : index
        %get3A_274 = tpu.vector_load %arg6[%get3A_271, %get3A_272, %get3A_273] {strides = array<i32>} : memref<2x80x128xf32, #tpu.memory_space<vmem>>, vector<16xf32>,
        %mul3A_275 = arith.mulf %get3A_274, %bitcast3A_234 : vector<16xf32>
        %swap3A_276 = arith.index_cast %and3A_92 : i32 to index
        %swap3A_277 = arith.index_cast %add3A_227 : i32 to index
        %swap3A_278 = arith.constant 64 : index
        %swap3A_279 = tpu.vector_load %arg6[%swap3A_276, %swap3A_277, %swap3A_278] {strides = array<i32>} : memref<2x80x128xf32, #tpu.memory_space<vmem>>, vector<16xf32>,
        tpu.vector_store %arg6[%swap3A_276, %swap3A_277, %swap3A_278], %mul3A_275 {strides = array<i32>} : memref<2x80x128xf32, #tpu.memory_space<vmem>>, vector<16xf32>,
        %get3A_280 = arith.index_cast %and3A_92 : i32 to index
        %get3A_281 = arith.index_cast %add3A_227 : i32 to index
        %get3A_282 = arith.constant 80 : index
        %get3A_283 = tpu.vector_load %arg6[%get3A_280, %get3A_281, %get3A_282] {strides = array<i32>} : memref<2x80x128xf32, #tpu.memory_space<vmem>>, vector<16xf32>,
        %mul3A_284 = arith.mulf %get3A_283, %bitcast3A_234 : vector<16xf32>
        %swap3A_285 = arith.index_cast %and3A_92 : i32 to index
        %swap3A_286 = arith.index_cast %add3A_227 : i32 to index
        %swap3A_287 = arith.constant 80 : index
        %swap3A_288 = tpu.vector_load %arg6[%swap3A_285, %swap3A_286, %swap3A_287] {strides = array<i32>} : memref<2x80x128xf32, #tpu.memory_space<vmem>>, vector<16xf32>,
        tpu.vector_store %arg6[%swap3A_285, %swap3A_286, %swap3A_287], %mul3A_284 {strides = array<i32>} : memref<2x80x128xf32, #tpu.memory_space<vmem>>, vector<16xf32>,
        %get3A_289 = arith.index_cast %and3A_92 : i32 to index
        %get3A_290 = arith.index_cast %add3A_227 : i32 to index
        %get3A_291 = arith.constant 96 : index
        %get3A_292 = tpu.vector_load %arg6[%get3A_289, %get3A_290, %get3A_291] {strides = array<i32>} : memref<2x80x128xf32, #tpu.memory_space<vmem>>, vector<16xf32>,
        %mul3A_293 = arith.mulf %get3A_292, %bitcast3A_234 : vector<16xf32>
        %swap3A_294 = arith.index_cast %and3A_92 : i32 to index
        %swap3A_295 = arith.index_cast %add3A_227 : i32 to index
        %swap3A_296 = arith.constant 96 : index
        %swap3A_297 = tpu.vector_load %arg6[%swap3A_294, %swap3A_295, %swap3A_296] {strides = array<i32>} : memref<2x80x128xf32, #tpu.memory_space<vmem>>, vector<16xf32>,
        tpu.vector_store %arg6[%swap3A_294, %swap3A_295, %swap3A_296], %mul3A_293 {strides = array<i32>} : memref<2x80x128xf32, #tpu.memory_space<vmem>>, vector<16xf32>,
        %get3A_298 = arith.index_cast %and3A_92 : i32 to index
        %get3A_299 = arith.index_cast %add3A_227 : i32 to index
        %get3A_300 = arith.constant 112 : index
        %get3A_301 = tpu.vector_load %arg6[%get3A_298, %get3A_299, %get3A_300] {strides = array<i32>} : memref<2x80x128xf32, #tpu.memory_space<vmem>>, vector<16xf32>,
        %mul3A_302 = arith.mulf %get3A_301, %bitcast3A_234 : vector<16xf32>
        %swap3A_303 = arith.index_cast %and3A_92 : i32 to index
        %swap3A_304 = arith.index_cast %add3A_227 : i32 to index
        %swap3A_305 = arith.constant 112 : index
        %swap3A_306 = tpu.vector_load %arg6[%swap3A_303, %swap3A_304, %swap3A_305] {strides = array<i32>} : memref<2x80x128xf32, #tpu.memory_space<vmem>>, vector<16xf32>,
        tpu.vector_store %arg6[%swap3A_303, %swap3A_304, %swap3A_305], %mul3A_302 {strides = array<i32>} : memref<2x80x128xf32, #tpu.memory_space<vmem>>, vector<16xf32>,
        %mul3A_307 = arith.constant 8 : i32
        %mul3A_308 = arith.muli %scan3A_144, %mul3A_307 : i32
        %add3A_309 = arith.constant 2 : i32
        %add3A_310 = arith.addi %mul3A_308, %add3A_309 : i32
        %broadcast_in_dim3A_311 = vector.broadcast %add3A_310 : i32 to vector<16xi32>
        %gather3A_312 = arith.constant 2 : i32
        %gather3A_313 = arith.constant 0 : i32
        %gather3A_314 = tpu.memref_slice %arg5[%and3A_94, %gather3A_312, %gather3A_313] : memref<4x3x80xi32, #tpu.memory_space<vmem>> -> memref<1x1x80xi32, #tpu.memory_space<vmem>>
        %gather3A_315 = tpu.memref_squeeze %gather3A_314 : memref<1x1x80xi32, #tpu.memory_space<vmem>> -> memref<80xi32, #tpu.memory_space<vmem>>
        %gather3A_316 = tpu.vector_load_idx %gather3A_315[%broadcast_in_dim3A_311] : memref<80xi32, #tpu.memory_space<vmem>>[vector<16xi32>], vector<16xi32>,
        %bitcast3A_317 = vector.bitcast %gather3A_316 : vector<16xi32> to vector<16xf32>
        %get3A_318 = arith.index_cast %and3A_92 : i32 to index
        %get3A_319 = arith.index_cast %add3A_310 : i32 to index
        %get3A_320 = arith.constant 0 : index
        %get3A_321 = tpu.vector_load %arg6[%get3A_318, %get3A_319, %get3A_320] {strides = array<i32>} : memref<2x80x128xf32, #tpu.memory_space<vmem>>, vector<16xf32>,
        %mul3A_322 = arith.mulf %get3A_321, %bitcast3A_317 : vector<16xf32>
        %swap3A_323 = arith.index_cast %and3A_92 : i32 to index
        %swap3A_324 = arith.index_cast %add3A_310 : i32 to index
        %swap3A_325 = arith.constant 0 : index
        %swap3A_326 = tpu.vector_load %arg6[%swap3A_323, %swap3A_324, %swap3A_325] {strides = array<i32>} : memref<2x80x128xf32, #tpu.memory_space<vmem>>, vector<16xf32>,
        tpu.vector_store %arg6[%swap3A_323, %swap3A_324, %swap3A_325], %mul3A_322 {strides = array<i32>} : memref<2x80x128xf32, #tpu.memory_space<vmem>>, vector<16xf32>,
        %get3A_327 = arith.index_cast %and3A_92 : i32 to index
        %get3A_328 = arith.index_cast %add3A_310 : i32 to index
        %get3A_329 = arith.constant 16 : index
        %get3A_330 = tpu.vector_load %arg6[%get3A_327, %get3A_328, %get3A_329] {strides = array<i32>} : memref<2x80x128xf32, #tpu.memory_space<vmem>>, vector<16xf32>,
        %mul3A_331 = arith.mulf %get3A_330, %bitcast3A_317 : vector<16xf32>
        %swap3A_332 = arith.index_cast %and3A_92 : i32 to index
        %swap3A_333 = arith.index_cast %add3A_310 : i32 to index
        %swap3A_334 = arith.constant 16 : index
        %swap3A_335 = tpu.vector_load %arg6[%swap3A_332, %swap3A_333, %swap3A_334] {strides = array<i32>} : memref<2x80x128xf32, #tpu.memory_space<vmem>>, vector<16xf32>,
        tpu.vector_store %arg6[%swap3A_332, %swap3A_333, %swap3A_334], %mul3A_331 {strides = array<i32>} : memref<2x80x128xf32, #tpu.memory_space<vmem>>, vector<16xf32>,
        %get3A_336 = arith.index_cast %and3A_92 : i32 to index
        %get3A_337 = arith.index_cast %add3A_310 : i32 to index
        %get3A_338 = arith.constant 32 : index
        %get3A_339 = tpu.vector_load %arg6[%get3A_336, %get3A_337, %get3A_338] {strides = array<i32>} : memref<2x80x128xf32, #tpu.memory_space<vmem>>, vector<16xf32>,
        %mul3A_340 = arith.mulf %get3A_339, %bitcast3A_317 : vector<16xf32>
        %swap3A_341 = arith.index_cast %and3A_92 : i32 to index
        %swap3A_342 = arith.index_cast %add3A_310 : i32 to index
        %swap3A_343 = arith.constant 32 : index
        %swap3A_344 = tpu.vector_load %arg6[%swap3A_341, %swap3A_342, %swap3A_343] {strides = array<i32>} : memref<2x80x128xf32, #tpu.memory_space<vmem>>, vector<16xf32>,
        tpu.vector_store %arg6[%swap3A_341, %swap3A_342, %swap3A_343], %mul3A_340 {strides = array<i32>} : memref<2x80x128xf32, #tpu.memory_space<vmem>>, vector<16xf32>,
        %get3A_345 = arith.index_cast %and3A_92 : i32 to index
        %get3A_346 = arith.index_cast %add3A_310 : i32 to index
        %get3A_347 = arith.constant 48 : index
        %get3A_348 = tpu.vector_load %arg6[%get3A_345, %get3A_346, %get3A_347] {strides = array<i32>} : memref<2x80x128xf32, #tpu.memory_space<vmem>>, vector<16xf32>,
        %mul3A_349 = arith.mulf %get3A_348, %bitcast3A_317 : vector<16xf32>
        %swap3A_350 = arith.index_cast %and3A_92 : i32 to index
        %swap3A_351 = arith.index_cast %add3A_310 : i32 to index
        %swap3A_352 = arith.constant 48 : index
        %swap3A_353 = tpu.vector_load %arg6[%swap3A_350, %swap3A_351, %swap3A_352] {strides = array<i32>} : memref<2x80x128xf32, #tpu.memory_space<vmem>>, vector<16xf32>,
        tpu.vector_store %arg6[%swap3A_350, %swap3A_351, %swap3A_352], %mul3A_349 {strides = array<i32>} : memref<2x80x128xf32, #tpu.memory_space<vmem>>, vector<16xf32>,
        %get3A_354 = arith.index_cast %and3A_92 : i32 to index
        %get3A_355 = arith.index_cast %add3A_310 : i32 to index
        %get3A_356 = arith.constant 64 : index
        %get3A_357 = tpu.vector_load %arg6[%get3A_354, %get3A_355, %get3A_356] {strides = array<i32>} : memref<2x80x128xf32, #tpu.memory_space<vmem>>, vector<16xf32>,
        %mul3A_358 = arith.mulf %get3A_357, %bitcast3A_317 : vector<16xf32>
        %swap3A_359 = arith.index_cast %and3A_92 : i32 to index
        %swap3A_360 = arith.index_cast %add3A_310 : i32 to index
        %swap3A_361 = arith.constant 64 : index
        %swap3A_362 = tpu.vector_load %arg6[%swap3A_359, %swap3A_360, %swap3A_361] {strides = array<i32>} : memref<2x80x128xf32, #tpu.memory_space<vmem>>, vector<16xf32>,
        tpu.vector_store %arg6[%swap3A_359, %swap3A_360, %swap3A_361], %mul3A_358 {strides = array<i32>} : memref<2x80x128xf32, #tpu.memory_space<vmem>>, vector<16xf32>,
        %get3A_363 = arith.index_cast %and3A_92 : i32 to index
        %get3A_364 = arith.index_cast %add3A_310 : i32 to index
        %get3A_365 = arith.constant 80 : index
        %get3A_366 = tpu.vector_load %arg6[%get3A_363, %get3A_364, %get3A_365] {strides = array<i32>} : memref<2x80x128xf32, #tpu.memory_space<vmem>>, vector<16xf32>,
        %mul3A_367 = arith.mulf %get3A_366, %bitcast3A_317 : vector<16xf32>
        %swap3A_368 = arith.index_cast %and3A_92 : i32 to index
        %swap3A_369 = arith.index_cast %add3A_310 : i32 to index
        %swap3A_370 = arith.constant 80 : index
        %swap3A_371 = tpu.vector_load %arg6[%swap3A_368, %swap3A_369, %swap3A_370] {strides = array<i32>} : memref<2x80x128xf32, #tpu.memory_space<vmem>>, vector<16xf32>,
        tpu.vector_store %arg6[%swap3A_368, %swap3A_369, %swap3A_370], %mul3A_367 {strides = array<i32>} : memref<2x80x128xf32, #tpu.memory_space<vmem>>, vector<16xf32>,
        %get3A_372 = arith.index_cast %and3A_92 : i32 to index
        %get3A_373 = arith.index_cast %add3A_310 : i32 to index
        %get3A_374 = arith.constant 96 : index
        %get3A_375 = tpu.vector_load %arg6[%get3A_372, %get3A_373, %get3A_374] {strides = array<i32>} : memref<2x80x128xf32, #tpu.memory_space<vmem>>, vector<16xf32>,
        %mul3A_376 = arith.mulf %get3A_375, %bitcast3A_317 : vector<16xf32>
        %swap3A_377 = arith.index_cast %and3A_92 : i32 to index
        %swap3A_378 = arith.index_cast %add3A_310 : i32 to index
        %swap3A_379 = arith.constant 96 : index
        %swap3A_380 = tpu.vector_load %arg6[%swap3A_377, %swap3A_378, %swap3A_379] {strides = array<i32>} : memref<2x80x128xf32, #tpu.memory_space<vmem>>, vector<16xf32>,
        tpu.vector_store %arg6[%swap3A_377, %swap3A_378, %swap3A_379], %mul3A_376 {strides = array<i32>} : memref<2x80x128xf32, #tpu.memory_space<vmem>>, vector<16xf32>,
        %get3A_381 = arith.index_cast %and3A_92 : i32 to index
        %get3A_382 = arith.index_cast %add3A_310 : i32 to index
        %get3A_383 = arith.constant 112 : index
        %get3A_384 = tpu.vector_load %arg6[%get3A_381, %get3A_382, %get3A_383] {strides = array<i32>} : memref<2x80x128xf32, #tpu.memory_space<vmem>>, vector<16xf32>,
        %mul3A_385 = arith.mulf %get3A_384, %bitcast3A_317 : vector<16xf32>
        %swap3A_386 = arith.index_cast %and3A_92 : i32 to index
        %swap3A_387 = arith.index_cast %add3A_310 : i32 to index
        %swap3A_388 = arith.constant 112 : index
        %swap3A_389 = tpu.vector_load %arg6[%swap3A_386, %swap3A_387, %swap3A_388] {strides = array<i32>} : memref<2x80x128xf32, #tpu.memory_space<vmem>>, vector<16xf32>,
        tpu.vector_store %arg6[%swap3A_386, %swap3A_387, %swap3A_388], %mul3A_385 {strides = array<i32>} : memref<2x80x128xf32, #tpu.memory_space<vmem>>, vector<16xf32>,
        %mul3A_390 = arith.constant 8 : i32
        %mul3A_391 = arith.muli %scan3A_144, %mul3A_390 : i32
        %add3A_392 = arith.constant 3 : i32
        %add3A_393 = arith.addi %mul3A_391, %add3A_392 : i32
        %broadcast_in_dim3A_394 = vector.broadcast %add3A_393 : i32 to vector<16xi32>
        %gather3A_395 = arith.constant 2 : i32
        %gather3A_396 = arith.constant 0 : i32
        %gather3A_397 = tpu.memref_slice %arg5[%and3A_94, %gather3A_395, %gather3A_396] : memref<4x3x80xi32, #tpu.memory_space<vmem>> -> memref<1x1x80xi32, #tpu.memory_space<vmem>>
        %gather3A_398 = tpu.memref_squeeze %gather3A_397 : memref<1x1x80xi32, #tpu.memory_space<vmem>> -> memref<80xi32, #tpu.memory_space<vmem>>
        %gather3A_399 = tpu.vector_load_idx %gather3A_398[%broadcast_in_dim3A_394] : memref<80xi32, #tpu.memory_space<vmem>>[vector<16xi32>], vector<16xi32>,
        %bitcast3A_400 = vector.bitcast %gather3A_399 : vector<16xi32> to vector<16xf32>
        %get3A_401 = arith.index_cast %and3A_92 : i32 to index
        %get3A_402 = arith.index_cast %add3A_393 : i32 to index
        %get3A_403 = arith.constant 0 : index
        %get3A_404 = tpu.vector_load %arg6[%get3A_401, %get3A_402, %get3A_403] {strides = array<i32>} : memref<2x80x128xf32, #tpu.memory_space<vmem>>, vector<16xf32>,
        %mul3A_405 = arith.mulf %get3A_404, %bitcast3A_400 : vector<16xf32>
        %swap3A_406 = arith.index_cast %and3A_92 : i32 to index
        %swap3A_407 = arith.index_cast %add3A_393 : i32 to index
        %swap3A_408 = arith.constant 0 : index
        %swap3A_409 = tpu.vector_load %arg6[%swap3A_406, %swap3A_407, %swap3A_408] {strides = array<i32>} : memref<2x80x128xf32, #tpu.memory_space<vmem>>, vector<16xf32>,
        tpu.vector_store %arg6[%swap3A_406, %swap3A_407, %swap3A_408], %mul3A_405 {strides = array<i32>} : memref<2x80x128xf32, #tpu.memory_space<vmem>>, vector<16xf32>,
        %get3A_410 = arith.index_cast %and3A_92 : i32 to index
        %get3A_411 = arith.index_cast %add3A_393 : i32 to index
        %get3A_412 = arith.constant 16 : index
        %get3A_413 = tpu.vector_load %arg6[%get3A_410, %get3A_411, %get3A_412] {strides = array<i32>} : memref<2x80x128xf32, #tpu.memory_space<vmem>>, vector<16xf32>,
        %mul3A_414 = arith.mulf %get3A_413, %bitcast3A_400 : vector<16xf32>
        %swap3A_415 = arith.index_cast %and3A_92 : i32 to index
        %swap3A_416 = arith.index_cast %add3A_393 : i32 to index
        %swap3A_417 = arith.constant 16 : index
        %swap3A_418 = tpu.vector_load %arg6[%swap3A_415, %swap3A_416, %swap3A_417] {strides = array<i32>} : memref<2x80x128xf32, #tpu.memory_space<vmem>>, vector<16xf32>,
        tpu.vector_store %arg6[%swap3A_415, %swap3A_416, %swap3A_417], %mul3A_414 {strides = array<i32>} : memref<2x80x128xf32, #tpu.memory_space<vmem>>, vector<16xf32>,
        %get3A_419 = arith.index_cast %and3A_92 : i32 to index
        %get3A_420 = arith.index_cast %add3A_393 : i32 to index
        %get3A_421 = arith.constant 32 : index
        %get3A_422 = tpu.vector_load %arg6[%get3A_419, %get3A_420, %get3A_421] {strides = array<i32>} : memref<2x80x128xf32, #tpu.memory_space<vmem>>, vector<16xf32>,
        %mul3A_423 = arith.mulf %get3A_422, %bitcast3A_400 : vector<16xf32>
        %swap3A_424 = arith.index_cast %and3A_92 : i32 to index
        %swap3A_425 = arith.index_cast %add3A_393 : i32 to index
        %swap3A_426 = arith.constant 32 : index
        %swap3A_427 = tpu.vector_load %arg6[%swap3A_424, %swap3A_425, %swap3A_426] {strides = array<i32>} : memref<2x80x128xf32, #tpu.memory_space<vmem>>, vector<16xf32>,
        tpu.vector_store %arg6[%swap3A_424, %swap3A_425, %swap3A_426], %mul3A_423 {strides = array<i32>} : memref<2x80x128xf32, #tpu.memory_space<vmem>>, vector<16xf32>,
        %get3A_428 = arith.index_cast %and3A_92 : i32 to index
        %get3A_429 = arith.index_cast %add3A_393 : i32 to index
        %get3A_430 = arith.constant 48 : index
        %get3A_431 = tpu.vector_load %arg6[%get3A_428, %get3A_429, %get3A_430] {strides = array<i32>} : memref<2x80x128xf32, #tpu.memory_space<vmem>>, vector<16xf32>,
        %mul3A_432 = arith.mulf %get3A_431, %bitcast3A_400 : vector<16xf32>
        %swap3A_433 = arith.index_cast %and3A_92 : i32 to index
        %swap3A_434 = arith.index_cast %add3A_393 : i32 to index
        %swap3A_435 = arith.constant 48 : index
        %swap3A_436 = tpu.vector_load %arg6[%swap3A_433, %swap3A_434, %swap3A_435] {strides = array<i32>} : memref<2x80x128xf32, #tpu.memory_space<vmem>>, vector<16xf32>,
        tpu.vector_store %arg6[%swap3A_433, %swap3A_434, %swap3A_435], %mul3A_432 {strides = array<i32>} : memref<2x80x128xf32, #tpu.memory_space<vmem>>, vector<16xf32>,
        %get3A_437 = arith.index_cast %and3A_92 : i32 to index
        %get3A_438 = arith.index_cast %add3A_393 : i32 to index
        %get3A_439 = arith.constant 64 : index
        %get3A_440 = tpu.vector_load %arg6[%get3A_437, %get3A_438, %get3A_439] {strides = array<i32>} : memref<2x80x128xf32, #tpu.memory_space<vmem>>, vector<16xf32>,
        %mul3A_441 = arith.mulf %get3A_440, %bitcast3A_400 : vector<16xf32>
        %swap3A_442 = arith.index_cast %and3A_92 : i32 to index
        %swap3A_443 = arith.index_cast %add3A_393 : i32 to index
        %swap3A_444 = arith.constant 64 : index
        %swap3A_445 = tpu.vector_load %arg6[%swap3A_442, %swap3A_443, %swap3A_444] {strides = array<i32>} : memref<2x80x128xf32, #tpu.memory_space<vmem>>, vector<16xf32>,
        tpu.vector_store %arg6[%swap3A_442, %swap3A_443, %swap3A_444], %mul3A_441 {strides = array<i32>} : memref<2x80x128xf32, #tpu.memory_space<vmem>>, vector<16xf32>,
        %get3A_446 = arith.index_cast %and3A_92 : i32 to index
        %get3A_447 = arith.index_cast %add3A_393 : i32 to index
        %get3A_448 = arith.constant 80 : index
        %get3A_449 = tpu.vector_load %arg6[%get3A_446, %get3A_447, %get3A_448] {strides = array<i32>} : memref<2x80x128xf32, #tpu.memory_space<vmem>>, vector<16xf32>,
        %mul3A_450 = arith.mulf %get3A_449, %bitcast3A_400 : vector<16xf32>
        %swap3A_451 = arith.index_cast %and3A_92 : i32 to index
        %swap3A_452 = arith.index_cast %add3A_393 : i32 to index
        %swap3A_453 = arith.constant 80 : index
        %swap3A_454 = tpu.vector_load %arg6[%swap3A_451, %swap3A_452, %swap3A_453] {strides = array<i32>} : memref<2x80x128xf32, #tpu.memory_space<vmem>>, vector<16xf32>,
        tpu.vector_store %arg6[%swap3A_451, %swap3A_452, %swap3A_453], %mul3A_450 {strides = array<i32>} : memref<2x80x128xf32, #tpu.memory_space<vmem>>, vector<16xf32>,
        %get3A_455 = arith.index_cast %and3A_92 : i32 to index
        %get3A_456 = arith.index_cast %add3A_393 : i32 to index
        %get3A_457 = arith.constant 96 : index
        %get3A_458 = tpu.vector_load %arg6[%get3A_455, %get3A_456, %get3A_457] {strides = array<i32>} : memref<2x80x128xf32, #tpu.memory_space<vmem>>, vector<16xf32>,
        %mul3A_459 = arith.mulf %get3A_458, %bitcast3A_400 : vector<16xf32>
        %swap3A_460 = arith.index_cast %and3A_92 : i32 to index
        %swap3A_461 = arith.index_cast %add3A_393 : i32 to index
        %swap3A_462 = arith.constant 96 : index
        %swap3A_463 = tpu.vector_load %arg6[%swap3A_460, %swap3A_461, %swap3A_462] {strides = array<i32>} : memref<2x80x128xf32, #tpu.memory_space<vmem>>, vector<16xf32>,
        tpu.vector_store %arg6[%swap3A_460, %swap3A_461, %swap3A_462], %mul3A_459 {strides = array<i32>} : memref<2x80x128xf32, #tpu.memory_space<vmem>>, vector<16xf32>,
        %get3A_464 = arith.index_cast %and3A_92 : i32 to index
        %get3A_465 = arith.index_cast %add3A_393 : i32 to index
        %get3A_466 = arith.constant 112 : index
        %get3A_467 = tpu.vector_load %arg6[%get3A_464, %get3A_465, %get3A_466] {strides = array<i32>} : memref<2x80x128xf32, #tpu.memory_space<vmem>>, vector<16xf32>,
        %mul3A_468 = arith.mulf %get3A_467, %bitcast3A_400 : vector<16xf32>
        %swap3A_469 = arith.index_cast %and3A_92 : i32 to index
        %swap3A_470 = arith.index_cast %add3A_393 : i32 to index
        %swap3A_471 = arith.constant 112 : index
        %swap3A_472 = tpu.vector_load %arg6[%swap3A_469, %swap3A_470, %swap3A_471] {strides = array<i32>} : memref<2x80x128xf32, #tpu.memory_space<vmem>>, vector<16xf32>,
        tpu.vector_store %arg6[%swap3A_469, %swap3A_470, %swap3A_471], %mul3A_468 {strides = array<i32>} : memref<2x80x128xf32, #tpu.memory_space<vmem>>, vector<16xf32>,
        %mul3A_473 = arith.constant 8 : i32
        %mul3A_474 = arith.muli %scan3A_144, %mul3A_473 : i32
        %add3A_475 = arith.constant 4 : i32
        %add3A_476 = arith.addi %mul3A_474, %add3A_475 : i32
        %broadcast_in_dim3A_477 = vector.broadcast %add3A_476 : i32 to vector<16xi32>
        %gather3A_478 = arith.constant 2 : i32
        %gather3A_479 = arith.constant 0 : i32
        %gather3A_480 = tpu.memref_slice %arg5[%and3A_94, %gather3A_478, %gather3A_479] : memref<4x3x80xi32, #tpu.memory_space<vmem>> -> memref<1x1x80xi32, #tpu.memory_space<vmem>>
        %gather3A_481 = tpu.memref_squeeze %gather3A_480 : memref<1x1x80xi32, #tpu.memory_space<vmem>> -> memref<80xi32, #tpu.memory_space<vmem>>
        %gather3A_482 = tpu.vector_load_idx %gather3A_481[%broadcast_in_dim3A_477] : memref<80xi32, #tpu.memory_space<vmem>>[vector<16xi32>], vector<16xi32>,
        %bitcast3A_483 = vector.bitcast %gather3A_482 : vector<16xi32> to vector<16xf32>
        %get3A_484 = arith.index_cast %and3A_92 : i32 to index
        %get3A_485 = arith.index_cast %add3A_476 : i32 to index
        %get3A_486 = arith.constant 0 : index
        %get3A_487 = tpu.vector_load %arg6[%get3A_484, %get3A_485, %get3A_486] {strides = array<i32>} : memref<2x80x128xf32, #tpu.memory_space<vmem>>, vector<16xf32>,
        %mul3A_488 = arith.mulf %get3A_487, %bitcast3A_483 : vector<16xf32>
        %swap3A_489 = arith.index_cast %and3A_92 : i32 to index
        %swap3A_490 = arith.index_cast %add3A_476 : i32 to index
        %swap3A_491 = arith.constant 0 : index
        %swap3A_492 = tpu.vector_load %arg6[%swap3A_489, %swap3A_490, %swap3A_491] {strides = array<i32>} : memref<2x80x128xf32, #tpu.memory_space<vmem>>, vector<16xf32>,
        tpu.vector_store %arg6[%swap3A_489, %swap3A_490, %swap3A_491], %mul3A_488 {strides = array<i32>} : memref<2x80x128xf32, #tpu.memory_space<vmem>>, vector<16xf32>,
        %get3A_493 = arith.index_cast %and3A_92 : i32 to index
        %get3A_494 = arith.index_cast %add3A_476 : i32 to index
        %get3A_495 = arith.constant 16 : index
        %get3A_496 = tpu.vector_load %arg6[%get3A_493, %get3A_494, %get3A_495] {strides = array<i32>} : memref<2x80x128xf32, #tpu.memory_space<vmem>>, vector<16xf32>,
        %mul3A_497 = arith.mulf %get3A_496, %bitcast3A_483 : vector<16xf32>
        %swap3A_498 = arith.index_cast %and3A_92 : i32 to index
        %swap3A_499 = arith.index_cast %add3A_476 : i32 to index
        %swap3A_500 = arith.constant 16 : index
        %swap3A_501 = tpu.vector_load %arg6[%swap3A_498, %swap3A_499, %swap3A_500] {strides = array<i32>} : memref<2x80x128xf32, #tpu.memory_space<vmem>>, vector<16xf32>,
        tpu.vector_store %arg6[%swap3A_498, %swap3A_499, %swap3A_500], %mul3A_497 {strides = array<i32>} : memref<2x80x128xf32, #tpu.memory_space<vmem>>, vector<16xf32>,
        %get3A_502 = arith.index_cast %and3A_92 : i32 to index
        %get3A_503 = arith.index_cast %add3A_476 : i32 to index
        %get3A_504 = arith.constant 32 : index
        %get3A_505 = tpu.vector_load %arg6[%get3A_502, %get3A_503, %get3A_504] {strides = array<i32>} : memref<2x80x128xf32, #tpu.memory_space<vmem>>, vector<16xf32>,
        %mul3A_506 = arith.mulf %get3A_505, %bitcast3A_483 : vector<16xf32>
        %swap3A_507 = arith.index_cast %and3A_92 : i32 to index
        %swap3A_508 = arith.index_cast %add3A_476 : i32 to index
        %swap3A_509 = arith.constant 32 : index
        %swap3A_510 = tpu.vector_load %arg6[%swap3A_507, %swap3A_508, %swap3A_509] {strides = array<i32>} : memref<2x80x128xf32, #tpu.memory_space<vmem>>, vector<16xf32>,
        tpu.vector_store %arg6[%swap3A_507, %swap3A_508, %swap3A_509], %mul3A_506 {strides = array<i32>} : memref<2x80x128xf32, #tpu.memory_space<vmem>>, vector<16xf32>,
        %get3A_511 = arith.index_cast %and3A_92 : i32 to index
        %get3A_512 = arith.index_cast %add3A_476 : i32 to index
        %get3A_513 = arith.constant 48 : index
        %get3A_514 = tpu.vector_load %arg6[%get3A_511, %get3A_512, %get3A_513] {strides = array<i32>} : memref<2x80x128xf32, #tpu.memory_space<vmem>>, vector<16xf32>,
        %mul3A_515 = arith.mulf %get3A_514, %bitcast3A_483 : vector<16xf32>
        %swap3A_516 = arith.index_cast %and3A_92 : i32 to index
        %swap3A_517 = arith.index_cast %add3A_476 : i32 to index
        %swap3A_518 = arith.constant 48 : index
        %swap3A_519 = tpu.vector_load %arg6[%swap3A_516, %swap3A_517, %swap3A_518] {strides = array<i32>} : memref<2x80x128xf32, #tpu.memory_space<vmem>>, vector<16xf32>,
        tpu.vector_store %arg6[%swap3A_516, %swap3A_517, %swap3A_518], %mul3A_515 {strides = array<i32>} : memref<2x80x128xf32, #tpu.memory_space<vmem>>, vector<16xf32>,
        %get3A_520 = arith.index_cast %and3A_92 : i32 to index
        %get3A_521 = arith.index_cast %add3A_476 : i32 to index
        %get3A_522 = arith.constant 64 : index
        %get3A_523 = tpu.vector_load %arg6[%get3A_520, %get3A_521, %get3A_522] {strides = array<i32>} : memref<2x80x128xf32, #tpu.memory_space<vmem>>, vector<16xf32>,
        %mul3A_524 = arith.mulf %get3A_523, %bitcast3A_483 : vector<16xf32>
        %swap3A_525 = arith.index_cast %and3A_92 : i32 to index
        %swap3A_526 = arith.index_cast %add3A_476 : i32 to index
        %swap3A_527 = arith.constant 64 : index
        %swap3A_528 = tpu.vector_load %arg6[%swap3A_525, %swap3A_526, %swap3A_527] {strides = array<i32>} : memref<2x80x128xf32, #tpu.memory_space<vmem>>, vector<16xf32>,
        tpu.vector_store %arg6[%swap3A_525, %swap3A_526, %swap3A_527], %mul3A_524 {strides = array<i32>} : memref<2x80x128xf32, #tpu.memory_space<vmem>>, vector<16xf32>,
        %get3A_529 = arith.index_cast %and3A_92 : i32 to index
        %get3A_530 = arith.index_cast %add3A_476 : i32 to index
        %get3A_531 = arith.constant 80 : index
        %get3A_532 = tpu.vector_load %arg6[%get3A_529, %get3A_530, %get3A_531] {strides = array<i32>} : memref<2x80x128xf32, #tpu.memory_space<vmem>>, vector<16xf32>,
        %mul3A_533 = arith.mulf %get3A_532, %bitcast3A_483 : vector<16xf32>
        %swap3A_534 = arith.index_cast %and3A_92 : i32 to index
        %swap3A_535 = arith.index_cast %add3A_476 : i32 to index
        %swap3A_536 = arith.constant 80 : index
        %swap3A_537 = tpu.vector_load %arg6[%swap3A_534, %swap3A_535, %swap3A_536] {strides = array<i32>} : memref<2x80x128xf32, #tpu.memory_space<vmem>>, vector<16xf32>,
        tpu.vector_store %arg6[%swap3A_534, %swap3A_535, %swap3A_536], %mul3A_533 {strides = array<i32>} : memref<2x80x128xf32, #tpu.memory_space<vmem>>, vector<16xf32>,
        %get3A_538 = arith.index_cast %and3A_92 : i32 to index
        %get3A_539 = arith.index_cast %add3A_476 : i32 to index
        %get3A_540 = arith.constant 96 : index
        %get3A_541 = tpu.vector_load %arg6[%get3A_538, %get3A_539, %get3A_540] {strides = array<i32>} : memref<2x80x128xf32, #tpu.memory_space<vmem>>, vector<16xf32>,
        %mul3A_542 = arith.mulf %get3A_541, %bitcast3A_483 : vector<16xf32>
        %swap3A_543 = arith.index_cast %and3A_92 : i32 to index
        %swap3A_544 = arith.index_cast %add3A_476 : i32 to index
        %swap3A_545 = arith.constant 96 : index
        %swap3A_546 = tpu.vector_load %arg6[%swap3A_543, %swap3A_544, %swap3A_545] {strides = array<i32>} : memref<2x80x128xf32, #tpu.memory_space<vmem>>, vector<16xf32>,
        tpu.vector_store %arg6[%swap3A_543, %swap3A_544, %swap3A_545], %mul3A_542 {strides = array<i32>} : memref<2x80x128xf32, #tpu.memory_space<vmem>>, vector<16xf32>,
        %get3A_547 = arith.index_cast %and3A_92 : i32 to index
        %get3A_548 = arith.index_cast %add3A_476 : i32 to index
        %get3A_549 = arith.constant 112 : index
        %get3A_550 = tpu.vector_load %arg6[%get3A_547, %get3A_548, %get3A_549] {strides = array<i32>} : memref<2x80x128xf32, #tpu.memory_space<vmem>>, vector<16xf32>,
        %mul3A_551 = arith.mulf %get3A_550, %bitcast3A_483 : vector<16xf32>
        %swap3A_552 = arith.index_cast %and3A_92 : i32 to index
        %swap3A_553 = arith.index_cast %add3A_476 : i32 to index
        %swap3A_554 = arith.constant 112 : index
        %swap3A_555 = tpu.vector_load %arg6[%swap3A_552, %swap3A_553, %swap3A_554] {strides = array<i32>} : memref<2x80x128xf32, #tpu.memory_space<vmem>>, vector<16xf32>,
        tpu.vector_store %arg6[%swap3A_552, %swap3A_553, %swap3A_554], %mul3A_551 {strides = array<i32>} : memref<2x80x128xf32, #tpu.memory_space<vmem>>, vector<16xf32>,
        %mul3A_556 = arith.constant 8 : i32
        %mul3A_557 = arith.muli %scan3A_144, %mul3A_556 : i32
        %add3A_558 = arith.constant 5 : i32
        %add3A_559 = arith.addi %mul3A_557, %add3A_558 : i32
        %broadcast_in_dim3A_560 = vector.broadcast %add3A_559 : i32 to vector<16xi32>
        %gather3A_561 = arith.constant 2 : i32
        %gather3A_562 = arith.constant 0 : i32
        %gather3A_563 = tpu.memref_slice %arg5[%and3A_94, %gather3A_561, %gather3A_562] : memref<4x3x80xi32, #tpu.memory_space<vmem>> -> memref<1x1x80xi32, #tpu.memory_space<vmem>>
        %gather3A_564 = tpu.memref_squeeze %gather3A_563 : memref<1x1x80xi32, #tpu.memory_space<vmem>> -> memref<80xi32, #tpu.memory_space<vmem>>
        %gather3A_565 = tpu.vector_load_idx %gather3A_564[%broadcast_in_dim3A_560] : memref<80xi32, #tpu.memory_space<vmem>>[vector<16xi32>], vector<16xi32>,
        %bitcast3A_566 = vector.bitcast %gather3A_565 : vector<16xi32> to vector<16xf32>
        %get3A_567 = arith.index_cast %and3A_92 : i32 to index
        %get3A_568 = arith.index_cast %add3A_559 : i32 to index
        %get3A_569 = arith.constant 0 : index
        %get3A_570 = tpu.vector_load %arg6[%get3A_567, %get3A_568, %get3A_569] {strides = array<i32>} : memref<2x80x128xf32, #tpu.memory_space<vmem>>, vector<16xf32>,
        %mul3A_571 = arith.mulf %get3A_570, %bitcast3A_566 : vector<16xf32>
        %swap3A_572 = arith.index_cast %and3A_92 : i32 to index
        %swap3A_573 = arith.index_cast %add3A_559 : i32 to index
        %swap3A_574 = arith.constant 0 : index
        %swap3A_575 = tpu.vector_load %arg6[%swap3A_572, %swap3A_573, %swap3A_574] {strides = array<i32>} : memref<2x80x128xf32, #tpu.memory_space<vmem>>, vector<16xf32>,
        tpu.vector_store %arg6[%swap3A_572, %swap3A_573, %swap3A_574], %mul3A_571 {strides = array<i32>} : memref<2x80x128xf32, #tpu.memory_space<vmem>>, vector<16xf32>,
        %get3A_576 = arith.index_cast %and3A_92 : i32 to index
        %get3A_577 = arith.index_cast %add3A_559 : i32 to index
        %get3A_578 = arith.constant 16 : index
        %get3A_579 = tpu.vector_load %arg6[%get3A_576, %get3A_577, %get3A_578] {strides = array<i32>} : memref<2x80x128xf32, #tpu.memory_space<vmem>>, vector<16xf32>,
        %mul3A_580 = arith.mulf %get3A_579, %bitcast3A_566 : vector<16xf32>
        %swap3A_581 = arith.index_cast %and3A_92 : i32 to index
        %swap3A_582 = arith.index_cast %add3A_559 : i32 to index
        %swap3A_583 = arith.constant 16 : index
        %swap3A_584 = tpu.vector_load %arg6[%swap3A_581, %swap3A_582, %swap3A_583] {strides = array<i32>} : memref<2x80x128xf32, #tpu.memory_space<vmem>>, vector<16xf32>,
        tpu.vector_store %arg6[%swap3A_581, %swap3A_582, %swap3A_583], %mul3A_580 {strides = array<i32>} : memref<2x80x128xf32, #tpu.memory_space<vmem>>, vector<16xf32>,
        %get3A_585 = arith.index_cast %and3A_92 : i32 to index
        %get3A_586 = arith.index_cast %add3A_559 : i32 to index
        %get3A_587 = arith.constant 32 : index
        %get3A_588 = tpu.vector_load %arg6[%get3A_585, %get3A_586, %get3A_587] {strides = array<i32>} : memref<2x80x128xf32, #tpu.memory_space<vmem>>, vector<16xf32>,
        %mul3A_589 = arith.mulf %get3A_588, %bitcast3A_566 : vector<16xf32>
        %swap3A_590 = arith.index_cast %and3A_92 : i32 to index
        %swap3A_591 = arith.index_cast %add3A_559 : i32 to index
        %swap3A_592 = arith.constant 32 : index
        %swap3A_593 = tpu.vector_load %arg6[%swap3A_590, %swap3A_591, %swap3A_592] {strides = array<i32>} : memref<2x80x128xf32, #tpu.memory_space<vmem>>, vector<16xf32>,
        tpu.vector_store %arg6[%swap3A_590, %swap3A_591, %swap3A_592], %mul3A_589 {strides = array<i32>} : memref<2x80x128xf32, #tpu.memory_space<vmem>>, vector<16xf32>,
        %get3A_594 = arith.index_cast %and3A_92 : i32 to index
        %get3A_595 = arith.index_cast %add3A_559 : i32 to index
        %get3A_596 = arith.constant 48 : index
        %get3A_597 = tpu.vector_load %arg6[%get3A_594, %get3A_595, %get3A_596] {strides = array<i32>} : memref<2x80x128xf32, #tpu.memory_space<vmem>>, vector<16xf32>,
        %mul3A_598 = arith.mulf %get3A_597, %bitcast3A_566 : vector<16xf32>
        %swap3A_599 = arith.index_cast %and3A_92 : i32 to index
        %swap3A_600 = arith.index_cast %add3A_559 : i32 to index
        %swap3A_601 = arith.constant 48 : index
        %swap3A_602 = tpu.vector_load %arg6[%swap3A_599, %swap3A_600, %swap3A_601] {strides = array<i32>} : memref<2x80x128xf32, #tpu.memory_space<vmem>>, vector<16xf32>,
        tpu.vector_store %arg6[%swap3A_599, %swap3A_600, %swap3A_601], %mul3A_598 {strides = array<i32>} : memref<2x80x128xf32, #tpu.memory_space<vmem>>, vector<16xf32>,
        %get3A_603 = arith.index_cast %and3A_92 : i32 to index
        %get3A_604 = arith.index_cast %add3A_559 : i32 to index
        %get3A_605 = arith.constant 64 : index
        %get3A_606 = tpu.vector_load %arg6[%get3A_603, %get3A_604, %get3A_605] {strides = array<i32>} : memref<2x80x128xf32, #tpu.memory_space<vmem>>, vector<16xf32>,
        %mul3A_607 = arith.mulf %get3A_606, %bitcast3A_566 : vector<16xf32>
        %swap3A_608 = arith.index_cast %and3A_92 : i32 to index
        %swap3A_609 = arith.index_cast %add3A_559 : i32 to index
        %swap3A_610 = arith.constant 64 : index
        %swap3A_611 = tpu.vector_load %arg6[%swap3A_608, %swap3A_609, %swap3A_610] {strides = array<i32>} : memref<2x80x128xf32, #tpu.memory_space<vmem>>, vector<16xf32>,
        tpu.vector_store %arg6[%swap3A_608, %swap3A_609, %swap3A_610], %mul3A_607 {strides = array<i32>} : memref<2x80x128xf32, #tpu.memory_space<vmem>>, vector<16xf32>,
        %get3A_612 = arith.index_cast %and3A_92 : i32 to index
        %get3A_613 = arith.index_cast %add3A_559 : i32 to index
        %get3A_614 = arith.constant 80 : index
        %get3A_615 = tpu.vector_load %arg6[%get3A_612, %get3A_613, %get3A_614] {strides = array<i32>} : memref<2x80x128xf32, #tpu.memory_space<vmem>>, vector<16xf32>,
        %mul3A_616 = arith.mulf %get3A_615, %bitcast3A_566 : vector<16xf32>
        %swap3A_617 = arith.index_cast %and3A_92 : i32 to index
        %swap3A_618 = arith.index_cast %add3A_559 : i32 to index
        %swap3A_619 = arith.constant 80 : index
        %swap3A_620 = tpu.vector_load %arg6[%swap3A_617, %swap3A_618, %swap3A_619] {strides = array<i32>} : memref<2x80x128xf32, #tpu.memory_space<vmem>>, vector<16xf32>,
        tpu.vector_store %arg6[%swap3A_617, %swap3A_618, %swap3A_619], %mul3A_616 {strides = array<i32>} : memref<2x80x128xf32, #tpu.memory_space<vmem>>, vector<16xf32>,
        %get3A_621 = arith.index_cast %and3A_92 : i32 to index
        %get3A_622 = arith.index_cast %add3A_559 : i32 to index
        %get3A_623 = arith.constant 96 : index
        %get3A_624 = tpu.vector_load %arg6[%get3A_621, %get3A_622, %get3A_623] {strides = array<i32>} : memref<2x80x128xf32, #tpu.memory_space<vmem>>, vector<16xf32>,
        %mul3A_625 = arith.mulf %get3A_624, %bitcast3A_566 : vector<16xf32>
        %swap3A_626 = arith.index_cast %and3A_92 : i32 to index
        %swap3A_627 = arith.index_cast %add3A_559 : i32 to index
        %swap3A_628 = arith.constant 96 : index
        %swap3A_629 = tpu.vector_load %arg6[%swap3A_626, %swap3A_627, %swap3A_628] {strides = array<i32>} : memref<2x80x128xf32, #tpu.memory_space<vmem>>, vector<16xf32>,
        tpu.vector_store %arg6[%swap3A_626, %swap3A_627, %swap3A_628], %mul3A_625 {strides = array<i32>} : memref<2x80x128xf32, #tpu.memory_space<vmem>>, vector<16xf32>,
        %get3A_630 = arith.index_cast %and3A_92 : i32 to index
        %get3A_631 = arith.index_cast %add3A_559 : i32 to index
        %get3A_632 = arith.constant 112 : index
        %get3A_633 = tpu.vector_load %arg6[%get3A_630, %get3A_631, %get3A_632] {strides = array<i32>} : memref<2x80x128xf32, #tpu.memory_space<vmem>>, vector<16xf32>,
        %mul3A_634 = arith.mulf %get3A_633, %bitcast3A_566 : vector<16xf32>
        %swap3A_635 = arith.index_cast %and3A_92 : i32 to index
        %swap3A_636 = arith.index_cast %add3A_559 : i32 to index
        %swap3A_637 = arith.constant 112 : index
        %swap3A_638 = tpu.vector_load %arg6[%swap3A_635, %swap3A_636, %swap3A_637] {strides = array<i32>} : memref<2x80x128xf32, #tpu.memory_space<vmem>>, vector<16xf32>,
        tpu.vector_store %arg6[%swap3A_635, %swap3A_636, %swap3A_637], %mul3A_634 {strides = array<i32>} : memref<2x80x128xf32, #tpu.memory_space<vmem>>, vector<16xf32>,
        %mul3A_639 = arith.constant 8 : i32
        %mul3A_640 = arith.muli %scan3A_144, %mul3A_639 : i32
        %add3A_641 = arith.constant 6 : i32
        %add3A_642 = arith.addi %mul3A_640, %add3A_641 : i32
        %broadcast_in_dim3A_643 = vector.broadcast %add3A_642 : i32 to vector<16xi32>
        %gather3A_644 = arith.constant 2 : i32
        %gather3A_645 = arith.constant 0 : i32
        %gather3A_646 = tpu.memref_slice %arg5[%and3A_94, %gather3A_644, %gather3A_645] : memref<4x3x80xi32, #tpu.memory_space<vmem>> -> memref<1x1x80xi32, #tpu.memory_space<vmem>>
        %gather3A_647 = tpu.memref_squeeze %gather3A_646 : memref<1x1x80xi32, #tpu.memory_space<vmem>> -> memref<80xi32, #tpu.memory_space<vmem>>
        %gather3A_648 = tpu.vector_load_idx %gather3A_647[%broadcast_in_dim3A_643] : memref<80xi32, #tpu.memory_space<vmem>>[vector<16xi32>], vector<16xi32>,
        %bitcast3A_649 = vector.bitcast %gather3A_648 : vector<16xi32> to vector<16xf32>
        %get3A_650 = arith.index_cast %and3A_92 : i32 to index
        %get3A_651 = arith.index_cast %add3A_642 : i32 to index
        %get3A_652 = arith.constant 0 : index
        %get3A_653 = tpu.vector_load %arg6[%get3A_650, %get3A_651, %get3A_652] {strides = array<i32>} : memref<2x80x128xf32, #tpu.memory_space<vmem>>, vector<16xf32>,
        %mul3A_654 = arith.mulf %get3A_653, %bitcast3A_649 : vector<16xf32>
        %swap3A_655 = arith.index_cast %and3A_92 : i32 to index
        %swap3A_656 = arith.index_cast %add3A_642 : i32 to index
        %swap3A_657 = arith.constant 0 : index
        %swap3A_658 = tpu.vector_load %arg6[%swap3A_655, %swap3A_656, %swap3A_657] {strides = array<i32>} : memref<2x80x128xf32, #tpu.memory_space<vmem>>, vector<16xf32>,
        tpu.vector_store %arg6[%swap3A_655, %swap3A_656, %swap3A_657], %mul3A_654 {strides = array<i32>} : memref<2x80x128xf32, #tpu.memory_space<vmem>>, vector<16xf32>,
        %get3A_659 = arith.index_cast %and3A_92 : i32 to index
        %get3A_660 = arith.index_cast %add3A_642 : i32 to index
        %get3A_661 = arith.constant 16 : index
        %get3A_662 = tpu.vector_load %arg6[%get3A_659, %get3A_660, %get3A_661] {strides = array<i32>} : memref<2x80x128xf32, #tpu.memory_space<vmem>>, vector<16xf32>,
        %mul3A_663 = arith.mulf %get3A_662, %bitcast3A_649 : vector<16xf32>
        %swap3A_664 = arith.index_cast %and3A_92 : i32 to index
        %swap3A_665 = arith.index_cast %add3A_642 : i32 to index
        %swap3A_666 = arith.constant 16 : index
        %swap3A_667 = tpu.vector_load %arg6[%swap3A_664, %swap3A_665, %swap3A_666] {strides = array<i32>} : memref<2x80x128xf32, #tpu.memory_space<vmem>>, vector<16xf32>,
        tpu.vector_store %arg6[%swap3A_664, %swap3A_665, %swap3A_666], %mul3A_663 {strides = array<i32>} : memref<2x80x128xf32, #tpu.memory_space<vmem>>, vector<16xf32>,
        %get3A_668 = arith.index_cast %and3A_92 : i32 to index
        %get3A_669 = arith.index_cast %add3A_642 : i32 to index
        %get3A_670 = arith.constant 32 : index
        %get3A_671 = tpu.vector_load %arg6[%get3A_668, %get3A_669, %get3A_670] {strides = array<i32>} : memref<2x80x128xf32, #tpu.memory_space<vmem>>, vector<16xf32>,
        %mul3A_672 = arith.mulf %get3A_671, %bitcast3A_649 : vector<16xf32>
        %swap3A_673 = arith.index_cast %and3A_92 : i32 to index
        %swap3A_674 = arith.index_cast %add3A_642 : i32 to index
        %swap3A_675 = arith.constant 32 : index
        %swap3A_676 = tpu.vector_load %arg6[%swap3A_673, %swap3A_674, %swap3A_675] {strides = array<i32>} : memref<2x80x128xf32, #tpu.memory_space<vmem>>, vector<16xf32>,
        tpu.vector_store %arg6[%swap3A_673, %swap3A_674, %swap3A_675], %mul3A_672 {strides = array<i32>} : memref<2x80x128xf32, #tpu.memory_space<vmem>>, vector<16xf32>,
        %get3A_677 = arith.index_cast %and3A_92 : i32 to index
        %get3A_678 = arith.index_cast %add3A_642 : i32 to index
        %get3A_679 = arith.constant 48 : index
        %get3A_680 = tpu.vector_load %arg6[%get3A_677, %get3A_678, %get3A_679] {strides = array<i32>} : memref<2x80x128xf32, #tpu.memory_space<vmem>>, vector<16xf32>,
        %mul3A_681 = arith.mulf %get3A_680, %bitcast3A_649 : vector<16xf32>
        %swap3A_682 = arith.index_cast %and3A_92 : i32 to index
        %swap3A_683 = arith.index_cast %add3A_642 : i32 to index
        %swap3A_684 = arith.constant 48 : index
        %swap3A_685 = tpu.vector_load %arg6[%swap3A_682, %swap3A_683, %swap3A_684] {strides = array<i32>} : memref<2x80x128xf32, #tpu.memory_space<vmem>>, vector<16xf32>,
        tpu.vector_store %arg6[%swap3A_682, %swap3A_683, %swap3A_684], %mul3A_681 {strides = array<i32>} : memref<2x80x128xf32, #tpu.memory_space<vmem>>, vector<16xf32>,
        %get3A_686 = arith.index_cast %and3A_92 : i32 to index
        %get3A_687 = arith.index_cast %add3A_642 : i32 to index
        %get3A_688 = arith.constant 64 : index
        %get3A_689 = tpu.vector_load %arg6[%get3A_686, %get3A_687, %get3A_688] {strides = array<i32>} : memref<2x80x128xf32, #tpu.memory_space<vmem>>, vector<16xf32>,
        %mul3A_690 = arith.mulf %get3A_689, %bitcast3A_649 : vector<16xf32>
        %swap3A_691 = arith.index_cast %and3A_92 : i32 to index
        %swap3A_692 = arith.index_cast %add3A_642 : i32 to index
        %swap3A_693 = arith.constant 64 : index
        %swap3A_694 = tpu.vector_load %arg6[%swap3A_691, %swap3A_692, %swap3A_693] {strides = array<i32>} : memref<2x80x128xf32, #tpu.memory_space<vmem>>, vector<16xf32>,
        tpu.vector_store %arg6[%swap3A_691, %swap3A_692, %swap3A_693], %mul3A_690 {strides = array<i32>} : memref<2x80x128xf32, #tpu.memory_space<vmem>>, vector<16xf32>,
        %get3A_695 = arith.index_cast %and3A_92 : i32 to index
        %get3A_696 = arith.index_cast %add3A_642 : i32 to index
        %get3A_697 = arith.constant 80 : index
        %get3A_698 = tpu.vector_load %arg6[%get3A_695, %get3A_696, %get3A_697] {strides = array<i32>} : memref<2x80x128xf32, #tpu.memory_space<vmem>>, vector<16xf32>,
        %mul3A_699 = arith.mulf %get3A_698, %bitcast3A_649 : vector<16xf32>
        %swap3A_700 = arith.index_cast %and3A_92 : i32 to index
        %swap3A_701 = arith.index_cast %add3A_642 : i32 to index
        %swap3A_702 = arith.constant 80 : index
        %swap3A_703 = tpu.vector_load %arg6[%swap3A_700, %swap3A_701, %swap3A_702] {strides = array<i32>} : memref<2x80x128xf32, #tpu.memory_space<vmem>>, vector<16xf32>,
        tpu.vector_store %arg6[%swap3A_700, %swap3A_701, %swap3A_702], %mul3A_699 {strides = array<i32>} : memref<2x80x128xf32, #tpu.memory_space<vmem>>, vector<16xf32>,
        %get3A_704 = arith.index_cast %and3A_92 : i32 to index
        %get3A_705 = arith.index_cast %add3A_642 : i32 to index
        %get3A_706 = arith.constant 96 : index
        %get3A_707 = tpu.vector_load %arg6[%get3A_704, %get3A_705, %get3A_706] {strides = array<i32>} : memref<2x80x128xf32, #tpu.memory_space<vmem>>, vector<16xf32>,
        %mul3A_708 = arith.mulf %get3A_707, %bitcast3A_649 : vector<16xf32>
        %swap3A_709 = arith.index_cast %and3A_92 : i32 to index
        %swap3A_710 = arith.index_cast %add3A_642 : i32 to index
        %swap3A_711 = arith.constant 96 : index
        %swap3A_712 = tpu.vector_load %arg6[%swap3A_709, %swap3A_710, %swap3A_711] {strides = array<i32>} : memref<2x80x128xf32, #tpu.memory_space<vmem>>, vector<16xf32>,
        tpu.vector_store %arg6[%swap3A_709, %swap3A_710, %swap3A_711], %mul3A_708 {strides = array<i32>} : memref<2x80x128xf32, #tpu.memory_space<vmem>>, vector<16xf32>,
        %get3A_713 = arith.index_cast %and3A_92 : i32 to index
        %get3A_714 = arith.index_cast %add3A_642 : i32 to index
        %get3A_715 = arith.constant 112 : index
        %get3A_716 = tpu.vector_load %arg6[%get3A_713, %get3A_714, %get3A_715] {strides = array<i32>} : memref<2x80x128xf32, #tpu.memory_space<vmem>>, vector<16xf32>,
        %mul3A_717 = arith.mulf %get3A_716, %bitcast3A_649 : vector<16xf32>
        %swap3A_718 = arith.index_cast %and3A_92 : i32 to index
        %swap3A_719 = arith.index_cast %add3A_642 : i32 to index
        %swap3A_720 = arith.constant 112 : index
        %swap3A_721 = tpu.vector_load %arg6[%swap3A_718, %swap3A_719, %swap3A_720] {strides = array<i32>} : memref<2x80x128xf32, #tpu.memory_space<vmem>>, vector<16xf32>,
        tpu.vector_store %arg6[%swap3A_718, %swap3A_719, %swap3A_720], %mul3A_717 {strides = array<i32>} : memref<2x80x128xf32, #tpu.memory_space<vmem>>, vector<16xf32>,
        %mul3A_722 = arith.constant 8 : i32
        %mul3A_723 = arith.muli %scan3A_144, %mul3A_722 : i32
        %add3A_724 = arith.constant 7 : i32
        %add3A_725 = arith.addi %mul3A_723, %add3A_724 : i32
        %broadcast_in_dim3A_726 = vector.broadcast %add3A_725 : i32 to vector<16xi32>
        %gather3A_727 = arith.constant 2 : i32
        %gather3A_728 = arith.constant 0 : i32
        %gather3A_729 = tpu.memref_slice %arg5[%and3A_94, %gather3A_727, %gather3A_728] : memref<4x3x80xi32, #tpu.memory_space<vmem>> -> memref<1x1x80xi32, #tpu.memory_space<vmem>>
        %gather3A_730 = tpu.memref_squeeze %gather3A_729 : memref<1x1x80xi32, #tpu.memory_space<vmem>> -> memref<80xi32, #tpu.memory_space<vmem>>
        %gather3A_731 = tpu.vector_load_idx %gather3A_730[%broadcast_in_dim3A_726] : memref<80xi32, #tpu.memory_space<vmem>>[vector<16xi32>], vector<16xi32>,
        %bitcast3A_732 = vector.bitcast %gather3A_731 : vector<16xi32> to vector<16xf32>
        %get3A_733 = arith.index_cast %and3A_92 : i32 to index
        %get3A_734 = arith.index_cast %add3A_725 : i32 to index
        %get3A_735 = arith.constant 0 : index
        %get3A_736 = tpu.vector_load %arg6[%get3A_733, %get3A_734, %get3A_735] {strides = array<i32>} : memref<2x80x128xf32, #tpu.memory_space<vmem>>, vector<16xf32>,
        %mul3A_737 = arith.mulf %get3A_736, %bitcast3A_732 : vector<16xf32>
        %swap3A_738 = arith.index_cast %and3A_92 : i32 to index
        %swap3A_739 = arith.index_cast %add3A_725 : i32 to index
        %swap3A_740 = arith.constant 0 : index
        %swap3A_741 = tpu.vector_load %arg6[%swap3A_738, %swap3A_739, %swap3A_740] {strides = array<i32>} : memref<2x80x128xf32, #tpu.memory_space<vmem>>, vector<16xf32>,
        tpu.vector_store %arg6[%swap3A_738, %swap3A_739, %swap3A_740], %mul3A_737 {strides = array<i32>} : memref<2x80x128xf32, #tpu.memory_space<vmem>>, vector<16xf32>,
        %get3A_742 = arith.index_cast %and3A_92 : i32 to index
        %get3A_743 = arith.index_cast %add3A_725 : i32 to index
        %get3A_744 = arith.constant 16 : index
        %get3A_745 = tpu.vector_load %arg6[%get3A_742, %get3A_743, %get3A_744] {strides = array<i32>} : memref<2x80x128xf32, #tpu.memory_space<vmem>>, vector<16xf32>,
        %mul3A_746 = arith.mulf %get3A_745, %bitcast3A_732 : vector<16xf32>
        %swap3A_747 = arith.index_cast %and3A_92 : i32 to index
        %swap3A_748 = arith.index_cast %add3A_725 : i32 to index
        %swap3A_749 = arith.constant 16 : index
        %swap3A_750 = tpu.vector_load %arg6[%swap3A_747, %swap3A_748, %swap3A_749] {strides = array<i32>} : memref<2x80x128xf32, #tpu.memory_space<vmem>>, vector<16xf32>,
        tpu.vector_store %arg6[%swap3A_747, %swap3A_748, %swap3A_749], %mul3A_746 {strides = array<i32>} : memref<2x80x128xf32, #tpu.memory_space<vmem>>, vector<16xf32>,
        %get3A_751 = arith.index_cast %and3A_92 : i32 to index
        %get3A_752 = arith.index_cast %add3A_725 : i32 to index
        %get3A_753 = arith.constant 32 : index
        %get3A_754 = tpu.vector_load %arg6[%get3A_751, %get3A_752, %get3A_753] {strides = array<i32>} : memref<2x80x128xf32, #tpu.memory_space<vmem>>, vector<16xf32>,
        %mul3A_755 = arith.mulf %get3A_754, %bitcast3A_732 : vector<16xf32>
        %swap3A_756 = arith.index_cast %and3A_92 : i32 to index
        %swap3A_757 = arith.index_cast %add3A_725 : i32 to index
        %swap3A_758 = arith.constant 32 : index
        %swap3A_759 = tpu.vector_load %arg6[%swap3A_756, %swap3A_757, %swap3A_758] {strides = array<i32>} : memref<2x80x128xf32, #tpu.memory_space<vmem>>, vector<16xf32>,
        tpu.vector_store %arg6[%swap3A_756, %swap3A_757, %swap3A_758], %mul3A_755 {strides = array<i32>} : memref<2x80x128xf32, #tpu.memory_space<vmem>>, vector<16xf32>,
        %get3A_760 = arith.index_cast %and3A_92 : i32 to index
        %get3A_761 = arith.index_cast %add3A_725 : i32 to index
        %get3A_762 = arith.constant 48 : index
        %get3A_763 = tpu.vector_load %arg6[%get3A_760, %get3A_761, %get3A_762] {strides = array<i32>} : memref<2x80x128xf32, #tpu.memory_space<vmem>>, vector<16xf32>,
        %mul3A_764 = arith.mulf %get3A_763, %bitcast3A_732 : vector<16xf32>
        %swap3A_765 = arith.index_cast %and3A_92 : i32 to index
        %swap3A_766 = arith.index_cast %add3A_725 : i32 to index
        %swap3A_767 = arith.constant 48 : index
        %swap3A_768 = tpu.vector_load %arg6[%swap3A_765, %swap3A_766, %swap3A_767] {strides = array<i32>} : memref<2x80x128xf32, #tpu.memory_space<vmem>>, vector<16xf32>,
        tpu.vector_store %arg6[%swap3A_765, %swap3A_766, %swap3A_767], %mul3A_764 {strides = array<i32>} : memref<2x80x128xf32, #tpu.memory_space<vmem>>, vector<16xf32>,
        %get3A_769 = arith.index_cast %and3A_92 : i32 to index
        %get3A_770 = arith.index_cast %add3A_725 : i32 to index
        %get3A_771 = arith.constant 64 : index
        %get3A_772 = tpu.vector_load %arg6[%get3A_769, %get3A_770, %get3A_771] {strides = array<i32>} : memref<2x80x128xf32, #tpu.memory_space<vmem>>, vector<16xf32>,
        %mul3A_773 = arith.mulf %get3A_772, %bitcast3A_732 : vector<16xf32>
        %swap3A_774 = arith.index_cast %and3A_92 : i32 to index
        %swap3A_775 = arith.index_cast %add3A_725 : i32 to index
        %swap3A_776 = arith.constant 64 : index
        %swap3A_777 = tpu.vector_load %arg6[%swap3A_774, %swap3A_775, %swap3A_776] {strides = array<i32>} : memref<2x80x128xf32, #tpu.memory_space<vmem>>, vector<16xf32>,
        tpu.vector_store %arg6[%swap3A_774, %swap3A_775, %swap3A_776], %mul3A_773 {strides = array<i32>} : memref<2x80x128xf32, #tpu.memory_space<vmem>>, vector<16xf32>,
        %get3A_778 = arith.index_cast %and3A_92 : i32 to index
        %get3A_779 = arith.index_cast %add3A_725 : i32 to index
        %get3A_780 = arith.constant 80 : index
        %get3A_781 = tpu.vector_load %arg6[%get3A_778, %get3A_779, %get3A_780] {strides = array<i32>} : memref<2x80x128xf32, #tpu.memory_space<vmem>>, vector<16xf32>,
        %mul3A_782 = arith.mulf %get3A_781, %bitcast3A_732 : vector<16xf32>
        %swap3A_783 = arith.index_cast %and3A_92 : i32 to index
        %swap3A_784 = arith.index_cast %add3A_725 : i32 to index
        %swap3A_785 = arith.constant 80 : index
        %swap3A_786 = tpu.vector_load %arg6[%swap3A_783, %swap3A_784, %swap3A_785] {strides = array<i32>} : memref<2x80x128xf32, #tpu.memory_space<vmem>>, vector<16xf32>,
        tpu.vector_store %arg6[%swap3A_783, %swap3A_784, %swap3A_785], %mul3A_782 {strides = array<i32>} : memref<2x80x128xf32, #tpu.memory_space<vmem>>, vector<16xf32>,
        %get3A_787 = arith.index_cast %and3A_92 : i32 to index
        %get3A_788 = arith.index_cast %add3A_725 : i32 to index
        %get3A_789 = arith.constant 96 : index
        %get3A_790 = tpu.vector_load %arg6[%get3A_787, %get3A_788, %get3A_789] {strides = array<i32>} : memref<2x80x128xf32, #tpu.memory_space<vmem>>, vector<16xf32>,
        %mul3A_791 = arith.mulf %get3A_790, %bitcast3A_732 : vector<16xf32>
        %swap3A_792 = arith.index_cast %and3A_92 : i32 to index
        %swap3A_793 = arith.index_cast %add3A_725 : i32 to index
        %swap3A_794 = arith.constant 96 : index
        %swap3A_795 = tpu.vector_load %arg6[%swap3A_792, %swap3A_793, %swap3A_794] {strides = array<i32>} : memref<2x80x128xf32, #tpu.memory_space<vmem>>, vector<16xf32>,
        tpu.vector_store %arg6[%swap3A_792, %swap3A_793, %swap3A_794], %mul3A_791 {strides = array<i32>} : memref<2x80x128xf32, #tpu.memory_space<vmem>>, vector<16xf32>,
        %get3A_796 = arith.index_cast %and3A_92 : i32 to index
        %get3A_797 = arith.index_cast %add3A_725 : i32 to index
        %get3A_798 = arith.constant 112 : index
        %get3A_799 = tpu.vector_load %arg6[%get3A_796, %get3A_797, %get3A_798] {strides = array<i32>} : memref<2x80x128xf32, #tpu.memory_space<vmem>>, vector<16xf32>,
        %mul3A_800 = arith.mulf %get3A_799, %bitcast3A_732 : vector<16xf32>
        %swap3A_801 = arith.index_cast %and3A_92 : i32 to index
        %swap3A_802 = arith.index_cast %add3A_725 : i32 to index
        %swap3A_803 = arith.constant 112 : index
        %swap3A_804 = tpu.vector_load %arg6[%swap3A_801, %swap3A_802, %swap3A_803] {strides = array<i32>} : memref<2x80x128xf32, #tpu.memory_space<vmem>>, vector<16xf32>,
        tpu.vector_store %arg6[%swap3A_801, %swap3A_802, %swap3A_803], %mul3A_800 {strides = array<i32>} : memref<2x80x128xf32, #tpu.memory_space<vmem>>, vector<16xf32>,
      }
      %scan3A_130 = arith.constant 10 : i32
      %and3A_131 = arith.constant 3 : i32
      %and3A_132 = arith.andi %scan3A_91, %and3A_131 : i32
      %dma_start3A_133 = arith.constant 1 : i32
      %dma_start3A_134 = arith.constant 0 : i32
      %dma_start3A_135 = arith.constant 0 : i32
      %dma_start3A_136 = tpu.memref_slice %arg6[%and3A_92, %dma_start3A_134, %dma_start3A_135] : memref<2x80x128xf32, #tpu.memory_space<vmem>> -> memref<1x80x128xf32, #tpu.memory_space<vmem>>
      %dma_start3A_137 = tpu.memref_squeeze %dma_start3A_136 : memref<1x80x128xf32, #tpu.memory_space<vmem>> -> memref<80x128xf32, #tpu.memory_space<vmem>>
      %dma_start3A_138 = arith.constant 0 : i32
      %dma_start3A_139 = tpu.memref_slice %arg5[%and3A_132, %dma_start3A_133, %dma_start3A_138] : memref<4x3x80xi32, #tpu.memory_space<vmem>> -> memref<1x1x80xi32, #tpu.memory_space<vmem>>
      %dma_start3A_140 = tpu.memref_squeeze %dma_start3A_139 : memref<1x1x80xi32, #tpu.memory_space<vmem>> -> memref<80xi32, #tpu.memory_space<vmem>>
      %dma_start3A_141 = arith.constant 0 : i32
      %dma_start3A_142 = arith.constant 0 : i32
      %dma_start3A_143 = tpu.memref_slice %arg8[%dma_start3A_141, %dma_start3A_142] : memref<10000x128xf32, #tpu.memory_space<vmem_shared>> -> memref<10000x128xf32, #tpu.memory_space<vmem_shared>>
      tpu.enqueue_indirect_dma source(%dma_start3A_137 : memref<80x128xf32, #tpu.memory_space<vmem>>) target(%dma_start3A_143 : memref<10000x128xf32, #tpu.memory_space<vmem_shared>>) offsets(%dma_start3A_140 : memref<80xi32, #tpu.memory_space<vmem>>) semaphore(%arg11 : memref<!tpu.dma_semaphore, #tpu.memory_space<semaphore_mem>>) {add = true}
    }
    %scan3A_54 = arith.constant 125 : i32
    %dma_wait3A = arith.constant 0 : i32
    %dma_wait3A_55 = arith.constant 0 : i32
    %dma_wait3A_56 = arith.constant 0 : i32
    %dma_wait3A_57 = tpu.memref_slice %arg6[%dma_wait3A, %dma_wait3A_55, %dma_wait3A_56] : memref<2x80x128xf32, #tpu.memory_space<vmem>> -> memref<1x80x128xf32, #tpu.memory_space<vmem>>
    %dma_wait3A_58 = tpu.memref_squeeze %dma_wait3A_57 : memref<1x80x128xf32, #tpu.memory_space<vmem>> -> memref<80x128xf32, #tpu.memory_space<vmem>>
    %dma_wait3A_59 = arith.constant 0 : i32
    %dma_wait3A_60 = arith.constant 0 : i32
    %dma_wait3A_61 = tpu.memref_slice %arg8[%dma_wait3A_59, %dma_wait3A_60] : memref<10000x128xf32, #tpu.memory_space<vmem_shared>> -> memref<80x128xf32, #tpu.memory_space<vmem_shared>>
    %dma_wait3A_62 = arith.constant 0 : i32
    %dma_wait3A_63 = arith.constant 0 : i32
    %dma_wait3A_64 = tpu.memref_slice %arg8[%dma_wait3A_62, %dma_wait3A_63] : memref<10000x128xf32, #tpu.memory_space<vmem_shared>> -> memref<80x128xf32, #tpu.memory_space<vmem_shared>>
    %dma_wait3A_65 = arith.constant 0 : i32
    %dma_wait3A_66 = arith.constant 0 : i32
    %dma_wait3A_67 = tpu.memref_slice %arg6[%dma_wait3A, %dma_wait3A_65, %dma_wait3A_66] : memref<2x80x128xf32, #tpu.memory_space<vmem>> -> memref<1x80x128xf32, #tpu.memory_space<vmem>>
    %dma_wait3A_68 = tpu.memref_squeeze %dma_wait3A_67 : memref<1x80x128xf32, #tpu.memory_space<vmem>> -> memref<80x128xf32, #tpu.memory_space<vmem>>
    tpu.wait_dma2 semaphore(%arg11 : memref<!tpu.dma_semaphore, #tpu.memory_space<semaphore_mem>>) src(%dma_wait3A_68 : memref<80x128xf32, #tpu.memory_space<vmem>>) dst(%dma_wait3A_64 : memref<80x128xf32, #tpu.memory_space<vmem_shared>>)
    %dma_wait3A_69 = arith.constant 0 : i32
    %dma_wait3A_70 = arith.constant 0 : i32
    %dma_wait3A_71 = arith.constant 0 : i32
    %dma_wait3A_72 = tpu.memref_slice %arg6[%dma_wait3A_69, %dma_wait3A_70, %dma_wait3A_71] : memref<2x80x128xf32, #tpu.memory_space<vmem>> -> memref<1x80x128xf32, #tpu.memory_space<vmem>>
    %dma_wait3A_73 = tpu.memref_squeeze %dma_wait3A_72 : memref<1x80x128xf32, #tpu.memory_space<vmem>> -> memref<80x128xf32, #tpu.memory_space<vmem>>
    %dma_wait3A_74 = arith.constant 0 : i32
    %dma_wait3A_75 = arith.constant 0 : i32
    %dma_wait3A_76 = tpu.memref_slice %arg8[%dma_wait3A_74, %dma_wait3A_75] : memref<10000x128xf32, #tpu.memory_space<vmem_shared>> -> memref<80x128xf32, #tpu.memory_space<vmem_shared>>
    %dma_wait3A_77 = arith.constant 0 : i32
    %dma_wait3A_78 = arith.constant 0 : i32
    %dma_wait3A_79 = tpu.memref_slice %arg8[%dma_wait3A_77, %dma_wait3A_78] : memref<10000x128xf32, #tpu.memory_space<vmem_shared>> -> memref<80x128xf32, #tpu.memory_space<vmem_shared>>
    %dma_wait3A_80 = arith.constant 0 : i32
    %dma_wait3A_81 = arith.constant 0 : i32
    %dma_wait3A_82 = tpu.memref_slice %arg6[%dma_wait3A_69, %dma_wait3A_80, %dma_wait3A_81] : memref<2x80x128xf32, #tpu.memory_space<vmem>> -> memref<1x80x128xf32, #tpu.memory_space<vmem>>
    %dma_wait3A_83 = tpu.memref_squeeze %dma_wait3A_82 : memref<1x80x128xf32, #tpu.memory_space<vmem>> -> memref<80x128xf32, #tpu.memory_space<vmem>>
    tpu.wait_dma2 semaphore(%arg11 : memref<!tpu.dma_semaphore, #tpu.memory_space<semaphore_mem>>) src(%dma_wait3A_83 : memref<80x128xf32, #tpu.memory_space<vmem>>) dst(%dma_wait3A_79 : memref<80x128xf32, #tpu.memory_space<vmem_shared>>)
    %barrier3A_84 = arith.constant 0 : index
    tpu.barrier barrier_id(%barrier3A_84)
    %lt3A = arith.constant 15 : i32
    %lt3A_85 = arith.cmpi slt, %arg1, %lt3A : i32
    %convert_element_type3A = arith.extui %lt3A_85 : i1 to i32
    %cond3A = arith.constant 0 : i32
    %cond3A_86 = arith.cmpi ne, %convert_element_type3A, %cond3A : i32
    scf.if %cond3A_86 {
      %mul3A_91 = arith.constant 632 : i32
      %mul3A_92 = arith.muli %arg1, %mul3A_91 : i32
      %multiple_of3A = tpu.assume_multiple %mul3A_92, 8 : i32
      "tpu.region"() ({
        %run_scoped3A_93 = tpu.sem_alloc : memref<!tpu.dma_semaphore, #tpu.memory_space<semaphore_mem>>
        %dma_start3A_94 = arith.constant 0 : i32
        %dma_start3A_95 = tpu.memref_slice %arg4[%arg0, %multiple_of3A, %dma_start3A_94] : memref<2x10000x128xf32, #tpu.memory_space<hbm>> -> memref<1x632x128xf32, #tpu.memory_space<hbm>>
        %dma_start3A_96 = tpu.memref_squeeze %dma_start3A_95 : memref<1x632x128xf32, #tpu.memory_space<hbm>> -> memref<632x128xf32, #tpu.memory_space<hbm>>
        %dma_start3A_97 = arith.constant 0 : i32
        %dma_start3A_98 = tpu.memref_slice %arg8[%multiple_of3A, %dma_start3A_97] : memref<10000x128xf32, #tpu.memory_space<vmem_shared>> -> memref<632x128xf32, #tpu.memory_space<vmem_shared>>
        tpu.enqueue_dma source(%dma_start3A_98 : memref<632x128xf32, #tpu.memory_space<vmem_shared>>) target(%dma_start3A_96 : memref<632x128xf32, #tpu.memory_space<hbm>>) target_semaphore(%run_scoped3A_93 : memref<!tpu.dma_semaphore, #tpu.memory_space<semaphore_mem>>)
        %dma_wait3A_99 = arith.constant 0 : i32
        %dma_wait3A_100 = tpu.memref_slice %arg4[%arg0, %multiple_of3A, %dma_wait3A_99] : memref<2x10000x128xf32, #tpu.memory_space<hbm>> -> memref<1x632x128xf32, #tpu.memory_space<hbm>>
        %dma_wait3A_101 = tpu.memref_squeeze %dma_wait3A_100 : memref<1x632x128xf32, #tpu.memory_space<hbm>> -> memref<632x128xf32, #tpu.memory_space<hbm>>
        %dma_wait3A_102 = arith.constant 0 : i32
        %dma_wait3A_103 = tpu.memref_slice %arg8[%multiple_of3A, %dma_wait3A_102] : memref<10000x128xf32, #tpu.memory_space<vmem_shared>> -> memref<632x128xf32, #tpu.memory_space<vmem_shared>>
        tpu.wait_dma2 semaphore(%run_scoped3A_93 : memref<!tpu.dma_semaphore, #tpu.memory_space<semaphore_mem>>) src(%dma_wait3A_103 : memref<632x128xf32, #tpu.memory_space<vmem_shared>>) dst(%dma_wait3A_101 : memref<632x128xf32, #tpu.memory_space<hbm>>)
        tpu.yield
      }) : () -> ()
    } else {
    }
    %eq3A = arith.constant 15 : i32
    %eq3A_87 = arith.cmpi eq, %arg1, %eq3A : i32
    %convert_element_type3A_88 = arith.extui %eq3A_87 : i1 to i32
    %cond3A_89 = arith.constant 0 : i32
    %cond3A_90 = arith.cmpi ne, %convert_element_type3A_88, %cond3A_89 : i32
    scf.if %cond3A_90 {
      "tpu.region"() ({
        %run_scoped3A_91 = tpu.sem_alloc : memref<!tpu.dma_semaphore, #tpu.memory_space<semaphore_mem>>
        %dma_start3A_92 = arith.constant 9480 : i32
        %dma_start3A_93 = arith.constant 0 : i32
        %dma_start3A_94 = tpu.memref_slice %arg4[%arg0, %dma_start3A_92, %dma_start3A_93] : memref<2x10000x128xf32, #tpu.memory_space<hbm>> -> memref<1x520x128xf32, #tpu.memory_space<hbm>>
        %dma_start3A_95 = tpu.memref_squeeze %dma_start3A_94 : memref<1x520x128xf32, #tpu.memory_space<hbm>> -> memref<520x128xf32, #tpu.memory_space<hbm>>
        %dma_start3A_96 = arith.constant 9480 : i32
        %dma_start3A_97 = arith.constant 0 : i32
        %dma_start3A_98 = tpu.memref_slice %arg8[%dma_start3A_96, %dma_start3A_97] : memref<10000x128xf32, #tpu.memory_space<vmem_shared>> -> memref<520x128xf32, #tpu.memory_space<vmem_shared>>
        tpu.enqueue_dma source(%dma_start3A_98 : memref<520x128xf32, #tpu.memory_space<vmem_shared>>) target(%dma_start3A_95 : memref<520x128xf32, #tpu.memory_space<hbm>>) target_semaphore(%run_scoped3A_91 : memref<!tpu.dma_semaphore, #tpu.memory_space<semaphore_mem>>)
        %dma_wait3A_99 = arith.constant 9480 : i32
        %dma_wait3A_100 = arith.constant 0 : i32
        %dma_wait3A_101 = tpu.memref_slice %arg4[%arg0, %dma_wait3A_99, %dma_wait3A_100] : memref<2x10000x128xf32, #tpu.memory_space<hbm>> -> memref<1x520x128xf32, #tpu.memory_space<hbm>>
        %dma_wait3A_102 = tpu.memref_squeeze %dma_wait3A_101 : memref<1x520x128xf32, #tpu.memory_space<hbm>> -> memref<520x128xf32, #tpu.memory_space<hbm>>
        %dma_wait3A_103 = arith.constant 9480 : i32
        %dma_wait3A_104 = arith.constant 0 : i32
        %dma_wait3A_105 = tpu.memref_slice %arg8[%dma_wait3A_103, %dma_wait3A_104] : memref<10000x128xf32, #tpu.memory_space<vmem_shared>> -> memref<520x128xf32, #tpu.memory_space<vmem_shared>>
        tpu.wait_dma2 semaphore(%run_scoped3A_91 : memref<!tpu.dma_semaphore, #tpu.memory_space<semaphore_mem>>) src(%dma_wait3A_105 : memref<520x128xf32, #tpu.memory_space<vmem_shared>>) dst(%dma_wait3A_102 : memref<520x128xf32, #tpu.memory_space<hbm>>)
        tpu.yield
      }) : () -> ()
    } else {
    }
    return
  }
}

module attributes {stable_mosaic.version = 14 : i64} {
  func.func @_mm1_body(%arg0: i32, %arg1: memref<1000x128xf32, #tpu.memory_space<vmem>>, %arg2: memref<128x128xf32, #tpu.memory_space<vmem>>, %arg3: memref<1000x128xf32, #tpu.memory_space<vmem>>) attributes {dimension_semantics = [#tpu.dimension_semantics<arbitrary>], iteration_bounds = array<i64: 10>, scalar_prefetch = 0 : i64, scratch_operands = 0 : i64, tpu.core_type = #tpu.core_type<tc>, window_params = [{transform_indices = @transform_0, window_bounds = array<i64: 1000, 128>}, {pipeline_mode = #tpu.pipeline_mode<synchronous>, transform_indices = @transform_1, window_bounds = array<i64: 128, 128>}, {transform_indices = @transform_2, window_bounds = array<i64: 1000, 128>}]} {
    %get3A = arith.constant 0 : index
    %get3A_0 = arith.constant 0 : index
    %get3A_1 = vector.load %arg1[%get3A, %get3A_0] : memref<1000x128xf32, #tpu.memory_space<vmem>>, vector<1000x128xf32>
    %get3A_2 = arith.constant 0 : index
    %get3A_3 = arith.constant 0 : index
    %get3A_4 = vector.load %arg2[%get3A_2, %get3A_3] : memref<128x128xf32, #tpu.memory_space<vmem>>, vector<128x128xf32>
    %dot_general3A = arith.constant dense<0.000000e+00> : vector<1000x128xf32>
    %dot_general3A_5 = tpu.matmul %get3A_1, %get3A_4, %dot_general3A {dimension_numbers = #tpu.dot_dimension_numbers<[1], [0], [0], [1], [0, 0, 1, 1], [], []>, transpose_lhs_hint = false} : vector<1000x128xf32>, vector<128x128xf32>, vector<1000x128xf32> -> vector<1000x128xf32>
    %swap3A = arith.constant 0 : index
    %swap3A_6 = arith.constant 0 : index
    %swap3A_7 = vector.load %arg3[%swap3A, %swap3A_6] : memref<1000x128xf32, #tpu.memory_space<vmem>>, vector<1000x128xf32>
    tpu.vector_store %arg3[%swap3A, %swap3A_6], %dot_general3A_5 {strides = array<i32>} : memref<1000x128xf32, #tpu.memory_space<vmem>>, vector<1000x128xf32>,
    return
  }
  func.func @transform_0(%arg0: i32) -> (i32, i32) {
    %c0_i32 = arith.constant 0 : i32
    %c0_i32_0 = arith.constant 0 : i32
    return %arg0, %c0_i32 : i32, i32
  }
  func.func @transform_1(%arg0: i32) -> (i32, i32) {
    %c0_i32 = arith.constant 0 : i32
    %c0_i32_0 = arith.constant 0 : i32
    %c0_i32_1 = arith.constant 0 : i32
    return %c0_i32, %c0_i32_0 : i32, i32
  }
  func.func @transform_2(%arg0: i32) -> (i32, i32) {
    %c0_i32 = arith.constant 0 : i32
    %c0_i32_0 = arith.constant 0 : i32
    return %arg0, %c0_i32 : i32, i32
  }
}

module attributes {stable_mosaic.version = 14 : i64} {
  func.func @_mm2_body(%arg0: i32, %arg1: memref<2x1000x128xf32, #tpu.memory_space<vmem>>, %arg2: memref<1x128xf32, #tpu.memory_space<vmem>>, %arg3: memref<128x128xf32, #tpu.memory_space<vmem>>, %arg4: memref<1000x128xf32, #tpu.memory_space<vmem>>) attributes {dimension_semantics = [#tpu.dimension_semantics<arbitrary>], iteration_bounds = array<i64: 10>, scalar_prefetch = 0 : i64, scratch_operands = 0 : i64, tpu.core_type = #tpu.core_type<tc>, window_params = [{transform_indices = @transform_0, window_bounds = array<i64: 2, 1000, 128>}, {pipeline_mode = #tpu.pipeline_mode<synchronous>, transform_indices = @transform_1, window_bounds = array<i64: 1, 128>}, {pipeline_mode = #tpu.pipeline_mode<synchronous>, transform_indices = @transform_2, window_bounds = array<i64: 128, 128>}, {transform_indices = @transform_3, window_bounds = array<i64: 1000, 128>}]} {
    %get3A = arith.constant 0 : index
    %get3A_0 = arith.constant 0 : index
    %get3A_1 = arith.constant 0 : index
    %get3A_2 = vector.load %arg1[%get3A, %get3A_0, %get3A_1] : memref<2x1000x128xf32, #tpu.memory_space<vmem>>, vector<1x1000x128xf32>
    %get3A_3 = vector.shape_cast %get3A_2 : vector<1x1000x128xf32> to vector<1000x128xf32>
    %get3A_4 = arith.constant 1 : index
    %get3A_5 = arith.constant 0 : index
    %get3A_6 = arith.constant 0 : index
    %get3A_7 = vector.load %arg1[%get3A_4, %get3A_5, %get3A_6] : memref<2x1000x128xf32, #tpu.memory_space<vmem>>, vector<1x1000x128xf32>
    %get3A_8 = vector.shape_cast %get3A_7 : vector<1x1000x128xf32> to vector<1000x128xf32>
    %add3A = arith.addf %get3A_3, %get3A_8 : vector<1000x128xf32>
    %get3A_9 = arith.constant 0 : index
    %get3A_10 = arith.constant 0 : index
    %get3A_11 = vector.load %arg2[%get3A_9, %get3A_10] : memref<1x128xf32, #tpu.memory_space<vmem>>, vector<1x128xf32>
    %add3A_12 = vector.broadcast %get3A_11 : vector<1x128xf32> to vector<1000x128xf32>
    %add3A_13 = arith.addf %add3A, %add3A_12 : vector<1000x128xf32>
    %max3A = arith.constant 0.000000e+00 : f32
    %max3A_14 = vector.broadcast %max3A : f32 to vector<1000x128xf32>
    %max3A_15 = arith.maximumf %add3A_13, %max3A_14 : vector<1000x128xf32>
    %get3A_16 = arith.constant 0 : index
    %get3A_17 = arith.constant 0 : index
    %get3A_18 = vector.load %arg3[%get3A_16, %get3A_17] : memref<128x128xf32, #tpu.memory_space<vmem>>, vector<128x128xf32>
    %dot_general3A = arith.constant dense<0.000000e+00> : vector<1000x128xf32>
    %dot_general3A_19 = tpu.matmul %max3A_15, %get3A_18, %dot_general3A {dimension_numbers = #tpu.dot_dimension_numbers<[1], [0], [0], [1], [0, 0, 1, 1], [], []>, transpose_lhs_hint = false} : vector<1000x128xf32>, vector<128x128xf32>, vector<1000x128xf32> -> vector<1000x128xf32>
    %swap3A = arith.constant 0 : index
    %swap3A_20 = arith.constant 0 : index
    %swap3A_21 = vector.load %arg4[%swap3A, %swap3A_20] : memref<1000x128xf32, #tpu.memory_space<vmem>>, vector<1000x128xf32>
    tpu.vector_store %arg4[%swap3A, %swap3A_20], %dot_general3A_19 {strides = array<i32>} : memref<1000x128xf32, #tpu.memory_space<vmem>>, vector<1000x128xf32>,
    return
  }
  func.func @transform_0(%arg0: i32) -> (i32, i32, i32) {
    %c0_i32 = arith.constant 0 : i32
    %c0_i32_0 = arith.constant 0 : i32
    %c0_i32_1 = arith.constant 0 : i32
    return %c0_i32, %arg0, %c0_i32_0 : i32, i32, i32
  }
  func.func @transform_1(%arg0: i32) -> (i32, i32) {
    %c0_i32 = arith.constant 0 : i32
    %c0_i32_0 = arith.constant 0 : i32
    %c0_i32_1 = arith.constant 0 : i32
    return %c0_i32, %c0_i32_0 : i32, i32
  }
  func.func @transform_2(%arg0: i32) -> (i32, i32) {
    %c0_i32 = arith.constant 0 : i32
    %c0_i32_0 = arith.constant 0 : i32
    %c0_i32_1 = arith.constant 0 : i32
    return %c0_i32, %c0_i32_0 : i32, i32
  }
  func.func @transform_3(%arg0: i32) -> (i32, i32) {
    %c0_i32 = arith.constant 0 : i32
    %c0_i32_0 = arith.constant 0 : i32
    return %arg0, %c0_i32 : i32, i32
  }
}

module attributes {stable_mosaic.version = 14 : i64} {
  func.func @_lsm_body(%arg0: i32, %arg1: memref<2x1000x128xf32, #tpu.memory_space<vmem>>, %arg2: memref<1x128xf32, #tpu.memory_space<vmem>>, %arg3: memref<1000x128xf32, #tpu.memory_space<vmem>>) attributes {dimension_semantics = [#tpu.dimension_semantics<arbitrary>], iteration_bounds = array<i64: 10>, scalar_prefetch = 0 : i64, scratch_operands = 0 : i64, tpu.core_type = #tpu.core_type<tc>, window_params = [{transform_indices = @transform_0, window_bounds = array<i64: 2, 1000, 128>}, {pipeline_mode = #tpu.pipeline_mode<synchronous>, transform_indices = @transform_1, window_bounds = array<i64: 1, 128>}, {transform_indices = @transform_2, window_bounds = array<i64: 1000, 128>}]} {
    %get3A = arith.constant 0 : index
    %get3A_0 = arith.constant 0 : index
    %get3A_1 = arith.constant 0 : index
    %get3A_2 = vector.load %arg1[%get3A, %get3A_0, %get3A_1] : memref<2x1000x128xf32, #tpu.memory_space<vmem>>, vector<1x1000x128xf32>
    %get3A_3 = vector.shape_cast %get3A_2 : vector<1x1000x128xf32> to vector<1000x128xf32>
    %get3A_4 = arith.constant 1 : index
    %get3A_5 = arith.constant 0 : index
    %get3A_6 = arith.constant 0 : index
    %get3A_7 = vector.load %arg1[%get3A_4, %get3A_5, %get3A_6] : memref<2x1000x128xf32, #tpu.memory_space<vmem>>, vector<1x1000x128xf32>
    %get3A_8 = vector.shape_cast %get3A_7 : vector<1x1000x128xf32> to vector<1000x128xf32>
    %add3A = arith.addf %get3A_3, %get3A_8 : vector<1000x128xf32>
    %get3A_9 = arith.constant 0 : index
    %get3A_10 = arith.constant 0 : index
    %get3A_11 = vector.load %arg2[%get3A_9, %get3A_10] : memref<1x128xf32, #tpu.memory_space<vmem>>, vector<1x128xf32>
    %add3A_12 = vector.broadcast %get3A_11 : vector<1x128xf32> to vector<1000x128xf32>
    %add3A_13 = arith.addf %add3A, %add3A_12 : vector<1000x128xf32>
    %reduce_max3A = arith.constant dense<0xFF800000> : vector<1000xf32>
    %reduce_max3A_14 = vector.multi_reduction <maximumf>, %add3A_13, %reduce_max3A [1] : vector<1000x128xf32> to vector<1000xf32>
    %broadcast_in_dim3A = vector.shape_cast %reduce_max3A_14 : vector<1000xf32> to vector<1000x1xf32>
    %sub3A = vector.broadcast %broadcast_in_dim3A : vector<1000x1xf32> to vector<1000x128xf32>
    %sub3A_15 = arith.subf %add3A_13, %sub3A : vector<1000x128xf32>
    %exp3A = math.exp %sub3A_15 : vector<1000x128xf32>
    %reduce_sum3A = arith.constant dense<0.000000e+00> : vector<1000xf32>
    %reduce_sum3A_16 = vector.multi_reduction <add>, %exp3A, %reduce_sum3A [1] : vector<1000x128xf32> to vector<1000xf32>
    %broadcast_in_dim3A_17 = vector.shape_cast %reduce_sum3A_16 : vector<1000xf32> to vector<1000x1xf32>
    %log3A = math.log %broadcast_in_dim3A_17 : vector<1000x1xf32>
    %add3A_18 = arith.addf %log3A, %broadcast_in_dim3A : vector<1000x1xf32>
    %sub3A_19 = vector.broadcast %add3A_18 : vector<1000x1xf32> to vector<1000x128xf32>
    %sub3A_20 = arith.subf %add3A_13, %sub3A_19 : vector<1000x128xf32>
    %swap3A = arith.constant 0 : index
    %swap3A_21 = arith.constant 0 : index
    %swap3A_22 = vector.load %arg3[%swap3A, %swap3A_21] : memref<1000x128xf32, #tpu.memory_space<vmem>>, vector<1000x128xf32>
    tpu.vector_store %arg3[%swap3A, %swap3A_21], %sub3A_20 {strides = array<i32>} : memref<1000x128xf32, #tpu.memory_space<vmem>>, vector<1000x128xf32>,
    return
  }
  func.func @transform_0(%arg0: i32) -> (i32, i32, i32) {
    %c0_i32 = arith.constant 0 : i32
    %c0_i32_0 = arith.constant 0 : i32
    %c0_i32_1 = arith.constant 0 : i32
    return %c0_i32, %arg0, %c0_i32_0 : i32, i32, i32
  }
  func.func @transform_1(%arg0: i32) -> (i32, i32) {
    %c0_i32 = arith.constant 0 : i32
    %c0_i32_0 = arith.constant 0 : i32
    %c0_i32_1 = arith.constant 0 : i32
    return %c0_i32, %c0_i32_0 : i32, i32
  }
  func.func @transform_2(%arg0: i32) -> (i32, i32) {
    %c0_i32 = arith.constant 0 : i32
    %c0_i32_0 = arith.constant 0 : i32
    return %arg0, %c0_i32 : i32, i32
  }
}

</mosaic_0001>

<sc_bundles>
// kernel: kernel.10.cloned.1.call-start
scs
__scs_entry_jumppad:
0x0: {  	(pc) =	sbr.rel $0x88, $3  }
0x1: {  	(tag) =	ssettag $0x0;
	lr =	simm.s32 $0x1  }
0x2: {  	[smem:$0x3F9A] =	sst lr;
	_ =	strace $0xD0000000  }
0x3: {  	_ = 	snop  }
0x4: {  	_ = 	snop  }
0x5: {  	_ = 	snop  }
0x6: {  	_ = 	snop  }
0x7: {  	_ = 	snop  }
__scs_overlays_trampoline_lowered:
0x8: {  	[smem:$0x3FA9] =	sst s0  }
0x9: {  	[smem:$0x3FAA] =	sst s1  }
0xa: {  	[smem:$0x3FAB] =	sst s2  }
0xb: {  	[smem:$0x3FAC] =	sst s3  }
0xc: {  	[smem:$0x3FAD] =	sst s4  }
0xd: {  	[smem:$0x3FAE] =	sst s5  }
0xe: {  	[smem:$0x3FAF] =	sst s6  }
0xf: {  	[smem:$0x3FB0] =	sst s7  }
0x10: {  	[smem:$0x3FB1] =	sst s8  }
0x11: {  	[smem:$0x3FB2] =	sst s9;
	s0 =	simm.s32 @!p0 $0x0  }
0x12: {  	s1 =	sld [smem:$0x3F98];
	s0 =	simm.s32 @p0 $0x1  }
0x13: {  	[smem:$0x3FB3] =	sst s0;
	s0 =	simm.s32 @!p1 $0x0  }
0x14: {  	s2 =	sld [smem:$0x3F97];
	s0 =	simm.s32 @p1 $0x1  }
0x15: {  	[smem:$0x3FB4] =	sst s0;
	s0 =	simm.s32 @!p2 $0x0  }
0x16: {  	s3 =	sld [smem:$0x3FDB];
	s0 =	simm.s32 @p2 $0x1  }
0x17: {  	s4 =	simm.s32 $0x1BF5;
	[smem:$0x3FB6] =	sst s0  }
0x18: {  	s0 =	sld [smem:$0x3F99];
	_ =	swait.ge [sflag:s4], $0x0  }
0x19: {  	s7 =	sld [smem:$0x3F9A]  }
0x1a: {  	s8 =	sadd.s32 $0xFFFFE003, lr  }
0x1b: {  	s9 =	sadd.s32 $0xFFFFFEF7, lr;
	s5 =	simm.s32 $0xFFFFFFFF;
	p2 =	slt.u32 s8, $0xFFFFF086  }
0x1c: {  	p1 =	slt.u32 s9, $0xF7A;
	s5 =	simm.s32 @!p2 $0x0  }
0x1d: {  	s5 =	simm.s32 @p1 $0x1;
	p0 =	seq.s32 s7, s2  }
0x1e: {  	s7 =	smul.u32 @!p0 $0xF7A, s2;
	p2 =	seq.s32 @!p0 s5, $0x0  }
0x1f: {  	s9 =	smul.u32 $0xF7A, s1;
	s8 =	simm.s32 @!p0 $0x1BF5;
	p2 =	por !p2, p0  }
0x20: {  	[sflag:s8] =	ssyncset.s32 @!p0 $0xFFFFF086;
	s6 =	sadd.s32 @!p0 s3, s7;
	s7 =	simm.s32 @!p0 $0x108  }
0x21: {  	s3 =	sadd.s32 s3, s9;
	s6 =	sadd.s32 @!p0 $0x88, s6;
	s7 =	simm.s32 @p2 $0x1082  }
0x22: {  	[simem:s7], [sflag:s8] =	dma.local @!p0 [hbm:s6], $0xF7A  }
0x23: {  	s9 =	sor.u32 $0xD0000000, s2;
	s6 =	simm.s32 $0x108;
	_ =	swait.ge @!p0 [sflag:s8], $0x0  }
0x24: {  	s3 =	sadd.s32 $0x88, s3;
	s6 =	simm.s32 @!p1 $0x1082;
	[sflag:s4] =	ssyncset.s32 $0xFFFFF086  }
0x25: {  	[simem:s6], [sflag:s4] =	dma.local [hbm:s3], $0xF7A  }
0x26: {  	[smem:$0x3F9A] =	sst s1;
	(tag) =	ssettag s2;
	_ =	strace s9  }
0x27: {  	s1 =	sld [smem:$0x3FAA]  }
0x28: {  	s2 =	sld [smem:$0x3FAB]  }
0x29: {  	s4 =	sld [smem:$0x3FAD]  }
0x2a: {  	p0 =	seq.s32 s5, $0x0;
	s5 =	sld [smem:$0x3FAE]  }
0x2b: {  	s6 =	sld [smem:$0x3FAF]  }
0x2c: {  	s7 =	sld [smem:$0x3FB0]  }
0x2d: {  	s3 =	simm.s32 $0x108;
	s8 =	sld [smem:$0x3FB1]  }
0x2e: {  	s3 =	simm.s32 @!p0 $0x1082;
	s9 =	sld [smem:$0x3FB2]  }
0x2f: {  	lr =	sadd.s32 s0, s3;
	s0 =	sld [smem:$0x3FA9]  }
0x30: {  	s3 =	sld [smem:$0x3FAC]  }
0x31: {  	[smem:$0x3FB5] =	sst s10  }
0x32: {  	s10 =	sld [smem:$0x3FB3];
	_ =	sdelay $0x3  }
0x33: {  	p0 =	seq.s32 s10, $0x1;
	s10 =	sld [smem:$0x3FB5];
	_ =	sdelay $0x3  }
0x34: {  	[smem:$0x3FB5] =	sst s10  }
0x35: {  	s10 =	sld [smem:$0x3FB4];
	_ =	sdelay $0x3  }
0x36: {  	p1 =	seq.s32 s10, $0x1;
	s10 =	sld [smem:$0x3FB5];
	_ =	sdelay $0x3  }
0x37: {  	[smem:$0x3FB5] =	sst s10  }
0x38: {  	s10 =	sld [smem:$0x3FB6]  }
0x39: {  	_ = 	snop;
	(pc) =	sbr.ind lr, $3  }
0x3a: {  	_ = 	snop  }
0x3b: {  	_ = 	snop  }
0x3c: {  	p2 =	seq.s32 s10, $0x1;
	s10 =	sld [smem:$0x3FB5]  }
0x3d: {  	_ =	shalt  }
0x3e: {  	_ =	shalt  }
0x3f: {  	_ =	shalt  }
0x40: {  	_ =	shalt  }
0x41: {  	_ =	shalt  }
0x42: {  	_ =	shalt  }
0x43: {  	_ =	shalt  }
0x44: {  	_ =	shalt  }
0x45: {  	_ =	shalt  }
0x46: {  	_ =	shalt  }
0x47: {  	_ =	shalt  }
0x48: {  	_ =	shalt  }
0x49: {  	_ =	shalt  }
0x4a: {  	_ =	shalt  }
0x4b: {  	_ =	shalt  }
0x4c: {  	_ =	shalt  }
0x4d: {  	_ =	shalt  }
0x4e: {  	_ =	shalt  }
0x4f: {  	_ =	shalt  }
0x50: {  	_ =	shalt  }
0x51: {  	_ =	shalt  }
0x52: {  	_ =	shalt  }
0x53: {  	_ =	shalt  }
0x54: {  	_ =	shalt  }
0x55: {  	_ =	shalt  }
0x56: {  	_ =	shalt  }
0x57: {  	_ =	shalt  }
0x58: {  	_ =	shalt  }
0x59: {  	_ =	shalt  }
0x5a: {  	_ =	shalt  }
0x5b: {  	_ =	shalt  }
0x5c: {  	_ =	shalt  }
0x5d: {  	_ =	shalt  }
0x5e: {  	_ =	shalt  }
0x5f: {  	_ =	shalt  }
0x60: {  	_ =	shalt  }
0x61: {  	_ =	shalt  }
0x62: {  	_ =	shalt  }
0x63: {  	_ =	shalt  }
0x64: {  	_ =	shalt  }
0x65: {  	_ =	shalt  }
0x66: {  	_ =	shalt  }
0x67: {  	_ =	shalt  }
0x68: {  	_ =	shalt  }
0x69: {  	_ =	shalt  }
0x6a: {  	_ =	shalt  }
0x6b: {  	_ =	shalt  }
0x6c: {  	_ =	shalt  }
0x6d: {  	_ =	shalt  }
0x6e: {  	_ =	shalt  }
0x6f: {  	_ =	shalt  }
0x70: {  	_ =	shalt  }
0x71: {  	_ =	shalt  }
0x72: {  	_ =	shalt  }
0x73: {  	_ =	shalt  }
0x74: {  	_ =	shalt  }
0x75: {  	_ =	shalt  }
0x76: {  	_ =	shalt  }
0x77: {  	_ =	shalt  }
0x78: {  	_ =	shalt  }
0x79: {  	_ =	shalt  }
0x7a: {  	_ =	shalt  }
0x7b: {  	_ =	shalt  }
0x7c: {  	_ =	shalt  }
0x7d: {  	_ =	shalt  }
0x7e: {  	_ =	shalt  }
0x7f: {  	_ =	shalt  }
0x80: {  	_ =	shalt  }
0x81: {  	_ =	shalt  }
0x82: {  	_ =	shalt  }
0x83: {  	_ =	shalt  }
0x84: {  	_ =	shalt  }
0x85: {  	_ =	shalt  }
0x86: {  	_ =	shalt  }
0x87: {  	_ =	shalt  }
.Lfunc_end0:
.L_simem_size_0:
called_computation.1_lowered:
.L_overlay_start_0:
0x88: {  	s2 =	sld [smem:$0x3FD9]  }
0x89: {  	s3 =	sld [smem:$0x3FFE];
	_ =	sdelay $0x1  }
0x8a: {  	s1 =	srdreg.scid  }
0x8b: {  	s0 =	sand.u32 $0x1, s1  }
0x8c: {  	s17 =	sshll.u32 s0, $0xA;
	s2 =	sadd.s32 s3, s2  }
0x8d: {  	s2 =	sadd.s32 s2, s17  }
0x8e: {  	[smem:$0x3FC1] =	sst s2  }
0x8f: {  	_ = 	snop  }
0x90: {  	s2 =	sld [smem:$0x3FD0];
	(tm) =	ssettm $0x1  }
0x91: {  	s18 =	sld [smem:$0x3FFB];
	_ =	sdelay $0x3  }
0x92: {  	_ =	strace s18  }
0x93: {  	s3 =	sld [smem:$0x3FFC];
	_ =	sdelay $0x3  }
0x94: {  	_ =	strace s3  }
0x95: {  	s3 =	sld [smem:$0x3FFD];
	_ =	sdelay $0x3  }
0x96: {  	_ =	strace s3  }
0x97: {  	_ =	strace $0x8FFFFFFF  }
0x98: {  	s19 =	sld [smem:$0x3FDB];
	_ =	sdelay $0x1  }
0x99: {  	s4 =	simm.s32 $_scs_section_size  }
0x9a: {  	s5 =	simm.s32 $_size__tile_overlayer_lowered;
	s6 =	simm.s32 $_tile_overlayer_lowered  }
0x9b: {  	s22 =	simm.s32 $0x1BFF;
	s21 =	sshll.u32 s6, $0x1;
	s3 =	sadd.s32 s4, s19  }
0x9c: {  	s7 =	simm.s32 $0x0;
	s20 =	sshll.u32 s5, $0x1;
	s5 =	sadd.s32 s21, s3  }
0x9d: {  	[timem:s7], [sflag:s22] =	dma.local [hbm:s5], s20  }
0x9e: {  	_ =	swait.ge [sflag:s22], s20  }
0x9f: {  	s4 =	ssub.s32 $0x0, s20;
	[sflag:s22] =	ssyncset.done $0x0  }
0xa0: {  	[sflag:s22] =	ssyncadd.s32 s4;
	_ =	sdelay $0x1  }
0xa1: {  	s23 =	simm.s32 $0x1B8B  }
0xa2: {  	_ =	swait.ge [sflag:s23], $0x1  }
0xa3: {  	[sflag:s23] =	ssyncset.done $0x0  }
0xa4: {  	s25 =	simm.s32 $0x1B8E;
	s24 =	sld [smem:$0x3FFE];
	[sflag:s23] =	ssyncadd.s32 $0xFFFFFFFF  }
0xa5: {  	s26 =	simm.s32 $execute0_lowered;
	[smem:$0x3FD2] =	sst s25  }
0xa6: {  	s5 =	sshll.u32 s26, $0x1;
	_ =	strace $0x80000049;
	[dreg:$0x1] =	wrdreg $0xFFFFFFFF  }
0xa7: {  	s28 =	simm.s32 $_size_execute0_lowered;
	s3 =	sadd.s32 s3, s5;
	[dreg:$0x0] =	wrdreg $0x0  }
0xa8: {  	s5 =	sshll.u32 s28, $0x1;
	[dreg:$0x2] =	wrdreg s3  }
0xa9: {  	[dreg:$0x3] =	wrdreg s5  }
0xaa: {  	[dreg:$0x4] =	wrdreg $0xC0  }
0xab: {  	_ =	task [dreg:s7], $0x5FFFF  }
0xac: {  	[dreg:$0x1] =	wrdreg $0xFFFFFFFF  }
0xad: {  	[dreg:$0x0] =	wrdreg $0x60  }
0xae: {  	[dreg:$0x2] =	wrdreg s2  }
0xaf: {  	[dreg:$0x3] =	wrdreg s24  }
0xb0: {  	[dreg:$0x4] =	wrdreg $0x98000  }
0xb1: {  	[dreg:$0x5] =	wrdreg $0x9  }
0xb2: {  	_ =	task.clear_ibuf [dreg:s7], $0x6FFFF;
	_ =	strace $0x90000049  }
0xb3: {  	s29 =	simm.s32 $0x9;
	_ =	strace $0x8000004B  }
0xb4: {  	_ =	swait.ge [sflag:s29], $0x1  }
0xb5: {  	[sflag:s29] =	ssyncadd.s32 $0xFFFFFFFF  }
0xb6: {  	_ =	strace $0x9000004B  }
0xb7: {  	_ =	sfence  }
0xb8: {  	s30 =	sld [smem:$0x0];
	_ =	sdelay $0x2  }
0xb9: {  	s31 =	sshll.u32 s1, $0xD;
	s1 =	sshrl.u32 s1, $0x2  }
0xba: {  	s3 =	sand.u32 $0x4000, s31;
	s1 =	sadd.s32 s1, s30  }
0xbb: {  	s0 =	sor.u32 s3, s0;
	s1 =	sshll.u32 s1, $0x11  }
0xbc: {  	s0 =	sor.u32 s1, s0  }
0xbd: {  	s0 =	sadd.s32 $0x8F2B, s0  }
0xbe: {  	[sflag:s0] =	ssyncadd.remote.s32 $0x1  }
0xbf: {  	_ =	sfence.sel $0xFFFF  }
0xc0: {  	[dreg:$0x0] =	wrdreg $0xFFFFFFFF;
	(pc) =	sbr.abs _section_cstart, $3  }
0xc1: {  	[dreg:$0x1] =	wrdreg $0xFFFFFFFF  }
0xc2: {  	_ =	task.clear_ibuf [dreg:s7], $0x2FFFF;
	_ =	strace $0x9FFFFFFF  }
0xc3: {  	(tm) =	ssettm $0x7FFFFFFF  }
tec
execute0_lowered:
.L_overlay_start_1:
0x0: {  	(tag) =	ssettag $0x1  }
0x1: {  	s0 =	rddreg [dreg:$0x0]  }
0x2: {  	s1 =	srdreg.scid;
	s6 =	rddreg [dreg:$0x1]  }
0x3: {  	s3 =	rddreg [dreg:$0x2];
	s2 =	stileid.u32  }
0x4: {  	s4 =	simm.s32 $0x0;
	s17 =	simm.s32 $0x5800;
	s18 =	simm.s32 $0x5  }
0x5: {  	s19 =	simm.s32 $0x50;
	s22 =	simm.s32 $0x4;
	s12 =	smul.u32 $0x13C00, s2  }
0x6: {  	s1 =	sand.u32 $0x1, s1;
	[smem:$0x7FF] =	sst s4;
	s29 =	smul.u32 $0x4F000, s2  }
0x7: {  	s11 =	sadd.s32 $0x40A00, s6;
	s30 =	smul.u32 $0x4E200, s2;
	s5 =	sshll.u32 s1, $0x4  }
0x8: {  	s10 =	ssub.s32 $0x2, s1;
	s1 =	smul.u32 $0x138800, s1;
	s7 =	sor.u32 s2, s5  }
0x9: {  	p0 =	seq.s32 s2, $0xF;
	_ =	strace $0x8000004A;
	s8 =	smul.u32 $0x1F40, s7  }
0xa: {  	s5 =	sadd.s32 $0x2200, s6;
	s25 =	sshrl.u32 s10, $0x1;
	s9 =	smul.u32 $0xFA00, s7  }
0xb: {  	s31 =	sshrl.u32 s30, $0x2;
	s13 =	ssub.s32 s10, s25;
	s6 =	smul.u32 $0x7D, s7  }
0xc: {  	s28 =	sadd.s32 s12, s1;
	s1 =	sshrl.u32 s1, $0x3;
	s10 =	sshrl.u32 s29, $0x2  }
0xd: {  	s1 =	sadd.s32 s11, s1;
	s20 =	sadd.s32 s10, s3;
	s12 =	smax.u32 s13, $0x1  }
0xe: {  	s7 =	sadd.s32 s5, s8;
	s26 =	sshrl.u32 s9, $0x3;
	s9 =	sshrl.u32 s28, $0x3  }
0xf: {  	s10 =	sadd.s32 $0x25080, s1;
	s1 =	sadd.s32 $0x128400, s3;
	s24 =	sshrl.u32 @!p0 s20, $0x3  }
0x10: {  	s8 =	sadd.s32 s5, s26;
	s9 =	sadd.s32 s11, s9;
	s11 =	sadd.s32 s31, s3  }
0x11: {  	s23 =	sshrl.u32 @p0 s1, $0x3;
	s8 =	sadd.s32 $0x40, s8;
	s13 =	sadd.s32 $0x3E80, s11  }
0x12: {  	v0 =	vimm.f32 $0.0e+00;
	s14 =	sadd.s32 $0x7D00, s11;
	s15 =	sadd.s32 $0xBB80, s11;
	s16 =	sadd.s32 $0xFA00, s11  }
.LBB2_1:
0x13: {  	s1 =	simm.s32 $0x0;
	s20 =	simm.s32 $0x200  }
.LBB2_2:
0x14: {  	p1 =	sne.s32 s20, $0xF800;
	[tilespmem:s1+$0x5870] =	vst v0  }
0x15: {  	[tilespmem:s1+$0x5800] =	vst v0  }
0x16: {  	[tilespmem:s1+$0x5810] =	vst v0  }
.Ltmp0:
0x17: {  	[tilespmem:s1+$0x5820] =	vst v0;
	(pc) =	sbr.rel @p1 .LBB2_2-.Ltmp0, $4  }
0x18: {  	[tilespmem:s1+$0x5830] =	vst v0  }
0x19: {  	[tilespmem:s1+$0x5840] =	vst v0  }
0x1a: {  	[tilespmem:s1+$0x5850] =	vst v0  }
0x1b: {  	[tilespmem:s1+$0x5860] =	vst v0;
	s1 =	sshra.s32 s20, $0x2;
	s20 =	sadd.s32 $0x200, s20  }
0x1c: {  	[tilespmem:s1+$0x5870] =	vst v0  }
0x1d: {  	[tilespmem:s1+$0x5800] =	vst v0  }
0x1e: {  	[tilespmem:s1+$0x5810] =	vst v0  }
0x1f: {  	[tilespmem:s1+$0x5820] =	vst v0  }
0x20: {  	[tilespmem:s1+$0x5830] =	vst v0  }
0x21: {  	[tilespmem:s1+$0x5840] =	vst v0  }
0x22: {  	[tilespmem:s1+$0x5850] =	vst v0  }
0x23: {  	[tilespmem:s1+$0x5860] =	vst v0  }
0x24: {  	[spmem:s11] =	stream.linear.scatter [tilespmem:s17], [sflag:$0x5], $0x3E80, $0x38;
	[tilespmem:$0x1D080] =	vst v63  }
0x25: {  	_ =	swait.ge [sflag:s18], $0x3E80  }
0x26: {  	[sflag:s18] =	ssyncset.done $0x0  }
0x27: {  	[sflag:s18] =	ssyncadd.s32 $0xFFFFC180  }
0x28: {  	[spmem:s13] =	stream.linear.scatter [tilespmem:s17], [sflag:$0x5], $0x3E80, $0x38;
	[tilespmem:$0x1D080] =	vst v63  }
0x29: {  	_ =	swait.ge [sflag:s18], $0x3E80  }
0x2a: {  	[sflag:s18] =	ssyncset.done $0x0  }
0x2b: {  	[sflag:s18] =	ssyncadd.s32 $0xFFFFC180  }
0x2c: {  	[spmem:s14] =	stream.linear.scatter [tilespmem:s17], [sflag:$0x5], $0x3E80, $0x38;
	[tilespmem:$0x1D080] =	vst v63  }
0x2d: {  	_ =	swait.ge [sflag:s18], $0x3E80  }
0x2e: {  	[sflag:s18] =	ssyncset.done $0x0  }
0x2f: {  	[sflag:s18] =	ssyncadd.s32 $0xFFFFC180  }
0x30: {  	[spmem:s15] =	stream.linear.scatter [tilespmem:s17], [sflag:$0x5], $0x3E80, $0x38;
	[tilespmem:$0x1D080] =	vst v63  }
0x31: {  	_ =	swait.ge [sflag:s18], $0x3E80  }
0x32: {  	[sflag:s18] =	ssyncset.done $0x0  }
0x33: {  	[sflag:s18] =	ssyncadd.s32 $0xFFFFC180  }
0x34: {  	[spmem:s16] =	stream.linear.scatter [tilespmem:s17], [sflag:$0x5], $0x3E80, $0x38;
	[tilespmem:$0x1D080] =	vst v63  }
0x35: {  	_ =	swait.ge [sflag:s18], $0x3E80  }
0x36: {  	[sflag:s18] =	ssyncset.done $0x0  }
0x37: {  	[sflag:s18] =	ssyncadd.s32 $0xFFFFC180  }
0x38: {  	s25 =	simm.s32 $0x0;
	[bflag:$0x0] =	sbarrier.arrive $0xFFFF  }
0x39: {  	[tilespmem:s25], [sflag:$0x5] =	stream.linear.gather [hbm4b:s7+s25], $0x180, $0x38;
	[tilespmem:$0x1D080] =	vst v63  }
0x3a: {  	_ =	swait.ge [sflag:s18], $0x180  }
0x3b: {  	[sflag:s18] =	ssyncset.done $0x0  }
0x3c: {  	s30 =	simm.s32 $0x800;
	[sflag:s18] =	ssyncadd.s32 $0xFFFFFE80  }
0x3d: {  	[tilespmem:s30], [sflag:$0x1] =	stream.indirect.gather [hbm4b:s0+s19], $0x80, s25, s19, $0xb8;
	[tilespmem:$0x1D080] =	vst v63  }
0x3e: {  	s31 =	simm.s32 $0x200;
	p1 =	por $0x0, $0x0  }
0x3f: {  	[tilespmem:s31], [sflag:$0x3] =	stream.linear.gather [hbm4b:s8+s25], $0x180, $0x38;
	[tilespmem:$0x1D080] =	vst v63  }
.LBB2_4:
0x40: {  	p2 =	seq.s32 s25, $0x7C  }
0x41: {  	s21 =	simm.s32 @!p2 $0x3  }
0x42: {  	s1 =	sand.u32 $0x1, s25;
	p3 =	seq.s32 @!p2 s25, $0x0;
	_ =	swait.ge @!p2 [sflag:s21], $0x180  }
0x43: {  	s26 =	sxor.u32 @!p2 $0x1, s1;
	p3 =	por p3, p2;
	[sflag:s21] =	ssyncset.done @!p2 $0x0  }
0x44: {  	s28 =	smul.u32 @!p2 $0xA000, s26;
	[sflag:s21] =	ssyncadd.s32 @!p2 $0xFFFFFE80;
	s21 =	simm.s32 @!p3 $0x4  }
0x45: {  	s20 =	smov.u32 s25;
	s25 =	sadd.s32 $0x1, s25;
	_ =	swait.ge @!p3 [sflag:s21], $0x2800  }
0x46: {  	s29 =	simm.s32 @!p2 $0x50;
	s28 =	sshrl.u32 @!p2 s28, $0x2;
	[sflag:s21] =	ssyncset.done @!p3 $0x0  }
0x47: {  	[sflag:s21] =	ssyncadd.s32 @!p3 $0xFFFFD800;
	s21 =	sadd.s32 @!p2 $0x800, s28;
	s28 =	sshll.u32 @!p2 s25, $0x9  }
0x48: {  	s26 =	sadd.s32 @!p2 $0x1, s26;
	p3 =	sgt.u32 @!p2 s20, $0x7A;
	s28 =	sand.u32 @!p2 $0x600, s28  }
0x49: {  	[tilespmem:s21], [sflag:s26] =	stream.indirect.gather @!p2 [hbm4b:s0+s29], $0x80, s28, s29, $0xb8;
	[tilespmem:$0x1D080] =	vst v63  }
0x4a: {  	p2 =	por p3, p2  }
0x4b: {  	s21 =	sadd.s32 @!p2 $0x2, s20  }
0x4c: {  	s26 =	simm.s32 $0x1;
	s29 =	simm.s32 $0x0;
	s28 =	sadd.s32 @!p2 s6, s21  }
0x4d: {  	s2 =	sadd.s32 $0x1, s1;
	s26 =	simm.s32 @!p1 $0x0;
	v1 =	vmov s29;
	s28 =	sshll.u32 @!p2 s28, $0x6  }
0x4e: {  	s30 =	simm.s32 @!p2 $0x0;
	s21 =	sshll.u32 @!p2 s21, $0x9;
	v1 =	vand.u32 $0xFFFFFFF8, v1;
	s28 =	sand.u32 @!p2 $0x1FFFFFC0, s28  }
0x4f: {  	s26 =	smul.u32 $0xA000, s26;
	s21 =	sand.u32 @!p2 $0x600, s21;
	v1 =	vbroadcast v1, $0x0;
	s28 =	sadd.s32 @!p2 s5, s28  }
0x50: {  	[tilespmem:s21], [sflag:$0x3] =	stream.linear.gather @!p2 [hbm4b:s28+s30], $0x180, $0x38;
	[tilespmem:$0x1D080] =	vst v63  }
0x51: {  	_ =	swait.ge [sflag:s2], $0x2800  }
0x52: {  	s20 =	sshll.u32 s20, $0x9;
	s21 =	sshrl.u32 s26, $0x2;
	[sflag:s2] =	ssyncset.done $0x0  }
0x53: {  	s26 =	sand.u32 $0x600, s20;
	s29 =	sadd.s32 $0xA00, s21;
	[sflag:s2] =	ssyncadd.s32 $0xFFFFD800  }
0x54: {  	s28 =	sor.u32 $0x100, s26;
	v3 =	vld [tilespmem:s29+$0xFFFFFE70]  }
0x55: {  	v1 =	vld.idx.msk [tilespmem:v1+s28+$0x0], $0xffff  }
0x56: {  	v4 =	vld [tilespmem:s29+$0xFFFFFE00]  }
0x57: {  	v5 =	vld [tilespmem:s29+$0xFFFFFE20]  }
0x58: {  	v6 =	vld [tilespmem:s29+$0xFFFFFE30]  }
0x59: {  	v2 =	vld [tilespmem:s29+$0xFFFFFE50]  }
0x5a: {  	v8 =	vld [tilespmem:s29+$0xFFFFFE10];
	v3 =	vmul.f32 v1, v3  }
0x5b: {  	s2 =	simm.s32 $0x1;
	v7 =	vld [tilespmem:s29+$0xFFFFFE60];
	v4 =	vmul.f32 v1, v4  }
0x5c: {  	v9 =	vld [tilespmem:s29+$0xFFFFFE40];
	v5 =	vmul.f32 v1, v5;
	[tilespmem:s29+$0xFFFFFE70] =	vst v3;
	v3 =	vmov s2  }
0x5d: {  	v6 =	vmul.f32 v1, v6;
	[tilespmem:s29+$0xFFFFFE00] =	vst v4;
	v3 =	vand.u32 $0xFFFFFFF9, v3  }
0x5e: {  	v2 =	vmul.f32 v1, v2;
	[tilespmem:s29+$0xFFFFFE20] =	vst v5;
	v3 =	vbroadcast v3, $0x0  }
0x5f: {  	v4 =	vmul.f32 v1, v8;
	[tilespmem:s29+$0xFFFFFE30] =	vst v6  }
0x60: {  	v5 =	vmul.f32 v1, v7;
	[tilespmem:s29+$0xFFFFFE50] =	vst v2  }
0x61: {  	v1 =	vmul.f32 v1, v9;
	[tilespmem:s29+$0xFFFFFE10] =	vst v4  }
0x62: {  	[tilespmem:s29+$0xFFFFFE60] =	vst v5  }
0x63: {  	[tilespmem:s29+$0xFFFFFE40] =	vst v1  }
0x64: {  	v1 =	vld.idx.msk [tilespmem:v3+s28+$0x0], $0xffff  }
0x65: {  	v3 =	vld [tilespmem:s29+$0xFFFFFE90]  }
0x66: {  	v4 =	vld [tilespmem:s29+$0xFFFFFEC0]  }
0x67: {  	v5 =	vld [tilespmem:s29+$0xFFFFFE80]  }
0x68: {  	v6 =	vld [tilespmem:s29+$0xFFFFFED0]  }
0x69: {  	v2 =	vld [tilespmem:s29+$0xFFFFFEF0]  }
0x6a: {  	v7 =	vld [tilespmem:s29+$0xFFFFFEE0];
	v3 =	vmul.f32 v1, v3  }
0x6b: {  	s21 =	simm.s32 $0x2;
	v8 =	vld [tilespmem:s29+$0xFFFFFEB0];
	v4 =	vmul.f32 v1, v4  }
0x6c: {  	v9 =	vld [tilespmem:s29+$0xFFFFFEA0];
	v5 =	vmul.f32 v1, v5;
	[tilespmem:s29+$0xFFFFFE90] =	vst v3;
	v3 =	vmov s21  }
0x6d: {  	v6 =	vmul.f32 v1, v6;
	[tilespmem:s29+$0xFFFFFEC0] =	vst v4;
	v3 =	vand.u32 $0xFFFFFFFA, v3  }
0x6e: {  	v2 =	vmul.f32 v1, v2;
	[tilespmem:s29+$0xFFFFFE80] =	vst v5;
	v3 =	vbroadcast v3, $0x0  }
0x6f: {  	v4 =	vmul.f32 v1, v7;
	[tilespmem:s29+$0xFFFFFED0] =	vst v6  }
0x70: {  	v5 =	vmul.f32 v1, v8;
	[tilespmem:s29+$0xFFFFFEF0] =	vst v2  }
0x71: {  	v1 =	vmul.f32 v1, v9;
	[tilespmem:s29+$0xFFFFFEE0] =	vst v4  }
0x72: {  	[tilespmem:s29+$0xFFFFFEB0] =	vst v5  }
0x73: {  	v2 =	vld [tilespmem:s29+$0xFFFFFF00];
	[tilespmem:s29+$0xFFFFFEA0] =	vst v1  }
0x74: {  	v1 =	vld.idx.msk [tilespmem:v3+s28+$0x0], $0xffff  }
0x75: {  	v3 =	vld [tilespmem:s29+$0xFFFFFF60]  }
0x76: {  	v4 =	vld [tilespmem:s29+$0xFFFFFF10]  }
0x77: {  	v5 =	vld [tilespmem:s29+$0xFFFFFF50]  }
0x78: {  	v6 =	vld [tilespmem:s29+$0xFFFFFF70]  }
0x79: {  	v7 =	vld [tilespmem:s29+$0xFFFFFF20];
	v2 =	vmul.f32 v1, v2  }
0x7a: {  	s2 =	simm.s32 $0x3;
	v8 =	vld [tilespmem:s29+$0xFFFFFF30];
	v3 =	vmul.f32 v1, v3  }
0x7b: {  	v9 =	vld [tilespmem:s29+$0xFFFFFF40];
	v4 =	vmul.f32 v1, v4;
	[tilespmem:s29+$0xFFFFFF00] =	vst v2;
	v2 =	vmov s2  }
0x7c: {  	v5 =	vmul.f32 v1, v5;
	[tilespmem:s29+$0xFFFFFF60] =	vst v3;
	v2 =	vand.u32 $0xFFFFFFFB, v2  }
0x7d: {  	v3 =	vmul.f32 v1, v6;
	[tilespmem:s29+$0xFFFFFF10] =	vst v4;
	v2 =	vbroadcast v2, $0x0  }
0x7e: {  	v4 =	vmul.f32 v1, v7;
	[tilespmem:s29+$0xFFFFFF50] =	vst v5  }
0x7f: {  	v5 =	vmul.f32 v1, v8;
	[tilespmem:s29+$0xFFFFFF70] =	vst v3  }
0x80: {  	v1 =	vmul.f32 v1, v9;
	[tilespmem:s29+$0xFFFFFF20] =	vst v4  }
0x81: {  	[tilespmem:s29+$0xFFFFFF30] =	vst v5  }
0x82: {  	[tilespmem:s29+$0xFFFFFF40] =	vst v1  }
0x83: {  	v1 =	vld.idx.msk [tilespmem:v2+s28+$0x0], $0xffff  }
0x84: {  	v2 =	vld [tilespmem:s29+$0xFFFFFFB0]  }
0x85: {  	v4 =	vld [tilespmem:s29+$0xFFFFFFE0]  }
0x86: {  	v5 =	vld [tilespmem:s29+$0xFFFFFF80]  }
0x87: {  	v6 =	vld [tilespmem:s29+$0xFFFFFFD0]  }
0x88: {  	v3 =	vld [tilespmem:s29+$0xFFFFFFF0]  }
0x89: {  	v8 =	vld [tilespmem:s29+$0xFFFFFFA0];
	v2 =	vmul.f32 v1, v2  }
0x8a: {  	s21 =	simm.s32 $0x4;
	v7 =	vld [tilespmem:s29+$0xFFFFFF90];
	v4 =	vmul.f32 v1, v4  }
0x8b: {  	v9 =	vld [tilespmem:s29+$0xFFFFFFC0];
	v5 =	vmul.f32 v1, v5;
	[tilespmem:s29+$0xFFFFFFB0] =	vst v2;
	v2 =	vmov s21  }
0x8c: {  	v6 =	vmul.f32 v1, v6;
	[tilespmem:s29+$0xFFFFFFE0] =	vst v4;
	v2 =	vand.u32 $0xFFFFFFFC, v2  }
0x8d: {  	v3 =	vmul.f32 v1, v3;
	[tilespmem:s29+$0xFFFFFF80] =	vst v5;
	v2 =	vbroadcast v2, $0x0  }
0x8e: {  	v10 =	vld [tilespmem:s29+$0x40];
	v4 =	vmul.f32 v1, v8;
	[tilespmem:s29+$0xFFFFFFD0] =	vst v6  }
0x8f: {  	v5 =	vmul.f32 v1, v7;
	[tilespmem:s29+$0xFFFFFFF0] =	vst v3;
	v8 =	vld [tilespmem:s29+$0x0]  }
0x90: {  	v3 =	vmul.f32 v1, v9;
	v1 =	vld [tilespmem:s29+$0x70];
	[tilespmem:s29+$0xFFFFFFA0] =	vst v4  }
0x91: {  	v7 =	vld [tilespmem:s29+$0x20];
	[tilespmem:s29+$0xFFFFFF90] =	vst v5  }
0x92: {  	v6 =	vld [tilespmem:s29+$0x30];
	[tilespmem:s29+$0xFFFFFFC0] =	vst v3  }
0x93: {  	v2 =	vld.idx.msk [tilespmem:v2+s28+$0x0], $0xffff  }
0x94: {  	s1 =	smul.u32 $0xA000, s1;
	v3 =	vld [tilespmem:s29+$0x50]  }
0x95: {  	v4 =	vld [tilespmem:s29+$0x10]  }
0x96: {  	s1 =	sshrl.u32 s1, $0x2;
	v5 =	vld [tilespmem:s29+$0x60]  }
0x97: {  	s30 =	sadd.s32 $0x800, s1  }
0x98: {  	s1 =	simm.s32 $0x7;
	s20 =	simm.s32 $0xF;
	s31 =	smov.u32 s29;
	v9 =	vmul.f32 v2, v8;
	v8 =	vmul.f32 v2, v10  }
.LBB2_5:
0x99: {  	p2 =	sne.s32 s20, $0x4F;
	v7 =	vmul.f32 v2, v7;
	v6 =	vmul.f32 v2, v6;
	s21 =	sadd.s32 $0xFFFFFFFE, s1;
	s29 =	sadd.s32 $0x400, s29  }
0x9a: {  	v3 =	vmul.f32 v2, v3;
	[tilespmem:s31+$0x0] =	vst v9;
	v4 =	vmul.f32 v2, v4;
	v9 =	vmov s21;
	s21 =	smov.u32 s20;
	s20 =	sadd.s32 $0x8, s20  }
0x9b: {  	v1 =	vmul.f32 v2, v1;
	[tilespmem:s31+$0x40] =	vst v8;
	v5 =	vmul.f32 v2, v5;
	v2 =	vand.u32 $0xFFFFFFFD, v9  }
0x9c: {  	[tilespmem:s31+$0x20] =	vst v7;
	v2 =	vbroadcast v2, $0x0  }
0x9d: {  	[tilespmem:s31+$0x50] =	vst v3  }
0x9e: {  	[tilespmem:s31+$0x70] =	vst v1;
	v1 =	vld [tilespmem:s31+$0xA0]  }
0x9f: {  	[tilespmem:s31+$0x30] =	vst v6;
	v3 =	vld [tilespmem:s31+$0x80]  }
0xa0: {  	[tilespmem:s31+$0x60] =	vst v5;
	v5 =	vld [tilespmem:s31+$0xD0]  }
0xa1: {  	[tilespmem:s31+$0x10] =	vst v4;
	v4 =	vld [tilespmem:s31+$0xF0]  }
0xa2: {  	v2 =	vld.idx.msk [tilespmem:v2+s28+$0x0], $0xffff  }
0xa3: {  	v6 =	vld [tilespmem:s31+$0xC0]  }
0xa4: {  	v7 =	vld [tilespmem:s31+$0xB0]  }
0xa5: {  	v8 =	vld [tilespmem:s31+$0x90]  }
0xa6: {  	v9 =	vld [tilespmem:s31+$0xE0];
	_ =	sdelay $0x1  }
0xa7: {  	v3 =	vmul.f32 v2, v3;
	v6 =	vmul.f32 v2, v6  }
0xa8: {  	s2 =	sadd.s32 $0xFFFFFFFF, s1;
	v1 =	vmul.f32 v2, v1;
	v7 =	vmul.f32 v2, v7  }
0xa9: {  	v5 =	vmul.f32 v2, v5;
	[tilespmem:s31+$0x80] =	vst v3;
	v3 =	vmul.f32 v2, v8;
	v8 =	vmov s2  }
0xaa: {  	[tilespmem:s31+$0xA0] =	vst v1;
	v1 =	vmul.f32 v2, v9;
	v2 =	vmul.f32 v2, v4;
	v4 =	vand.u32 $0xFFFFFFFE, v8  }
0xab: {  	[tilespmem:s31+$0xD0] =	vst v5;
	v4 =	vbroadcast v4, $0x0  }
0xac: {  	[tilespmem:s31+$0xC0] =	vst v6  }
0xad: {  	[tilespmem:s31+$0xF0] =	vst v2;
	v2 =	vld [tilespmem:s31+$0x120]  }
0xae: {  	[tilespmem:s31+$0xB0] =	vst v7;
	v5 =	vld [tilespmem:s31+$0x100]  }
0xaf: {  	[tilespmem:s31+$0x90] =	vst v3;
	v3 =	vld [tilespmem:s31+$0x140]  }
0xb0: {  	[tilespmem:s31+$0xE0] =	vst v1;
	v1 =	vld [tilespmem:s31+$0x130]  }
0xb1: {  	v4 =	vld.idx.msk [tilespmem:v4+s28+$0x0], $0xffff  }
0xb2: {  	v6 =	vld [tilespmem:s31+$0x110]  }
0xb3: {  	v7 =	vld [tilespmem:s31+$0x160]  }
0xb4: {  	v8 =	vld [tilespmem:s31+$0x150]  }
0xb5: {  	v9 =	vld [tilespmem:s31+$0x170];
	_ =	sdelay $0x1  }
0xb6: {  	v5 =	vmul.f32 v4, v5;
	v6 =	vmul.f32 v4, v6  }
0xb7: {  	v2 =	vmul.f32 v4, v2;
	v1 =	vmul.f32 v4, v1  }
0xb8: {  	v3 =	vmul.f32 v4, v3;
	[tilespmem:s31+$0x100] =	vst v5;
	v5 =	vmul.f32 v4, v8  }
0xb9: {  	[tilespmem:s31+$0x120] =	vst v2;
	v2 =	vmul.f32 v4, v7;
	v4 =	vmul.f32 v4, v9  }
0xba: {  	[tilespmem:s31+$0x130] =	vst v1  }
0xbb: {  	v1 =	vmov s1;
	s1 =	smov.u32 s21;
	[tilespmem:s31+$0x140] =	vst v3  }
0xbc: {  	[tilespmem:s31+$0x160] =	vst v2;
	v2 =	vld [tilespmem:s31+$0x180]  }
0xbd: {  	[tilespmem:s31+$0x110] =	vst v6;
	v3 =	vld [tilespmem:s31+$0x1A0]  }
0xbe: {  	[tilespmem:s31+$0x150] =	vst v5;
	v5 =	vld [tilespmem:s31+$0x1F0]  }
0xbf: {  	[tilespmem:s31+$0x170] =	vst v4;
	v4 =	vld [tilespmem:s31+$0x1D0]  }
0xc0: {  	v1 =	vld.idx.msk [tilespmem:v1+s28+$0x0], $0xffff  }
0xc1: {  	v6 =	vld [tilespmem:s31+$0x190]  }
0xc2: {  	v7 =	vld [tilespmem:s31+$0x1B0]  }
0xc3: {  	v8 =	vld [tilespmem:s31+$0x1C0]  }
0xc4: {  	v9 =	vld [tilespmem:s31+$0x1E0];
	_ =	sdelay $0x1  }
0xc5: {  	v2 =	vmul.f32 v1, v2;
	v6 =	vmul.f32 v1, v6  }
0xc6: {  	s2 =	sadd.s32 $0xFFFFFFF9, s1;
	v3 =	vmul.f32 v1, v3;
	v7 =	vmul.f32 v1, v7  }
0xc7: {  	v10 =	vmov s2;
	v4 =	vmul.f32 v1, v4;
	[tilespmem:s31+$0x180] =	vst v2;
	v2 =	vmul.f32 v1, v8  }
0xc8: {  	v8 =	vand.u32 $0xFFFFFFF8, v10;
	[tilespmem:s31+$0x190] =	vst v6;
	v6 =	vmul.f32 v1, v9;
	v1 =	vmul.f32 v1, v5  }
0xc9: {  	v5 =	vbroadcast v8, $0x0;
	[tilespmem:s31+$0x1A0] =	vst v3  }
0xca: {  	[tilespmem:s31+$0x1F0] =	vst v1  }
0xcb: {  	v1 =	vld [tilespmem:s29+$0xFFFFFE50];
	[tilespmem:s31+$0x1D0] =	vst v4  }
0xcc: {  	v3 =	vld [tilespmem:s29+$0xFFFFFE30];
	[tilespmem:s31+$0x1B0] =	vst v7  }
0xcd: {  	v4 =	vld [tilespmem:s29+$0xFFFFFE60];
	[tilespmem:s31+$0x1E0] =	vst v6  }
0xce: {  	v6 =	vld [tilespmem:s29+$0xFFFFFE70];
	[tilespmem:s31+$0x1C0] =	vst v2;
	s31 =	smov.u32 s29  }
0xcf: {  	v2 =	vld.idx.msk [tilespmem:v5+s28+$0x0], $0xffff  }
0xd0: {  	v5 =	vld [tilespmem:s29+$0xFFFFFE00]  }
0xd1: {  	v7 =	vld [tilespmem:s29+$0xFFFFFE20]  }
0xd2: {  	v8 =	vld [tilespmem:s29+$0xFFFFFE10]  }
0xd3: {  	v9 =	vld [tilespmem:s29+$0xFFFFFE40];
	_ =	sdelay $0x1  }
0xd4: {  	v6 =	vmul.f32 v2, v6;
	v5 =	vmul.f32 v2, v5  }
0xd5: {  	s2 =	sadd.s32 $0xFFFFFFFA, s1;
	v4 =	vmul.f32 v2, v4;
	v7 =	vmul.f32 v2, v7  }
0xd6: {  	v3 =	vmul.f32 v2, v3;
	v8 =	vmul.f32 v2, v8;
	[tilespmem:s29+$0xFFFFFE70] =	vst v6;
	v6 =	vmov s2  }
0xd7: {  	v1 =	vmul.f32 v2, v1;
	[tilespmem:s29+$0xFFFFFE00] =	vst v5;
	v5 =	vmul.f32 v2, v9;
	v2 =	vand.u32 $0xFFFFFFF9, v6  }
0xd8: {  	[tilespmem:s29+$0xFFFFFE20] =	vst v7;
	v2 =	vbroadcast v2, $0x0  }
0xd9: {  	[tilespmem:s29+$0xFFFFFE30] =	vst v3  }
0xda: {  	[tilespmem:s29+$0xFFFFFE50] =	vst v1;
	v1 =	vld [tilespmem:s29+$0xFFFFFEF0]  }
0xdb: {  	[tilespmem:s29+$0xFFFFFE10] =	vst v8;
	v3 =	vld [tilespmem:s29+$0xFFFFFED0]  }
0xdc: {  	[tilespmem:s29+$0xFFFFFE60] =	vst v4;
	v4 =	vld [tilespmem:s29+$0xFFFFFEB0]  }
0xdd: {  	[tilespmem:s29+$0xFFFFFE40] =	vst v5;
	v5 =	vld [tilespmem:s29+$0xFFFFFEC0]  }
0xde: {  	v2 =	vld.idx.msk [tilespmem:v2+s28+$0x0], $0xffff  }
0xdf: {  	v6 =	vld [tilespmem:s29+$0xFFFFFE90]  }
0xe0: {  	v7 =	vld [tilespmem:s29+$0xFFFFFE80]  }
0xe1: {  	v8 =	vld [tilespmem:s29+$0xFFFFFEA0]  }
0xe2: {  	v9 =	vld [tilespmem:s29+$0xFFFFFEE0];
	_ =	sdelay $0x1  }
0xe3: {  	v5 =	vmul.f32 v2, v5;
	v6 =	vmul.f32 v2, v6  }
0xe4: {  	s2 =	sadd.s32 $0xFFFFFFFB, s1;
	v4 =	vmul.f32 v2, v4;
	v7 =	vmul.f32 v2, v7  }
0xe5: {  	v3 =	vmul.f32 v2, v3;
	[tilespmem:s29+$0xFFFFFE90] =	vst v6;
	v6 =	vmul.f32 v2, v8;
	v8 =	vmov s2  }
0xe6: {  	v1 =	vmul.f32 v2, v1;
	[tilespmem:s29+$0xFFFFFEC0] =	vst v5;
	v5 =	vmul.f32 v2, v9;
	v2 =	vand.u32 $0xFFFFFFFA, v8  }
0xe7: {  	[tilespmem:s29+$0xFFFFFE80] =	vst v7;
	v2 =	vbroadcast v2, $0x0  }
0xe8: {  	[tilespmem:s29+$0xFFFFFED0] =	vst v3  }
0xe9: {  	[tilespmem:s29+$0xFFFFFEE0] =	vst v5;
	v3 =	vld [tilespmem:s29+$0xFFFFFF70]  }
0xea: {  	[tilespmem:s29+$0xFFFFFEB0] =	vst v4;
	v4 =	vld [tilespmem:s29+$0xFFFFFF50]  }
0xeb: {  	[tilespmem:s29+$0xFFFFFEF0] =	vst v1;
	v1 =	vld [tilespmem:s29+$0xFFFFFF20]  }
0xec: {  	[tilespmem:s29+$0xFFFFFEA0] =	vst v6;
	v5 =	vld [tilespmem:s29+$0xFFFFFF60]  }
0xed: {  	v2 =	vld.idx.msk [tilespmem:v2+s28+$0x0], $0xffff  }
0xee: {  	v6 =	vld [tilespmem:s29+$0xFFFFFF00]  }
0xef: {  	v7 =	vld [tilespmem:s29+$0xFFFFFF10]  }
0xf0: {  	v8 =	vld [tilespmem:s29+$0xFFFFFF40]  }
0xf1: {  	v9 =	vld [tilespmem:s29+$0xFFFFFF30];
	_ =	sdelay $0x1  }
0xf2: {  	v5 =	vmul.f32 v2, v5;
	v6 =	vmul.f32 v2, v6  }
0xf3: {  	s2 =	sadd.s32 $0xFFFFFFFC, s1;
	v1 =	vmul.f32 v2, v1;
	v7 =	vmul.f32 v2, v7  }
0xf4: {  	v4 =	vmul.f32 v2, v4;
	[tilespmem:s29+$0xFFFFFF00] =	vst v6;
	v6 =	vmul.f32 v2, v8;
	v8 =	vmov s2  }
0xf5: {  	v9 =	vmul.f32 v2, v9;
	[tilespmem:s29+$0xFFFFFF60] =	vst v5;
	v2 =	vmul.f32 v2, v3;
	v3 =	vand.u32 $0xFFFFFFFB, v8  }
0xf6: {  	[tilespmem:s29+$0xFFFFFF10] =	vst v7;
	v3 =	vbroadcast v3, $0x0  }
0xf7: {  	[tilespmem:s29+$0xFFFFFF50] =	vst v4  }
0xf8: {  	[tilespmem:s29+$0xFFFFFF70] =	vst v2;
	v2 =	vld [tilespmem:s29+$0xFFFFFFF0]  }
0xf9: {  	[tilespmem:s29+$0xFFFFFF20] =	vst v1;
	v1 =	vld [tilespmem:s29+$0xFFFFFFD0]  }
0xfa: {  	[tilespmem:s29+$0xFFFFFF30] =	vst v9;
	v4 =	vld [tilespmem:s29+$0xFFFFFF90]  }
0xfb: {  	[tilespmem:s29+$0xFFFFFF40] =	vst v6;
	v5 =	vld [tilespmem:s29+$0xFFFFFFE0]  }
0xfc: {  	v3 =	vld.idx.msk [tilespmem:v3+s28+$0x0], $0xffff  }
0xfd: {  	v6 =	vld [tilespmem:s29+$0xFFFFFFB0]  }
0xfe: {  	v7 =	vld [tilespmem:s29+$0xFFFFFF80]  }
0xff: {  	v8 =	vld [tilespmem:s29+$0xFFFFFFC0]  }
0x100: {  	v9 =	vld [tilespmem:s29+$0xFFFFFFA0];
	_ =	sdelay $0x1  }
0x101: {  	v5 =	vmul.f32 v3, v5;
	v6 =	vmul.f32 v3, v6  }
0x102: {  	s2 =	sadd.s32 $0xFFFFFFFD, s1;
	v4 =	vmul.f32 v3, v4;
	v7 =	vmul.f32 v3, v7  }
0x103: {  	v1 =	vmul.f32 v3, v1;
	[tilespmem:s29+$0xFFFFFFB0] =	vst v6;
	v6 =	vmul.f32 v3, v8;
	v8 =	vmov s2  }
0x104: {  	v2 =	vmul.f32 v3, v2;
	v9 =	vmul.f32 v3, v9;
	[tilespmem:s29+$0xFFFFFFE0] =	vst v5;
	v3 =	vand.u32 $0xFFFFFFFC, v8  }
0x105: {  	[tilespmem:s29+$0xFFFFFF80] =	vst v7;
	v5 =	vbroadcast v3, $0x0  }
0x106: {  	[tilespmem:s29+$0xFFFFFFD0] =	vst v1  }
0x107: {  	[tilespmem:s29+$0xFFFFFFF0] =	vst v2;
	v8 =	vld [tilespmem:s29+$0x0]  }
0x108: {  	[tilespmem:s29+$0xFFFFFFA0] =	vst v9;
	v1 =	vld [tilespmem:s29+$0x70]  }
0x109: {  	[tilespmem:s29+$0xFFFFFF90] =	vst v4;
	v3 =	vld [tilespmem:s29+$0x50]  }
0x10a: {  	[tilespmem:s29+$0xFFFFFFC0] =	vst v6;
	v7 =	vld [tilespmem:s29+$0x20]  }
0x10b: {  	v2 =	vld.idx.msk [tilespmem:v5+s28+$0x0], $0xffff  }
0x10c: {  	v10 =	vld [tilespmem:s29+$0x40]  }
.Ltmp1:
0x10d: {  	v6 =	vld [tilespmem:s29+$0x30];
	(pc) =	sbr.rel @p2 .LBB2_5-.Ltmp1, $3  }
0x10e: {  	v4 =	vld [tilespmem:s29+$0x10]  }
0x10f: {  	v5 =	vld [tilespmem:s29+$0x60];
	_ =	sdelay $0x1  }
0x110: {  	v9 =	vmul.f32 v2, v8;
	v8 =	vmul.f32 v2, v10  }
0x111: {  	s2 =	sadd.s32 $0xFFFFFFFE, s1  }
0x112: {  	v7 =	vmul.f32 v2, v7;
	[tilespmem:s31+$0x0] =	vst v9;
	v37 =	vmov s2  }
0x113: {  	v3 =	vmul.f32 v2, v3;
	[tilespmem:s31+$0x40] =	vst v8;
	v38 =	vand.u32 $0xFFFFFFFD, v37  }
0x114: {  	v1 =	vmul.f32 v2, v1;
	[tilespmem:s31+$0x20] =	vst v7;
	v39 =	vbroadcast v38, $0x0  }
0x115: {  	v6 =	vmul.f32 v2, v6;
	[tilespmem:s31+$0x50] =	vst v3  }
0x116: {  	v3 =	vmul.f32 v2, v5;
	[tilespmem:s31+$0x70] =	vst v1  }
0x117: {  	v1 =	vmul.f32 v2, v4;
	[tilespmem:s31+$0x30] =	vst v6  }
0x118: {  	[tilespmem:s31+$0x60] =	vst v3  }
0x119: {  	v2 =	vld [tilespmem:s31+$0x80];
	[tilespmem:s31+$0x10] =	vst v1  }
0x11a: {  	v1 =	vld.idx.msk [tilespmem:v39+s28+$0x0], $0xffff  }
0x11b: {  	v3 =	vld [tilespmem:s31+$0xA0]  }
0x11c: {  	v40 =	vld [tilespmem:s31+$0xD0]  }
0x11d: {  	v41 =	vld [tilespmem:s31+$0xC0]  }
0x11e: {  	v42 =	vld [tilespmem:s31+$0xF0]  }
0x11f: {  	v44 =	vld [tilespmem:s31+$0x90];
	v2 =	vmul.f32 v1, v2  }
0x120: {  	v43 =	vld [tilespmem:s31+$0xB0];
	s29 =	sadd.s32 $0xFFFFFFFF, s1;
	v3 =	vmul.f32 v1, v3  }
0x121: {  	v45 =	vld [tilespmem:s31+$0xE0];
	v46 =	vmov s29;
	[tilespmem:s31+$0x80] =	vst v2;
	v2 =	vmul.f32 v1, v40  }
0x122: {  	v5 =	vmul.f32 v1, v41;
	[tilespmem:s31+$0xA0] =	vst v3;
	v3 =	vand.u32 $0xFFFFFFFE, v46  }
0x123: {  	v47 =	vmul.f32 v1, v42;
	[tilespmem:s31+$0xD0] =	vst v2;
	v2 =	vbroadcast v3, $0x0  }
0x124: {  	v48 =	vmul.f32 v1, v44;
	[tilespmem:s31+$0xC0] =	vst v5  }
0x125: {  	[tilespmem:s31+$0xF0] =	vst v47;
	v3 =	vmul.f32 v1, v43  }
0x126: {  	[tilespmem:s31+$0x90] =	vst v48;
	v1 =	vmul.f32 v1, v45  }
0x127: {  	[tilespmem:s31+$0xB0] =	vst v3  }
0x128: {  	v3 =	vld [tilespmem:s31+$0x100];
	[tilespmem:s31+$0xE0] =	vst v1  }
0x129: {  	v1 =	vld.idx.msk [tilespmem:v2+s28+$0x0], $0xffff  }
0x12a: {  	v2 =	vld [tilespmem:s31+$0x120]  }
0x12b: {  	v49 =	vld [tilespmem:s31+$0x130]  }
0x12c: {  	v50 =	vld [tilespmem:s31+$0x140]  }
0x12d: {  	v52 =	vld [tilespmem:s31+$0x110]  }
0x12e: {  	v53 =	vld [tilespmem:s31+$0x150];
	v3 =	vmul.f32 v1, v3  }
0x12f: {  	v51 =	vld [tilespmem:s31+$0x160];
	v2 =	vmul.f32 v1, v2  }
0x130: {  	v54 =	vld [tilespmem:s31+$0x170];
	v4 =	vmul.f32 v1, v49;
	[tilespmem:s31+$0x100] =	vst v3  }
0x131: {  	v3 =	vmul.f32 v1, v50;
	[tilespmem:s31+$0x120] =	vst v2  }
0x132: {  	v55 =	vmul.f32 v1, v52;
	[tilespmem:s31+$0x130] =	vst v4  }
0x133: {  	v56 =	vmul.f32 v1, v53;
	[tilespmem:s31+$0x140] =	vst v3;
	v3 =	vmov s1  }
0x134: {  	v2 =	vmul.f32 v1, v51;
	[tilespmem:s31+$0x110] =	vst v55  }
0x135: {  	v1 =	vmul.f32 v1, v54;
	[tilespmem:s31+$0x150] =	vst v56  }
0x136: {  	[tilespmem:s31+$0x160] =	vst v2  }
0x137: {  	v2 =	vld [tilespmem:s31+$0x180];
	[tilespmem:s31+$0x170] =	vst v1  }
0x138: {  	v1 =	vld.idx.msk [tilespmem:v3+s28+$0x0], $0xffff  }
0x139: {  	v3 =	vld [tilespmem:s31+$0x190]  }
0x13a: {  	v57 =	vld [tilespmem:s31+$0x1A0]  }
0x13b: {  	v60 =	vld [tilespmem:s31+$0x1B0]  }
0x13c: {  	v58 =	vld [tilespmem:s31+$0x1F0]  }
0x13d: {  	v59 =	vld [tilespmem:s31+$0x1D0];
	v2 =	vmul.f32 v1, v2  }
0x13e: {  	v61 =	vld [tilespmem:s31+$0x1E0];
	v3 =	vmul.f32 v1, v3  }
0x13f: {  	v62 =	vld [tilespmem:s31+$0x1C0];
	v4 =	vmul.f32 v1, v57;
	[tilespmem:s31+$0x180] =	vst v2  }
0x140: {  	v63 =	vmul.f32 v1, v60;
	[tilespmem:s31+$0x190] =	vst v3  }
0x141: {  	v2 =	vmul.f32 v1, v58;
	[tilespmem:s31+$0x1A0] =	vst v4  }
0x142: {  	p2 =	sne.s32 s25, $0x7D;
	v3 =	vmul.f32 v1, v59;
	[tilespmem:s31+$0x1B0] =	vst v63  }
.Ltmp2:
0x143: {  	[tilespmem:s31+$0x1F0] =	vst v2;
	v2 =	vmul.f32 v1, v61;
	(pc) =	sbr.rel @p2 .LBB2_4-.Ltmp2, $4  }
0x144: {  	[tilespmem:s31+$0x1D0] =	vst v3;
	v1 =	vmul.f32 v1, v62  }
0x145: {  	[tilespmem:s31+$0x1E0] =	vst v2  }
0x146: {  	p1 =	por !p1, !p1;
	[tilespmem:s31+$0x1C0] =	vst v1;
	s31 =	sadd.s32 $0x80, s26  }
0x147: {  	[spmem:s3] =	stream.indirect.scatter.add.f32 [tilespmem:s30], [sflag:$0x4], $0x80, s31, s19, $0xb8;
	[tilespmem:$0x1D080] =	vst v63  }
0x148: {  	_ =	swait.ge [sflag:s22], $0x2800  }
0x149: {  	[sflag:s22] =	ssyncset.done $0x0  }
0x14a: {  	[sflag:s22] =	ssyncadd.s32 $0xFFFFD800  }
0x14b: {  	_ =	swait.ge [sflag:s22], $0x2800  }
0x14c: {  	[sflag:s22] =	ssyncset.done $0x0  }
0x14d: {  	[sflag:s22] =	ssyncadd.s32 $0xFFFFD800  }
0x14e: {  	s1 =	simm.s32 @p0 $0x1FC5;
	[bflag:$0x0] =	sbarrier.arrive $0xFFFF  }
0x14f: {  	[hbm:s10], [sflag:s1] =	dma.local @p0 [spmem:s23], $0x2080  }
0x150: {  	s1 =	simm.s32 @p0 $0x5  }
0x151: {  	s2 =	stileid.u32;
	_ =	swait.ge @p0 [sflag:s1], $0x2080  }
0x152: {  	s4 =	sadd.s32 $0x1, s4;
	s2 =	sshll.u32 @!p0 s2, $0x6;
	[sflag:s1] =	ssyncset.done @p0 $0x0  }
0x153: {  	p1 =	sne.s32 s4, s12;
	[sflag:s1] =	ssyncadd.s32 @p0 $0xFFFFDF80;
	s1 =	sor.u32 @!p0 $0x1C05, s2  }
0x154: {  	[hbm:s9], [sflag:s1] =	dma.local @!p0 [spmem:s24], $0x2780  }
.Ltmp3:
0x155: {  	_ = 	snop;
	(pc) =	sbr.rel @p1 .LBB2_1-.Ltmp3, $4  }
0x156: {  	s1 =	simm.s32 @!p0 $0x5  }
0x157: {  	_ =	swait.ge @!p0 [sflag:s1], $0x2780  }
0x158: {  	[sflag:s1] =	ssyncset.done @!p0 $0x0  }
0x159: {  	[sflag:s1] =	ssyncadd.s32 @!p0 $0xFFFFD880  }
0x15a: {  	_ =	sfence.sel $0x180000  }
0x15b: {  	[bflag:$0x0] =	sbarrier.arrive $0xFFFF  }
0x15c: {  	_ =	strace $0x9000004A  }
0x15d: {  	s0 =	stileid.u32;
	[bflag:$0x2] =	sbarrier.arrive $0xFFFF  }
0x15e: {  	p0 =	sne.s32 s0, $0x0;
	s0 =	rddreg [dreg:$0x3]  }
0x15f: {  	s0 =	sadd.s32 @!p0 $0x100000, s0  }
0x160: {  	[sflag:s0] =	ssyncadd.tile.s32 @!p0 $0x1;
	_ =	shalt  }
.Lfunc_end2:
_tile_overlayer_lowered:
.L_overlay_start_2:
0x161: {  	(tag) =	ssettag $0x2  }
0x162: {  	s0 =	rddreg [dreg:$0x0];
	s2 =	stileid.u32  }
0x163: {  	s1 =	rddreg [dreg:$0x1];
	p0 =	sne.s32 s2, $0x0  }
0x164: {  	s3 =	rddreg [dreg:$0x2];
	[bflag:$0x3] =	sbarrier.arrive $0xFFFF;
	s2 =	simm.s32 @!p0 $0x1C05  }
0x165: {  	[timem:s3], [sflag:s2] =	dma.local @!p0 [hbm:s0], s1  }
0x166: {  	s0 =	simm.s32 @!p0 $0x5  }
0x167: {  	_ =	swait.ge @!p0 [sflag:s0], s1  }
0x168: {  	s1 =	ssub.s32 @!p0 $0x0, s1;
	[sflag:s0] =	ssyncset.done @!p0 $0x0  }
0x169: {  	[sflag:s0] =	ssyncadd.s32 @!p0 s1  }
0x16a: {  	[bflag:$0x3] =	sbarrier.arrive $0xFFFF  }
0x16b: {  	_ =	shalt  }

// kernel: kernel.7.cloned.1.call-start
scs
__scs_entry_jumppad:
0x0: {  	(pc) =	sbr.rel $0x88, $3  }
0x1: {  	(tag) =	ssettag $0x0;
	lr =	simm.s32 $0x1  }
0x2: {  	[smem:$0x3F9A] =	sst lr;
	_ =	strace $0xD0000000  }
0x3: {  	_ = 	snop  }
0x4: {  	_ = 	snop  }
0x5: {  	_ = 	snop  }
0x6: {  	_ = 	snop  }
0x7: {  	_ = 	snop  }
__scs_overlays_trampoline_lowered:
0x8: {  	[smem:$0x3FA9] =	sst s0  }
0x9: {  	[smem:$0x3FAA] =	sst s1  }
0xa: {  	[smem:$0x3FAB] =	sst s2  }
0xb: {  	[smem:$0x3FAC] =	sst s3  }
0xc: {  	[smem:$0x3FAD] =	sst s4  }
0xd: {  	[smem:$0x3FAE] =	sst s5  }
0xe: {  	[smem:$0x3FAF] =	sst s6  }
0xf: {  	[smem:$0x3FB0] =	sst s7  }
0x10: {  	[smem:$0x3FB1] =	sst s8  }
0x11: {  	[smem:$0x3FB2] =	sst s9;
	s0 =	simm.s32 @!p0 $0x0  }
0x12: {  	s1 =	sld [smem:$0x3F98];
	s0 =	simm.s32 @p0 $0x1  }
0x13: {  	[smem:$0x3FB3] =	sst s0;
	s0 =	simm.s32 @!p1 $0x0  }
0x14: {  	s2 =	sld [smem:$0x3F97];
	s0 =	simm.s32 @p1 $0x1  }
0x15: {  	[smem:$0x3FB4] =	sst s0;
	s0 =	simm.s32 @!p2 $0x0  }
0x16: {  	s3 =	sld [smem:$0x3FDB];
	s0 =	simm.s32 @p2 $0x1  }
0x17: {  	s4 =	simm.s32 $0x1BF5;
	[smem:$0x3FB6] =	sst s0  }
0x18: {  	s0 =	sld [smem:$0x3F99];
	_ =	swait.ge [sflag:s4], $0x0  }
0x19: {  	s7 =	sld [smem:$0x3F9A]  }
0x1a: {  	s8 =	sadd.s32 $0xFFFFE003, lr  }
0x1b: {  	s9 =	sadd.s32 $0xFFFFFEF7, lr;
	s5 =	simm.s32 $0xFFFFFFFF;
	p2 =	slt.u32 s8, $0xFFFFF086  }
0x1c: {  	p1 =	slt.u32 s9, $0xF7A;
	s5 =	simm.s32 @!p2 $0x0  }
0x1d: {  	s5 =	simm.s32 @p1 $0x1;
	p0 =	seq.s32 s7, s2  }
0x1e: {  	s7 =	smul.u32 @!p0 $0xF7A, s2;
	p2 =	seq.s32 @!p0 s5, $0x0  }
0x1f: {  	s9 =	smul.u32 $0xF7A, s1;
	s8 =	simm.s32 @!p0 $0x1BF5;
	p2 =	por !p2, p0  }
0x20: {  	[sflag:s8] =	ssyncset.s32 @!p0 $0xFFFFF086;
	s6 =	sadd.s32 @!p0 s3, s7;
	s7 =	simm.s32 @!p0 $0x108  }
0x21: {  	s3 =	sadd.s32 s3, s9;
	s6 =	sadd.s32 @!p0 $0x88, s6;
	s7 =	simm.s32 @p2 $0x1082  }
0x22: {  	[simem:s7], [sflag:s8] =	dma.local @!p0 [hbm:s6], $0xF7A  }
0x23: {  	s9 =	sor.u32 $0xD0000000, s2;
	s6 =	simm.s32 $0x108;
	_ =	swait.ge @!p0 [sflag:s8], $0x0  }
0x24: {  	s3 =	sadd.s32 $0x88, s3;
	s6 =	simm.s32 @!p1 $0x1082;
	[sflag:s4] =	ssyncset.s32 $0xFFFFF086  }
0x25: {  	[simem:s6], [sflag:s4] =	dma.local [hbm:s3], $0xF7A  }
0x26: {  	[smem:$0x3F9A] =	sst s1;
	(tag) =	ssettag s2;
	_ =	strace s9  }
0x27: {  	s1 =	sld [smem:$0x3FAA]  }
0x28: {  	s2 =	sld [smem:$0x3FAB]  }
0x29: {  	s4 =	sld [smem:$0x3FAD]  }
0x2a: {  	p0 =	seq.s32 s5, $0x0;
	s5 =	sld [smem:$0x3FAE]  }
0x2b: {  	s6 =	sld [smem:$0x3FAF]  }
0x2c: {  	s7 =	sld [smem:$0x3FB0]  }
0x2d: {  	s3 =	simm.s32 $0x108;
	s8 =	sld [smem:$0x3FB1]  }
0x2e: {  	s3 =	simm.s32 @!p0 $0x1082;
	s9 =	sld [smem:$0x3FB2]  }
0x2f: {  	lr =	sadd.s32 s0, s3;
	s0 =	sld [smem:$0x3FA9]  }
0x30: {  	s3 =	sld [smem:$0x3FAC]  }
0x31: {  	[smem:$0x3FB5] =	sst s10  }
0x32: {  	s10 =	sld [smem:$0x3FB3];
	_ =	sdelay $0x3  }
0x33: {  	p0 =	seq.s32 s10, $0x1;
	s10 =	sld [smem:$0x3FB5];
	_ =	sdelay $0x3  }
0x34: {  	[smem:$0x3FB5] =	sst s10  }
0x35: {  	s10 =	sld [smem:$0x3FB4];
	_ =	sdelay $0x3  }
0x36: {  	p1 =	seq.s32 s10, $0x1;
	s10 =	sld [smem:$0x3FB5];
	_ =	sdelay $0x3  }
0x37: {  	[smem:$0x3FB5] =	sst s10  }
0x38: {  	s10 =	sld [smem:$0x3FB6]  }
0x39: {  	_ = 	snop;
	(pc) =	sbr.ind lr, $3  }
0x3a: {  	_ = 	snop  }
0x3b: {  	_ = 	snop  }
0x3c: {  	p2 =	seq.s32 s10, $0x1;
	s10 =	sld [smem:$0x3FB5]  }
0x3d: {  	_ =	shalt  }
0x3e: {  	_ =	shalt  }
0x3f: {  	_ =	shalt  }
0x40: {  	_ =	shalt  }
0x41: {  	_ =	shalt  }
0x42: {  	_ =	shalt  }
0x43: {  	_ =	shalt  }
0x44: {  	_ =	shalt  }
0x45: {  	_ =	shalt  }
0x46: {  	_ =	shalt  }
0x47: {  	_ =	shalt  }
0x48: {  	_ =	shalt  }
0x49: {  	_ =	shalt  }
0x4a: {  	_ =	shalt  }
0x4b: {  	_ =	shalt  }
0x4c: {  	_ =	shalt  }
0x4d: {  	_ =	shalt  }
0x4e: {  	_ =	shalt  }
0x4f: {  	_ =	shalt  }
0x50: {  	_ =	shalt  }
0x51: {  	_ =	shalt  }
0x52: {  	_ =	shalt  }
0x53: {  	_ =	shalt  }
0x54: {  	_ =	shalt  }
0x55: {  	_ =	shalt  }
0x56: {  	_ =	shalt  }
0x57: {  	_ =	shalt  }
0x58: {  	_ =	shalt  }
0x59: {  	_ =	shalt  }
0x5a: {  	_ =	shalt  }
0x5b: {  	_ =	shalt  }
0x5c: {  	_ =	shalt  }
0x5d: {  	_ =	shalt  }
0x5e: {  	_ =	shalt  }
0x5f: {  	_ =	shalt  }
0x60: {  	_ =	shalt  }
0x61: {  	_ =	shalt  }
0x62: {  	_ =	shalt  }
0x63: {  	_ =	shalt  }
0x64: {  	_ =	shalt  }
0x65: {  	_ =	shalt  }
0x66: {  	_ =	shalt  }
0x67: {  	_ =	shalt  }
0x68: {  	_ =	shalt  }
0x69: {  	_ =	shalt  }
0x6a: {  	_ =	shalt  }
0x6b: {  	_ =	shalt  }
0x6c: {  	_ =	shalt  }
0x6d: {  	_ =	shalt  }
0x6e: {  	_ =	shalt  }
0x6f: {  	_ =	shalt  }
0x70: {  	_ =	shalt  }
0x71: {  	_ =	shalt  }
0x72: {  	_ =	shalt  }
0x73: {  	_ =	shalt  }
0x74: {  	_ =	shalt  }
0x75: {  	_ =	shalt  }
0x76: {  	_ =	shalt  }
0x77: {  	_ =	shalt  }
0x78: {  	_ =	shalt  }
0x79: {  	_ =	shalt  }
0x7a: {  	_ =	shalt  }
0x7b: {  	_ =	shalt  }
0x7c: {  	_ =	shalt  }
0x7d: {  	_ =	shalt  }
0x7e: {  	_ =	shalt  }
0x7f: {  	_ =	shalt  }
0x80: {  	_ =	shalt  }
0x81: {  	_ =	shalt  }
0x82: {  	_ =	shalt  }
0x83: {  	_ =	shalt  }
0x84: {  	_ =	shalt  }
0x85: {  	_ =	shalt  }
0x86: {  	_ =	shalt  }
0x87: {  	_ =	shalt  }
.Lfunc_end0:
.L_simem_size_0:
called_computation_lowered:
.L_overlay_start_0:
0x88: {  	s2 =	sld [smem:$0x3FD9]  }
0x89: {  	s3 =	sld [smem:$0x3FFE];
	_ =	sdelay $0x1  }
0x8a: {  	s1 =	srdreg.scid  }
0x8b: {  	s0 =	sand.u32 $0x1, s1  }
0x8c: {  	s17 =	sshll.u32 s0, $0xA;
	s2 =	sadd.s32 s3, s2  }
0x8d: {  	s2 =	sadd.s32 s2, s17  }
0x8e: {  	[smem:$0x3FC1] =	sst s2  }
0x8f: {  	_ = 	snop  }
0x90: {  	s2 =	sld [smem:$0x3FD0];
	(tm) =	ssettm $0x1  }
0x91: {  	s18 =	sld [smem:$0x3FFB];
	_ =	sdelay $0x3  }
0x92: {  	_ =	strace s18  }
0x93: {  	s3 =	sld [smem:$0x3FFC];
	_ =	sdelay $0x3  }
0x94: {  	_ =	strace s3  }
0x95: {  	s3 =	sld [smem:$0x3FFD];
	_ =	sdelay $0x3  }
0x96: {  	_ =	strace s3  }
0x97: {  	_ =	strace $0x8FFFFFFF  }
0x98: {  	s19 =	sld [smem:$0x3FDB];
	_ =	sdelay $0x1  }
0x99: {  	s4 =	simm.s32 $_scs_section_size  }
0x9a: {  	s5 =	simm.s32 $_size__tile_overlayer_lowered;
	s6 =	simm.s32 $_tile_overlayer_lowered  }
0x9b: {  	s22 =	simm.s32 $0x1BFF;
	s21 =	sshll.u32 s6, $0x1;
	s3 =	sadd.s32 s4, s19  }
0x9c: {  	s7 =	simm.s32 $0x0;
	s20 =	sshll.u32 s5, $0x1;
	s5 =	sadd.s32 s21, s3  }
0x9d: {  	[timem:s7], [sflag:s22] =	dma.local [hbm:s5], s20  }
0x9e: {  	_ =	swait.ge [sflag:s22], s20  }
0x9f: {  	s4 =	ssub.s32 $0x0, s20;
	[sflag:s22] =	ssyncset.done $0x0  }
0xa0: {  	[sflag:s22] =	ssyncadd.s32 s4;
	_ =	sdelay $0x1  }
0xa1: {  	s23 =	simm.s32 $0x1B8B  }
0xa2: {  	_ =	swait.ge [sflag:s23], $0x1  }
0xa3: {  	[sflag:s23] =	ssyncset.done $0x0  }
0xa4: {  	s25 =	simm.s32 $0x1B8E;
	s24 =	sld [smem:$0x3FFE];
	[sflag:s23] =	ssyncadd.s32 $0xFFFFFFFF  }
0xa5: {  	s26 =	simm.s32 $execute0_lowered;
	[smem:$0x3FD2] =	sst s25  }
0xa6: {  	s5 =	sshll.u32 s26, $0x1;
	_ =	strace $0x80000046;
	[dreg:$0x1] =	wrdreg $0xFFFFFFFF  }
0xa7: {  	s28 =	simm.s32 $_size_execute0_lowered;
	s3 =	sadd.s32 s3, s5;
	[dreg:$0x0] =	wrdreg $0x0  }
0xa8: {  	s5 =	sshll.u32 s28, $0x1;
	[dreg:$0x2] =	wrdreg s3  }
0xa9: {  	[dreg:$0x3] =	wrdreg s5  }
0xaa: {  	[dreg:$0x4] =	wrdreg $0xC0  }
0xab: {  	_ =	task [dreg:s7], $0x5FFFF  }
0xac: {  	[dreg:$0x1] =	wrdreg $0xFFFFFFFF  }
0xad: {  	[dreg:$0x0] =	wrdreg $0x60  }
0xae: {  	[dreg:$0x2] =	wrdreg s2  }
0xaf: {  	[dreg:$0x3] =	wrdreg s24  }
0xb0: {  	[dreg:$0x4] =	wrdreg $0x98000  }
0xb1: {  	[dreg:$0x5] =	wrdreg $0x9  }
0xb2: {  	_ =	task.clear_ibuf [dreg:s7], $0x6FFFF;
	_ =	strace $0x90000046  }
0xb3: {  	s29 =	simm.s32 $0x9;
	_ =	strace $0x80000048  }
0xb4: {  	_ =	swait.ge [sflag:s29], $0x1  }
0xb5: {  	[sflag:s29] =	ssyncadd.s32 $0xFFFFFFFF  }
0xb6: {  	_ =	strace $0x90000048  }
0xb7: {  	_ =	sfence  }
0xb8: {  	s30 =	sld [smem:$0x0];
	_ =	sdelay $0x2  }
0xb9: {  	s31 =	sshll.u32 s1, $0xD;
	s1 =	sshrl.u32 s1, $0x2  }
0xba: {  	s3 =	sand.u32 $0x4000, s31;
	s1 =	sadd.s32 s1, s30  }
0xbb: {  	s0 =	sor.u32 s3, s0;
	s1 =	sshll.u32 s1, $0x11  }
0xbc: {  	s0 =	sor.u32 s1, s0  }
0xbd: {  	s0 =	sadd.s32 $0x8F2B, s0  }
0xbe: {  	[sflag:s0] =	ssyncadd.remote.s32 $0x1  }
0xbf: {  	_ =	sfence.sel $0xFFFF  }
0xc0: {  	[dreg:$0x0] =	wrdreg $0xFFFFFFFF;
	(pc) =	sbr.abs _section_cstart, $3  }
0xc1: {  	[dreg:$0x1] =	wrdreg $0xFFFFFFFF  }
0xc2: {  	_ =	task.clear_ibuf [dreg:s7], $0x2FFFF;
	_ =	strace $0x9FFFFFFF  }
0xc3: {  	(tm) =	ssettm $0x7FFFFFFF  }
tec
execute0_lowered:
.L_overlay_start_1:
0x0: {  	(tag) =	ssettag $0x1  }
0x1: {  	s0 =	rddreg [dreg:$0x0]  }
0x2: {  	s1 =	srdreg.scid;
	s6 =	rddreg [dreg:$0x1]  }
0x3: {  	s3 =	rddreg [dreg:$0x2];
	s2 =	stileid.u32  }
0x4: {  	s4 =	simm.s32 $0x0;
	s17 =	simm.s32 $0x5800;
	s18 =	simm.s32 $0x5  }
0x5: {  	s19 =	simm.s32 $0x50;
	s22 =	simm.s32 $0x4;
	s12 =	smul.u32 $0x13C00, s2  }
0x6: {  	s1 =	sand.u32 $0x1, s1;
	[smem:$0x7FF] =	sst s4;
	s29 =	smul.u32 $0x4F000, s2  }
0x7: {  	s11 =	sadd.s32 $0x40A00, s6;
	s30 =	smul.u32 $0x4E200, s2;
	s5 =	sshll.u32 s1, $0x4  }
0x8: {  	s10 =	ssub.s32 $0x2, s1;
	s1 =	smul.u32 $0x138800, s1;
	s7 =	sor.u32 s2, s5  }
0x9: {  	p0 =	seq.s32 s2, $0xF;
	_ =	strace $0x80000047;
	s8 =	smul.u32 $0x1F40, s7  }
0xa: {  	s5 =	sadd.s32 $0x2200, s6;
	s25 =	sshrl.u32 s10, $0x1;
	s9 =	smul.u32 $0xFA00, s7  }
0xb: {  	s31 =	sshrl.u32 s30, $0x2;
	s13 =	ssub.s32 s10, s25;
	s6 =	smul.u32 $0x7D, s7  }
0xc: {  	s28 =	sadd.s32 s12, s1;
	s1 =	sshrl.u32 s1, $0x3;
	s10 =	sshrl.u32 s29, $0x2  }
0xd: {  	s1 =	sadd.s32 s11, s1;
	s20 =	sadd.s32 s10, s3;
	s12 =	smax.u32 s13, $0x1  }
0xe: {  	s7 =	sadd.s32 s5, s8;
	s26 =	sshrl.u32 s9, $0x3;
	s9 =	sshrl.u32 s28, $0x3  }
0xf: {  	s10 =	sadd.s32 $0x25080, s1;
	s1 =	sadd.s32 $0x128400, s3;
	s24 =	sshrl.u32 @!p0 s20, $0x3  }
0x10: {  	s8 =	sadd.s32 s5, s26;
	s9 =	sadd.s32 s11, s9;
	s11 =	sadd.s32 s31, s3  }
0x11: {  	s23 =	sshrl.u32 @p0 s1, $0x3;
	s8 =	sadd.s32 $0x40, s8;
	s13 =	sadd.s32 $0x3E80, s11  }
0x12: {  	v0 =	vimm.f32 $0.0e+00;
	s14 =	sadd.s32 $0x7D00, s11;
	s15 =	sadd.s32 $0xBB80, s11;
	s16 =	sadd.s32 $0xFA00, s11  }
.LBB2_1:
0x13: {  	s1 =	simm.s32 $0x0;
	s20 =	simm.s32 $0x200  }
.LBB2_2:
0x14: {  	p1 =	sne.s32 s20, $0xF800;
	[tilespmem:s1+$0x5870] =	vst v0  }
0x15: {  	[tilespmem:s1+$0x5800] =	vst v0  }
0x16: {  	[tilespmem:s1+$0x5810] =	vst v0  }
.Ltmp0:
0x17: {  	[tilespmem:s1+$0x5820] =	vst v0;
	(pc) =	sbr.rel @p1 .LBB2_2-.Ltmp0, $4  }
0x18: {  	[tilespmem:s1+$0x5830] =	vst v0  }
0x19: {  	[tilespmem:s1+$0x5840] =	vst v0  }
0x1a: {  	[tilespmem:s1+$0x5850] =	vst v0  }
0x1b: {  	[tilespmem:s1+$0x5860] =	vst v0;
	s1 =	sshra.s32 s20, $0x2;
	s20 =	sadd.s32 $0x200, s20  }
0x1c: {  	[tilespmem:s1+$0x5870] =	vst v0  }
0x1d: {  	[tilespmem:s1+$0x5800] =	vst v0  }
0x1e: {  	[tilespmem:s1+$0x5810] =	vst v0  }
0x1f: {  	[tilespmem:s1+$0x5820] =	vst v0  }
0x20: {  	[tilespmem:s1+$0x5830] =	vst v0  }
0x21: {  	[tilespmem:s1+$0x5840] =	vst v0  }
0x22: {  	[tilespmem:s1+$0x5850] =	vst v0  }
0x23: {  	[tilespmem:s1+$0x5860] =	vst v0  }
0x24: {  	[spmem:s11] =	stream.linear.scatter [tilespmem:s17], [sflag:$0x5], $0x3E80, $0x38;
	[tilespmem:$0x1D080] =	vst v63  }
0x25: {  	_ =	swait.ge [sflag:s18], $0x3E80  }
0x26: {  	[sflag:s18] =	ssyncset.done $0x0  }
0x27: {  	[sflag:s18] =	ssyncadd.s32 $0xFFFFC180  }
0x28: {  	[spmem:s13] =	stream.linear.scatter [tilespmem:s17], [sflag:$0x5], $0x3E80, $0x38;
	[tilespmem:$0x1D080] =	vst v63  }
0x29: {  	_ =	swait.ge [sflag:s18], $0x3E80  }
0x2a: {  	[sflag:s18] =	ssyncset.done $0x0  }
0x2b: {  	[sflag:s18] =	ssyncadd.s32 $0xFFFFC180  }
0x2c: {  	[spmem:s14] =	stream.linear.scatter [tilespmem:s17], [sflag:$0x5], $0x3E80, $0x38;
	[tilespmem:$0x1D080] =	vst v63  }
0x2d: {  	_ =	swait.ge [sflag:s18], $0x3E80  }
0x2e: {  	[sflag:s18] =	ssyncset.done $0x0  }
0x2f: {  	[sflag:s18] =	ssyncadd.s32 $0xFFFFC180  }
0x30: {  	[spmem:s15] =	stream.linear.scatter [tilespmem:s17], [sflag:$0x5], $0x3E80, $0x38;
	[tilespmem:$0x1D080] =	vst v63  }
0x31: {  	_ =	swait.ge [sflag:s18], $0x3E80  }
0x32: {  	[sflag:s18] =	ssyncset.done $0x0  }
0x33: {  	[sflag:s18] =	ssyncadd.s32 $0xFFFFC180  }
0x34: {  	[spmem:s16] =	stream.linear.scatter [tilespmem:s17], [sflag:$0x5], $0x3E80, $0x38;
	[tilespmem:$0x1D080] =	vst v63  }
0x35: {  	_ =	swait.ge [sflag:s18], $0x3E80  }
0x36: {  	[sflag:s18] =	ssyncset.done $0x0  }
0x37: {  	[sflag:s18] =	ssyncadd.s32 $0xFFFFC180  }
0x38: {  	s25 =	simm.s32 $0x0;
	[bflag:$0x0] =	sbarrier.arrive $0xFFFF  }
0x39: {  	[tilespmem:s25], [sflag:$0x5] =	stream.linear.gather [hbm4b:s7+s25], $0x180, $0x38;
	[tilespmem:$0x1D080] =	vst v63  }
0x3a: {  	_ =	swait.ge [sflag:s18], $0x180  }
0x3b: {  	[sflag:s18] =	ssyncset.done $0x0  }
0x3c: {  	s30 =	simm.s32 $0x800;
	[sflag:s18] =	ssyncadd.s32 $0xFFFFFE80  }
0x3d: {  	[tilespmem:s30], [sflag:$0x1] =	stream.indirect.gather [hbm4b:s0+s19], $0x80, s25, s19, $0xb8;
	[tilespmem:$0x1D080] =	vst v63  }
0x3e: {  	s31 =	simm.s32 $0x200;
	p1 =	por $0x0, $0x0  }
0x3f: {  	[tilespmem:s31], [sflag:$0x3] =	stream.linear.gather [hbm4b:s8+s25], $0x180, $0x38;
	[tilespmem:$0x1D080] =	vst v63  }
.LBB2_4:
0x40: {  	p2 =	seq.s32 s25, $0x7C  }
0x41: {  	s21 =	simm.s32 @!p2 $0x3  }
0x42: {  	s1 =	sand.u32 $0x1, s25;
	p3 =	seq.s32 @!p2 s25, $0x0;
	_ =	swait.ge @!p2 [sflag:s21], $0x180  }
0x43: {  	s26 =	sxor.u32 @!p2 $0x1, s1;
	p3 =	por p3, p2;
	[sflag:s21] =	ssyncset.done @!p2 $0x0  }
0x44: {  	s28 =	smul.u32 @!p2 $0xA000, s26;
	[sflag:s21] =	ssyncadd.s32 @!p2 $0xFFFFFE80;
	s21 =	simm.s32 @!p3 $0x4  }
0x45: {  	s20 =	smov.u32 s25;
	s25 =	sadd.s32 $0x1, s25;
	_ =	swait.ge @!p3 [sflag:s21], $0x2800  }
0x46: {  	s29 =	simm.s32 @!p2 $0x50;
	s28 =	sshrl.u32 @!p2 s28, $0x2;
	[sflag:s21] =	ssyncset.done @!p3 $0x0  }
0x47: {  	[sflag:s21] =	ssyncadd.s32 @!p3 $0xFFFFD800;
	s21 =	sadd.s32 @!p2 $0x800, s28;
	s28 =	sshll.u32 @!p2 s25, $0x9  }
0x48: {  	s26 =	sadd.s32 @!p2 $0x1, s26;
	p3 =	sgt.u32 @!p2 s20, $0x7A;
	s28 =	sand.u32 @!p2 $0x600, s28  }
0x49: {  	[tilespmem:s21], [sflag:s26] =	stream.indirect.gather @!p2 [hbm4b:s0+s29], $0x80, s28, s29, $0xb8;
	[tilespmem:$0x1D080] =	vst v63  }
0x4a: {  	p2 =	por p3, p2  }
0x4b: {  	s21 =	sadd.s32 @!p2 $0x2, s20  }
0x4c: {  	s26 =	simm.s32 $0x1;
	s29 =	simm.s32 $0x0;
	s28 =	sadd.s32 @!p2 s6, s21  }
0x4d: {  	s2 =	sadd.s32 $0x1, s1;
	s26 =	simm.s32 @!p1 $0x0;
	v1 =	vmov s29;
	s28 =	sshll.u32 @!p2 s28, $0x6  }
0x4e: {  	s30 =	simm.s32 @!p2 $0x0;
	s21 =	sshll.u32 @!p2 s21, $0x9;
	v1 =	vand.u32 $0xFFFFFFF8, v1;
	s28 =	sand.u32 @!p2 $0x1FFFFFC0, s28  }
0x4f: {  	s26 =	smul.u32 $0xA000, s26;
	s21 =	sand.u32 @!p2 $0x600, s21;
	v1 =	vbroadcast v1, $0x0;
	s28 =	sadd.s32 @!p2 s5, s28  }
0x50: {  	[tilespmem:s21], [sflag:$0x3] =	stream.linear.gather @!p2 [hbm4b:s28+s30], $0x180, $0x38;
	[tilespmem:$0x1D080] =	vst v63  }
0x51: {  	_ =	swait.ge [sflag:s2], $0x2800  }
0x52: {  	s20 =	sshll.u32 s20, $0x9;
	s21 =	sshrl.u32 s26, $0x2;
	[sflag:s2] =	ssyncset.done $0x0  }
0x53: {  	s26 =	sand.u32 $0x600, s20;
	s29 =	sadd.s32 $0xA00, s21;
	[sflag:s2] =	ssyncadd.s32 $0xFFFFD800  }
0x54: {  	s28 =	sor.u32 $0x100, s26;
	v3 =	vld [tilespmem:s29+$0xFFFFFE70]  }
0x55: {  	v1 =	vld.idx.msk [tilespmem:v1+s28+$0x0], $0xffff  }
0x56: {  	v4 =	vld [tilespmem:s29+$0xFFFFFE00]  }
0x57: {  	v5 =	vld [tilespmem:s29+$0xFFFFFE20]  }
0x58: {  	v6 =	vld [tilespmem:s29+$0xFFFFFE30]  }
0x59: {  	v2 =	vld [tilespmem:s29+$0xFFFFFE50]  }
0x5a: {  	v8 =	vld [tilespmem:s29+$0xFFFFFE10];
	v3 =	vmul.f32 v1, v3  }
0x5b: {  	s2 =	simm.s32 $0x1;
	v7 =	vld [tilespmem:s29+$0xFFFFFE60];
	v4 =	vmul.f32 v1, v4  }
0x5c: {  	v9 =	vld [tilespmem:s29+$0xFFFFFE40];
	v5 =	vmul.f32 v1, v5;
	[tilespmem:s29+$0xFFFFFE70] =	vst v3;
	v3 =	vmov s2  }
0x5d: {  	v6 =	vmul.f32 v1, v6;
	[tilespmem:s29+$0xFFFFFE00] =	vst v4;
	v3 =	vand.u32 $0xFFFFFFF9, v3  }
0x5e: {  	v2 =	vmul.f32 v1, v2;
	[tilespmem:s29+$0xFFFFFE20] =	vst v5;
	v3 =	vbroadcast v3, $0x0  }
0x5f: {  	v4 =	vmul.f32 v1, v8;
	[tilespmem:s29+$0xFFFFFE30] =	vst v6  }
0x60: {  	v5 =	vmul.f32 v1, v7;
	[tilespmem:s29+$0xFFFFFE50] =	vst v2  }
0x61: {  	v1 =	vmul.f32 v1, v9;
	[tilespmem:s29+$0xFFFFFE10] =	vst v4  }
0x62: {  	[tilespmem:s29+$0xFFFFFE60] =	vst v5  }
0x63: {  	[tilespmem:s29+$0xFFFFFE40] =	vst v1  }
0x64: {  	v1 =	vld.idx.msk [tilespmem:v3+s28+$0x0], $0xffff  }
0x65: {  	v3 =	vld [tilespmem:s29+$0xFFFFFE90]  }
0x66: {  	v4 =	vld [tilespmem:s29+$0xFFFFFEC0]  }
0x67: {  	v5 =	vld [tilespmem:s29+$0xFFFFFE80]  }
0x68: {  	v6 =	vld [tilespmem:s29+$0xFFFFFED0]  }
0x69: {  	v2 =	vld [tilespmem:s29+$0xFFFFFEF0]  }
0x6a: {  	v7 =	vld [tilespmem:s29+$0xFFFFFEE0];
	v3 =	vmul.f32 v1, v3  }
0x6b: {  	s21 =	simm.s32 $0x2;
	v8 =	vld [tilespmem:s29+$0xFFFFFEB0];
	v4 =	vmul.f32 v1, v4  }
0x6c: {  	v9 =	vld [tilespmem:s29+$0xFFFFFEA0];
	v5 =	vmul.f32 v1, v5;
	[tilespmem:s29+$0xFFFFFE90] =	vst v3;
	v3 =	vmov s21  }
0x6d: {  	v6 =	vmul.f32 v1, v6;
	[tilespmem:s29+$0xFFFFFEC0] =	vst v4;
	v3 =	vand.u32 $0xFFFFFFFA, v3  }
0x6e: {  	v2 =	vmul.f32 v1, v2;
	[tilespmem:s29+$0xFFFFFE80] =	vst v5;
	v3 =	vbroadcast v3, $0x0  }
0x6f: {  	v4 =	vmul.f32 v1, v7;
	[tilespmem:s29+$0xFFFFFED0] =	vst v6  }
0x70: {  	v5 =	vmul.f32 v1, v8;
	[tilespmem:s29+$0xFFFFFEF0] =	vst v2  }
0x71: {  	v1 =	vmul.f32 v1, v9;
	[tilespmem:s29+$0xFFFFFEE0] =	vst v4  }
0x72: {  	[tilespmem:s29+$0xFFFFFEB0] =	vst v5  }
0x73: {  	v2 =	vld [tilespmem:s29+$0xFFFFFF00];
	[tilespmem:s29+$0xFFFFFEA0] =	vst v1  }
0x74: {  	v1 =	vld.idx.msk [tilespmem:v3+s28+$0x0], $0xffff  }
0x75: {  	v3 =	vld [tilespmem:s29+$0xFFFFFF60]  }
0x76: {  	v4 =	vld [tilespmem:s29+$0xFFFFFF10]  }
0x77: {  	v5 =	vld [tilespmem:s29+$0xFFFFFF50]  }
0x78: {  	v6 =	vld [tilespmem:s29+$0xFFFFFF70]  }
0x79: {  	v7 =	vld [tilespmem:s29+$0xFFFFFF20];
	v2 =	vmul.f32 v1, v2  }
0x7a: {  	s2 =	simm.s32 $0x3;
	v8 =	vld [tilespmem:s29+$0xFFFFFF30];
	v3 =	vmul.f32 v1, v3  }
0x7b: {  	v9 =	vld [tilespmem:s29+$0xFFFFFF40];
	v4 =	vmul.f32 v1, v4;
	[tilespmem:s29+$0xFFFFFF00] =	vst v2;
	v2 =	vmov s2  }
0x7c: {  	v5 =	vmul.f32 v1, v5;
	[tilespmem:s29+$0xFFFFFF60] =	vst v3;
	v2 =	vand.u32 $0xFFFFFFFB, v2  }
0x7d: {  	v3 =	vmul.f32 v1, v6;
	[tilespmem:s29+$0xFFFFFF10] =	vst v4;
	v2 =	vbroadcast v2, $0x0  }
0x7e: {  	v4 =	vmul.f32 v1, v7;
	[tilespmem:s29+$0xFFFFFF50] =	vst v5  }
0x7f: {  	v5 =	vmul.f32 v1, v8;
	[tilespmem:s29+$0xFFFFFF70] =	vst v3  }
0x80: {  	v1 =	vmul.f32 v1, v9;
	[tilespmem:s29+$0xFFFFFF20] =	vst v4  }
0x81: {  	[tilespmem:s29+$0xFFFFFF30] =	vst v5  }
0x82: {  	[tilespmem:s29+$0xFFFFFF40] =	vst v1  }
0x83: {  	v1 =	vld.idx.msk [tilespmem:v2+s28+$0x0], $0xffff  }
0x84: {  	v2 =	vld [tilespmem:s29+$0xFFFFFFB0]  }
0x85: {  	v4 =	vld [tilespmem:s29+$0xFFFFFFE0]  }
0x86: {  	v5 =	vld [tilespmem:s29+$0xFFFFFF80]  }
0x87: {  	v6 =	vld [tilespmem:s29+$0xFFFFFFD0]  }
0x88: {  	v3 =	vld [tilespmem:s29+$0xFFFFFFF0]  }
0x89: {  	v8 =	vld [tilespmem:s29+$0xFFFFFFA0];
	v2 =	vmul.f32 v1, v2  }
0x8a: {  	s21 =	simm.s32 $0x4;
	v7 =	vld [tilespmem:s29+$0xFFFFFF90];
	v4 =	vmul.f32 v1, v4  }
0x8b: {  	v9 =	vld [tilespmem:s29+$0xFFFFFFC0];
	v5 =	vmul.f32 v1, v5;
	[tilespmem:s29+$0xFFFFFFB0] =	vst v2;
	v2 =	vmov s21  }
0x8c: {  	v6 =	vmul.f32 v1, v6;
	[tilespmem:s29+$0xFFFFFFE0] =	vst v4;
	v2 =	vand.u32 $0xFFFFFFFC, v2  }
0x8d: {  	v3 =	vmul.f32 v1, v3;
	[tilespmem:s29+$0xFFFFFF80] =	vst v5;
	v2 =	vbroadcast v2, $0x0  }
0x8e: {  	v10 =	vld [tilespmem:s29+$0x40];
	v4 =	vmul.f32 v1, v8;
	[tilespmem:s29+$0xFFFFFFD0] =	vst v6  }
0x8f: {  	v5 =	vmul.f32 v1, v7;
	[tilespmem:s29+$0xFFFFFFF0] =	vst v3;
	v8 =	vld [tilespmem:s29+$0x0]  }
0x90: {  	v3 =	vmul.f32 v1, v9;
	v1 =	vld [tilespmem:s29+$0x70];
	[tilespmem:s29+$0xFFFFFFA0] =	vst v4  }
0x91: {  	v7 =	vld [tilespmem:s29+$0x20];
	[tilespmem:s29+$0xFFFFFF90] =	vst v5  }
0x92: {  	v6 =	vld [tilespmem:s29+$0x30];
	[tilespmem:s29+$0xFFFFFFC0] =	vst v3  }
0x93: {  	v2 =	vld.idx.msk [tilespmem:v2+s28+$0x0], $0xffff  }
0x94: {  	s1 =	smul.u32 $0xA000, s1;
	v3 =	vld [tilespmem:s29+$0x50]  }
0x95: {  	v4 =	vld [tilespmem:s29+$0x10]  }
0x96: {  	s1 =	sshrl.u32 s1, $0x2;
	v5 =	vld [tilespmem:s29+$0x60]  }
0x97: {  	s30 =	sadd.s32 $0x800, s1  }
0x98: {  	s1 =	simm.s32 $0x7;
	s20 =	simm.s32 $0xF;
	s31 =	smov.u32 s29;
	v9 =	vmul.f32 v2, v8;
	v8 =	vmul.f32 v2, v10  }
.LBB2_5:
0x99: {  	p2 =	sne.s32 s20, $0x4F;
	v7 =	vmul.f32 v2, v7;
	v6 =	vmul.f32 v2, v6;
	s21 =	sadd.s32 $0xFFFFFFFE, s1;
	s29 =	sadd.s32 $0x400, s29  }
0x9a: {  	v3 =	vmul.f32 v2, v3;
	[tilespmem:s31+$0x0] =	vst v9;
	v4 =	vmul.f32 v2, v4;
	v9 =	vmov s21;
	s21 =	smov.u32 s20;
	s20 =	sadd.s32 $0x8, s20  }
0x9b: {  	v1 =	vmul.f32 v2, v1;
	[tilespmem:s31+$0x40] =	vst v8;
	v5 =	vmul.f32 v2, v5;
	v2 =	vand.u32 $0xFFFFFFFD, v9  }
0x9c: {  	[tilespmem:s31+$0x20] =	vst v7;
	v2 =	vbroadcast v2, $0x0  }
0x9d: {  	[tilespmem:s31+$0x50] =	vst v3  }
0x9e: {  	[tilespmem:s31+$0x70] =	vst v1;
	v1 =	vld [tilespmem:s31+$0xA0]  }
0x9f: {  	[tilespmem:s31+$0x30] =	vst v6;
	v3 =	vld [tilespmem:s31+$0x80]  }
0xa0: {  	[tilespmem:s31+$0x60] =	vst v5;
	v5 =	vld [tilespmem:s31+$0xD0]  }
0xa1: {  	[tilespmem:s31+$0x10] =	vst v4;
	v4 =	vld [tilespmem:s31+$0xF0]  }
0xa2: {  	v2 =	vld.idx.msk [tilespmem:v2+s28+$0x0], $0xffff  }
0xa3: {  	v6 =	vld [tilespmem:s31+$0xC0]  }
0xa4: {  	v7 =	vld [tilespmem:s31+$0xB0]  }
0xa5: {  	v8 =	vld [tilespmem:s31+$0x90]  }
0xa6: {  	v9 =	vld [tilespmem:s31+$0xE0];
	_ =	sdelay $0x1  }
0xa7: {  	v3 =	vmul.f32 v2, v3;
	v6 =	vmul.f32 v2, v6  }
0xa8: {  	s2 =	sadd.s32 $0xFFFFFFFF, s1;
	v1 =	vmul.f32 v2, v1;
	v7 =	vmul.f32 v2, v7  }
0xa9: {  	v5 =	vmul.f32 v2, v5;
	[tilespmem:s31+$0x80] =	vst v3;
	v3 =	vmul.f32 v2, v8;
	v8 =	vmov s2  }
0xaa: {  	[tilespmem:s31+$0xA0] =	vst v1;
	v1 =	vmul.f32 v2, v9;
	v2 =	vmul.f32 v2, v4;
	v4 =	vand.u32 $0xFFFFFFFE, v8  }
0xab: {  	[tilespmem:s31+$0xD0] =	vst v5;
	v4 =	vbroadcast v4, $0x0  }
0xac: {  	[tilespmem:s31+$0xC0] =	vst v6  }
0xad: {  	[tilespmem:s31+$0xF0] =	vst v2;
	v2 =	vld [tilespmem:s31+$0x120]  }
0xae: {  	[tilespmem:s31+$0xB0] =	vst v7;
	v5 =	vld [tilespmem:s31+$0x100]  }
0xaf: {  	[tilespmem:s31+$0x90] =	vst v3;
	v3 =	vld [tilespmem:s31+$0x140]  }
0xb0: {  	[tilespmem:s31+$0xE0] =	vst v1;
	v1 =	vld [tilespmem:s31+$0x130]  }
0xb1: {  	v4 =	vld.idx.msk [tilespmem:v4+s28+$0x0], $0xffff  }
0xb2: {  	v6 =	vld [tilespmem:s31+$0x110]  }
0xb3: {  	v7 =	vld [tilespmem:s31+$0x160]  }
0xb4: {  	v8 =	vld [tilespmem:s31+$0x150]  }
0xb5: {  	v9 =	vld [tilespmem:s31+$0x170];
	_ =	sdelay $0x1  }
0xb6: {  	v5 =	vmul.f32 v4, v5;
	v6 =	vmul.f32 v4, v6  }
0xb7: {  	v2 =	vmul.f32 v4, v2;
	v1 =	vmul.f32 v4, v1  }
0xb8: {  	v3 =	vmul.f32 v4, v3;
	[tilespmem:s31+$0x100] =	vst v5;
	v5 =	vmul.f32 v4, v8  }
0xb9: {  	[tilespmem:s31+$0x120] =	vst v2;
	v2 =	vmul.f32 v4, v7;
	v4 =	vmul.f32 v4, v9  }
0xba: {  	[tilespmem:s31+$0x130] =	vst v1  }
0xbb: {  	v1 =	vmov s1;
	s1 =	smov.u32 s21;
	[tilespmem:s31+$0x140] =	vst v3  }
0xbc: {  	[tilespmem:s31+$0x160] =	vst v2;
	v2 =	vld [tilespmem:s31+$0x180]  }
0xbd: {  	[tilespmem:s31+$0x110] =	vst v6;
	v3 =	vld [tilespmem:s31+$0x1A0]  }
0xbe: {  	[tilespmem:s31+$0x150] =	vst v5;
	v5 =	vld [tilespmem:s31+$0x1F0]  }
0xbf: {  	[tilespmem:s31+$0x170] =	vst v4;
	v4 =	vld [tilespmem:s31+$0x1D0]  }
0xc0: {  	v1 =	vld.idx.msk [tilespmem:v1+s28+$0x0], $0xffff  }
0xc1: {  	v6 =	vld [tilespmem:s31+$0x190]  }
0xc2: {  	v7 =	vld [tilespmem:s31+$0x1B0]  }
0xc3: {  	v8 =	vld [tilespmem:s31+$0x1C0]  }
0xc4: {  	v9 =	vld [tilespmem:s31+$0x1E0];
	_ =	sdelay $0x1  }
0xc5: {  	v2 =	vmul.f32 v1, v2;
	v6 =	vmul.f32 v1, v6  }
0xc6: {  	s2 =	sadd.s32 $0xFFFFFFF9, s1;
	v3 =	vmul.f32 v1, v3;
	v7 =	vmul.f32 v1, v7  }
0xc7: {  	v10 =	vmov s2;
	v4 =	vmul.f32 v1, v4;
	[tilespmem:s31+$0x180] =	vst v2;
	v2 =	vmul.f32 v1, v8  }
0xc8: {  	v8 =	vand.u32 $0xFFFFFFF8, v10;
	[tilespmem:s31+$0x190] =	vst v6;
	v6 =	vmul.f32 v1, v9;
	v1 =	vmul.f32 v1, v5  }
0xc9: {  	v5 =	vbroadcast v8, $0x0;
	[tilespmem:s31+$0x1A0] =	vst v3  }
0xca: {  	[tilespmem:s31+$0x1F0] =	vst v1  }
0xcb: {  	v1 =	vld [tilespmem:s29+$0xFFFFFE50];
	[tilespmem:s31+$0x1D0] =	vst v4  }
0xcc: {  	v3 =	vld [tilespmem:s29+$0xFFFFFE30];
	[tilespmem:s31+$0x1B0] =	vst v7  }
0xcd: {  	v4 =	vld [tilespmem:s29+$0xFFFFFE60];
	[tilespmem:s31+$0x1E0] =	vst v6  }
0xce: {  	v6 =	vld [tilespmem:s29+$0xFFFFFE70];
	[tilespmem:s31+$0x1C0] =	vst v2;
	s31 =	smov.u32 s29  }
0xcf: {  	v2 =	vld.idx.msk [tilespmem:v5+s28+$0x0], $0xffff  }
0xd0: {  	v5 =	vld [tilespmem:s29+$0xFFFFFE00]  }
0xd1: {  	v7 =	vld [tilespmem:s29+$0xFFFFFE20]  }
0xd2: {  	v8 =	vld [tilespmem:s29+$0xFFFFFE10]  }
0xd3: {  	v9 =	vld [tilespmem:s29+$0xFFFFFE40];
	_ =	sdelay $0x1  }
0xd4: {  	v6 =	vmul.f32 v2, v6;
	v5 =	vmul.f32 v2, v5  }
0xd5: {  	s2 =	sadd.s32 $0xFFFFFFFA, s1;
	v4 =	vmul.f32 v2, v4;
	v7 =	vmul.f32 v2, v7  }
0xd6: {  	v3 =	vmul.f32 v2, v3;
	v8 =	vmul.f32 v2, v8;
	[tilespmem:s29+$0xFFFFFE70] =	vst v6;
	v6 =	vmov s2  }
0xd7: {  	v1 =	vmul.f32 v2, v1;
	[tilespmem:s29+$0xFFFFFE00] =	vst v5;
	v5 =	vmul.f32 v2, v9;
	v2 =	vand.u32 $0xFFFFFFF9, v6  }
0xd8: {  	[tilespmem:s29+$0xFFFFFE20] =	vst v7;
	v2 =	vbroadcast v2, $0x0  }
0xd9: {  	[tilespmem:s29+$0xFFFFFE30] =	vst v3  }
0xda: {  	[tilespmem:s29+$0xFFFFFE50] =	vst v1;
	v1 =	vld [tilespmem:s29+$0xFFFFFEF0]  }
0xdb: {  	[tilespmem:s29+$0xFFFFFE10] =	vst v8;
	v3 =	vld [tilespmem:s29+$0xFFFFFED0]  }
0xdc: {  	[tilespmem:s29+$0xFFFFFE60] =	vst v4;
	v4 =	vld [tilespmem:s29+$0xFFFFFEB0]  }
0xdd: {  	[tilespmem:s29+$0xFFFFFE40] =	vst v5;
	v5 =	vld [tilespmem:s29+$0xFFFFFEC0]  }
0xde: {  	v2 =	vld.idx.msk [tilespmem:v2+s28+$0x0], $0xffff  }
0xdf: {  	v6 =	vld [tilespmem:s29+$0xFFFFFE90]  }
0xe0: {  	v7 =	vld [tilespmem:s29+$0xFFFFFE80]  }
0xe1: {  	v8 =	vld [tilespmem:s29+$0xFFFFFEA0]  }
0xe2: {  	v9 =	vld [tilespmem:s29+$0xFFFFFEE0];
	_ =	sdelay $0x1  }
0xe3: {  	v5 =	vmul.f32 v2, v5;
	v6 =	vmul.f32 v2, v6  }
0xe4: {  	s2 =	sadd.s32 $0xFFFFFFFB, s1;
	v4 =	vmul.f32 v2, v4;
	v7 =	vmul.f32 v2, v7  }
0xe5: {  	v3 =	vmul.f32 v2, v3;
	[tilespmem:s29+$0xFFFFFE90] =	vst v6;
	v6 =	vmul.f32 v2, v8;
	v8 =	vmov s2  }
0xe6: {  	v1 =	vmul.f32 v2, v1;
	[tilespmem:s29+$0xFFFFFEC0] =	vst v5;
	v5 =	vmul.f32 v2, v9;
	v2 =	vand.u32 $0xFFFFFFFA, v8  }
0xe7: {  	[tilespmem:s29+$0xFFFFFE80] =	vst v7;
	v2 =	vbroadcast v2, $0x0  }
0xe8: {  	[tilespmem:s29+$0xFFFFFED0] =	vst v3  }
0xe9: {  	[tilespmem:s29+$0xFFFFFEE0] =	vst v5;
	v3 =	vld [tilespmem:s29+$0xFFFFFF70]  }
0xea: {  	[tilespmem:s29+$0xFFFFFEB0] =	vst v4;
	v4 =	vld [tilespmem:s29+$0xFFFFFF50]  }
0xeb: {  	[tilespmem:s29+$0xFFFFFEF0] =	vst v1;
	v1 =	vld [tilespmem:s29+$0xFFFFFF20]  }
0xec: {  	[tilespmem:s29+$0xFFFFFEA0] =	vst v6;
	v5 =	vld [tilespmem:s29+$0xFFFFFF60]  }
0xed: {  	v2 =	vld.idx.msk [tilespmem:v2+s28+$0x0], $0xffff  }
0xee: {  	v6 =	vld [tilespmem:s29+$0xFFFFFF00]  }
0xef: {  	v7 =	vld [tilespmem:s29+$0xFFFFFF10]  }
0xf0: {  	v8 =	vld [tilespmem:s29+$0xFFFFFF40]  }
0xf1: {  	v9 =	vld [tilespmem:s29+$0xFFFFFF30];
	_ =	sdelay $0x1  }
0xf2: {  	v5 =	vmul.f32 v2, v5;
	v6 =	vmul.f32 v2, v6  }
0xf3: {  	s2 =	sadd.s32 $0xFFFFFFFC, s1;
	v1 =	vmul.f32 v2, v1;
	v7 =	vmul.f32 v2, v7  }
0xf4: {  	v4 =	vmul.f32 v2, v4;
	[tilespmem:s29+$0xFFFFFF00] =	vst v6;
	v6 =	vmul.f32 v2, v8;
	v8 =	vmov s2  }
0xf5: {  	v9 =	vmul.f32 v2, v9;
	[tilespmem:s29+$0xFFFFFF60] =	vst v5;
	v2 =	vmul.f32 v2, v3;
	v3 =	vand.u32 $0xFFFFFFFB, v8  }
0xf6: {  	[tilespmem:s29+$0xFFFFFF10] =	vst v7;
	v3 =	vbroadcast v3, $0x0  }
0xf7: {  	[tilespmem:s29+$0xFFFFFF50] =	vst v4  }
0xf8: {  	[tilespmem:s29+$0xFFFFFF70] =	vst v2;
	v2 =	vld [tilespmem:s29+$0xFFFFFFF0]  }
0xf9: {  	[tilespmem:s29+$0xFFFFFF20] =	vst v1;
	v1 =	vld [tilespmem:s29+$0xFFFFFFD0]  }
0xfa: {  	[tilespmem:s29+$0xFFFFFF30] =	vst v9;
	v4 =	vld [tilespmem:s29+$0xFFFFFF90]  }
0xfb: {  	[tilespmem:s29+$0xFFFFFF40] =	vst v6;
	v5 =	vld [tilespmem:s29+$0xFFFFFFE0]  }
0xfc: {  	v3 =	vld.idx.msk [tilespmem:v3+s28+$0x0], $0xffff  }
0xfd: {  	v6 =	vld [tilespmem:s29+$0xFFFFFFB0]  }
0xfe: {  	v7 =	vld [tilespmem:s29+$0xFFFFFF80]  }
0xff: {  	v8 =	vld [tilespmem:s29+$0xFFFFFFC0]  }
0x100: {  	v9 =	vld [tilespmem:s29+$0xFFFFFFA0];
	_ =	sdelay $0x1  }
0x101: {  	v5 =	vmul.f32 v3, v5;
	v6 =	vmul.f32 v3, v6  }
0x102: {  	s2 =	sadd.s32 $0xFFFFFFFD, s1;
	v4 =	vmul.f32 v3, v4;
	v7 =	vmul.f32 v3, v7  }
0x103: {  	v1 =	vmul.f32 v3, v1;
	[tilespmem:s29+$0xFFFFFFB0] =	vst v6;
	v6 =	vmul.f32 v3, v8;
	v8 =	vmov s2  }
0x104: {  	v2 =	vmul.f32 v3, v2;
	v9 =	vmul.f32 v3, v9;
	[tilespmem:s29+$0xFFFFFFE0] =	vst v5;
	v3 =	vand.u32 $0xFFFFFFFC, v8  }
0x105: {  	[tilespmem:s29+$0xFFFFFF80] =	vst v7;
	v5 =	vbroadcast v3, $0x0  }
0x106: {  	[tilespmem:s29+$0xFFFFFFD0] =	vst v1  }
0x107: {  	[tilespmem:s29+$0xFFFFFFF0] =	vst v2;
	v8 =	vld [tilespmem:s29+$0x0]  }
0x108: {  	[tilespmem:s29+$0xFFFFFFA0] =	vst v9;
	v1 =	vld [tilespmem:s29+$0x70]  }
0x109: {  	[tilespmem:s29+$0xFFFFFF90] =	vst v4;
	v3 =	vld [tilespmem:s29+$0x50]  }
0x10a: {  	[tilespmem:s29+$0xFFFFFFC0] =	vst v6;
	v7 =	vld [tilespmem:s29+$0x20]  }
0x10b: {  	v2 =	vld.idx.msk [tilespmem:v5+s28+$0x0], $0xffff  }
0x10c: {  	v10 =	vld [tilespmem:s29+$0x40]  }
.Ltmp1:
0x10d: {  	v6 =	vld [tilespmem:s29+$0x30];
	(pc) =	sbr.rel @p2 .LBB2_5-.Ltmp1, $3  }
0x10e: {  	v4 =	vld [tilespmem:s29+$0x10]  }
0x10f: {  	v5 =	vld [tilespmem:s29+$0x60];
	_ =	sdelay $0x1  }
0x110: {  	v9 =	vmul.f32 v2, v8;
	v8 =	vmul.f32 v2, v10  }
0x111: {  	s2 =	sadd.s32 $0xFFFFFFFE, s1  }
0x112: {  	v7 =	vmul.f32 v2, v7;
	[tilespmem:s31+$0x0] =	vst v9;
	v37 =	vmov s2  }
0x113: {  	v3 =	vmul.f32 v2, v3;
	[tilespmem:s31+$0x40] =	vst v8;
	v38 =	vand.u32 $0xFFFFFFFD, v37  }
0x114: {  	v1 =	vmul.f32 v2, v1;
	[tilespmem:s31+$0x20] =	vst v7;
	v39 =	vbroadcast v38, $0x0  }
0x115: {  	v6 =	vmul.f32 v2, v6;
	[tilespmem:s31+$0x50] =	vst v3  }
0x116: {  	v3 =	vmul.f32 v2, v5;
	[tilespmem:s31+$0x70] =	vst v1  }
0x117: {  	v1 =	vmul.f32 v2, v4;
	[tilespmem:s31+$0x30] =	vst v6  }
0x118: {  	[tilespmem:s31+$0x60] =	vst v3  }
0x119: {  	v2 =	vld [tilespmem:s31+$0x80];
	[tilespmem:s31+$0x10] =	vst v1  }
0x11a: {  	v1 =	vld.idx.msk [tilespmem:v39+s28+$0x0], $0xffff  }
0x11b: {  	v3 =	vld [tilespmem:s31+$0xA0]  }
0x11c: {  	v40 =	vld [tilespmem:s31+$0xD0]  }
0x11d: {  	v41 =	vld [tilespmem:s31+$0xC0]  }
0x11e: {  	v42 =	vld [tilespmem:s31+$0xF0]  }
0x11f: {  	v44 =	vld [tilespmem:s31+$0x90];
	v2 =	vmul.f32 v1, v2  }
0x120: {  	v43 =	vld [tilespmem:s31+$0xB0];
	s29 =	sadd.s32 $0xFFFFFFFF, s1;
	v3 =	vmul.f32 v1, v3  }
0x121: {  	v45 =	vld [tilespmem:s31+$0xE0];
	v46 =	vmov s29;
	[tilespmem:s31+$0x80] =	vst v2;
	v2 =	vmul.f32 v1, v40  }
0x122: {  	v5 =	vmul.f32 v1, v41;
	[tilespmem:s31+$0xA0] =	vst v3;
	v3 =	vand.u32 $0xFFFFFFFE, v46  }
0x123: {  	v47 =	vmul.f32 v1, v42;
	[tilespmem:s31+$0xD0] =	vst v2;
	v2 =	vbroadcast v3, $0x0  }
0x124: {  	v48 =	vmul.f32 v1, v44;
	[tilespmem:s31+$0xC0] =	vst v5  }
0x125: {  	[tilespmem:s31+$0xF0] =	vst v47;
	v3 =	vmul.f32 v1, v43  }
0x126: {  	[tilespmem:s31+$0x90] =	vst v48;
	v1 =	vmul.f32 v1, v45  }
0x127: {  	[tilespmem:s31+$0xB0] =	vst v3  }
0x128: {  	v3 =	vld [tilespmem:s31+$0x100];
	[tilespmem:s31+$0xE0] =	vst v1  }
0x129: {  	v1 =	vld.idx.msk [tilespmem:v2+s28+$0x0], $0xffff  }
0x12a: {  	v2 =	vld [tilespmem:s31+$0x120]  }
0x12b: {  	v49 =	vld [tilespmem:s31+$0x130]  }
0x12c: {  	v50 =	vld [tilespmem:s31+$0x140]  }
0x12d: {  	v52 =	vld [tilespmem:s31+$0x110]  }
0x12e: {  	v53 =	vld [tilespmem:s31+$0x150];
	v3 =	vmul.f32 v1, v3  }
0x12f: {  	v51 =	vld [tilespmem:s31+$0x160];
	v2 =	vmul.f32 v1, v2  }
0x130: {  	v54 =	vld [tilespmem:s31+$0x170];
	v4 =	vmul.f32 v1, v49;
	[tilespmem:s31+$0x100] =	vst v3  }
0x131: {  	v3 =	vmul.f32 v1, v50;
	[tilespmem:s31+$0x120] =	vst v2  }
0x132: {  	v55 =	vmul.f32 v1, v52;
	[tilespmem:s31+$0x130] =	vst v4  }
0x133: {  	v56 =	vmul.f32 v1, v53;
	[tilespmem:s31+$0x140] =	vst v3;
	v3 =	vmov s1  }
0x134: {  	v2 =	vmul.f32 v1, v51;
	[tilespmem:s31+$0x110] =	vst v55  }
0x135: {  	v1 =	vmul.f32 v1, v54;
	[tilespmem:s31+$0x150] =	vst v56  }
0x136: {  	[tilespmem:s31+$0x160] =	vst v2  }
0x137: {  	v2 =	vld [tilespmem:s31+$0x180];
	[tilespmem:s31+$0x170] =	vst v1  }
0x138: {  	v1 =	vld.idx.msk [tilespmem:v3+s28+$0x0], $0xffff  }
0x139: {  	v3 =	vld [tilespmem:s31+$0x190]  }
0x13a: {  	v57 =	vld [tilespmem:s31+$0x1A0]  }
0x13b: {  	v60 =	vld [tilespmem:s31+$0x1B0]  }
0x13c: {  	v58 =	vld [tilespmem:s31+$0x1F0]  }
0x13d: {  	v59 =	vld [tilespmem:s31+$0x1D0];
	v2 =	vmul.f32 v1, v2  }
0x13e: {  	v61 =	vld [tilespmem:s31+$0x1E0];
	v3 =	vmul.f32 v1, v3  }
0x13f: {  	v62 =	vld [tilespmem:s31+$0x1C0];
	v4 =	vmul.f32 v1, v57;
	[tilespmem:s31+$0x180] =	vst v2  }
0x140: {  	v63 =	vmul.f32 v1, v60;
	[tilespmem:s31+$0x190] =	vst v3  }
0x141: {  	v2 =	vmul.f32 v1, v58;
	[tilespmem:s31+$0x1A0] =	vst v4  }
0x142: {  	p2 =	sne.s32 s25, $0x7D;
	v3 =	vmul.f32 v1, v59;
	[tilespmem:s31+$0x1B0] =	vst v63  }
.Ltmp2:
0x143: {  	[tilespmem:s31+$0x1F0] =	vst v2;
	v2 =	vmul.f32 v1, v61;
	(pc) =	sbr.rel @p2 .LBB2_4-.Ltmp2, $4  }
0x144: {  	[tilespmem:s31+$0x1D0] =	vst v3;
	v1 =	vmul.f32 v1, v62  }
0x145: {  	[tilespmem:s31+$0x1E0] =	vst v2  }
0x146: {  	p1 =	por !p1, !p1;
	[tilespmem:s31+$0x1C0] =	vst v1;
	s31 =	sadd.s32 $0x80, s26  }
0x147: {  	[spmem:s3] =	stream.indirect.scatter.add.f32 [tilespmem:s30], [sflag:$0x4], $0x80, s31, s19, $0xb8;
	[tilespmem:$0x1D080] =	vst v63  }
0x148: {  	_ =	swait.ge [sflag:s22], $0x2800  }
0x149: {  	[sflag:s22] =	ssyncset.done $0x0  }
0x14a: {  	[sflag:s22] =	ssyncadd.s32 $0xFFFFD800  }
0x14b: {  	_ =	swait.ge [sflag:s22], $0x2800  }
0x14c: {  	[sflag:s22] =	ssyncset.done $0x0  }
0x14d: {  	[sflag:s22] =	ssyncadd.s32 $0xFFFFD800  }
0x14e: {  	s1 =	simm.s32 @p0 $0x1FC5;
	[bflag:$0x0] =	sbarrier.arrive $0xFFFF  }
0x14f: {  	[hbm:s10], [sflag:s1] =	dma.local @p0 [spmem:s23], $0x2080  }
0x150: {  	s1 =	simm.s32 @p0 $0x5  }
0x151: {  	s2 =	stileid.u32;
	_ =	swait.ge @p0 [sflag:s1], $0x2080  }
0x152: {  	s4 =	sadd.s32 $0x1, s4;
	s2 =	sshll.u32 @!p0 s2, $0x6;
	[sflag:s1] =	ssyncset.done @p0 $0x0  }
0x153: {  	p1 =	sne.s32 s4, s12;
	[sflag:s1] =	ssyncadd.s32 @p0 $0xFFFFDF80;
	s1 =	sor.u32 @!p0 $0x1C05, s2  }
0x154: {  	[hbm:s9], [sflag:s1] =	dma.local @!p0 [spmem:s24], $0x2780  }
.Ltmp3:
0x155: {  	_ = 	snop;
	(pc) =	sbr.rel @p1 .LBB2_1-.Ltmp3, $4  }
0x156: {  	s1 =	simm.s32 @!p0 $0x5  }
0x157: {  	_ =	swait.ge @!p0 [sflag:s1], $0x2780  }
0x158: {  	[sflag:s1] =	ssyncset.done @!p0 $0x0  }
0x159: {  	[sflag:s1] =	ssyncadd.s32 @!p0 $0xFFFFD880  }
0x15a: {  	_ =	sfence.sel $0x180000  }
0x15b: {  	[bflag:$0x0] =	sbarrier.arrive $0xFFFF  }
0x15c: {  	_ =	strace $0x90000047  }
0x15d: {  	s0 =	stileid.u32;
	[bflag:$0x2] =	sbarrier.arrive $0xFFFF  }
0x15e: {  	p0 =	sne.s32 s0, $0x0;
	s0 =	rddreg [dreg:$0x3]  }
0x15f: {  	s0 =	sadd.s32 @!p0 $0x100000, s0  }
0x160: {  	[sflag:s0] =	ssyncadd.tile.s32 @!p0 $0x1;
	_ =	shalt  }
.Lfunc_end2:
_tile_overlayer_lowered:
.L_overlay_start_2:
0x161: {  	(tag) =	ssettag $0x2  }
0x162: {  	s0 =	rddreg [dreg:$0x0];
	s2 =	stileid.u32  }
0x163: {  	s1 =	rddreg [dreg:$0x1];
	p0 =	sne.s32 s2, $0x0  }
0x164: {  	s3 =	rddreg [dreg:$0x2];
	[bflag:$0x3] =	sbarrier.arrive $0xFFFF;
	s2 =	simm.s32 @!p0 $0x1C05  }
0x165: {  	[timem:s3], [sflag:s2] =	dma.local @!p0 [hbm:s0], s1  }
0x166: {  	s0 =	simm.s32 @!p0 $0x5  }
0x167: {  	_ =	swait.ge @!p0 [sflag:s0], s1  }
0x168: {  	s1 =	ssub.s32 @!p0 $0x0, s1;
	[sflag:s0] =	ssyncset.done @!p0 $0x0  }
0x169: {  	[sflag:s0] =	ssyncadd.s32 @!p0 s1  }
0x16a: {  	[bflag:$0x3] =	sbarrier.arrive $0xFFFF  }
0x16b: {  	_ =	shalt  }

</sc_bundles>
